<compile_context>
chip_gen: v7x
topology: tpu7x:2x2x1
jax: 0.10.2.dev20260603
libtpu: 0.0.44.dev20260713+nightly
codegen_flags: <defaults>
</compile_context>

<pallas_src>
import functools

import jax
import jax.numpy as jnp
from jax import lax
from jax.experimental import pallas as pl
from jax.experimental.pallas import tpu as pltpu
from jax.experimental.pallas import tpu_sc as plsc

NC = 2
NS = 16
NW = NC * NS

f32 = jnp.float32
i32 = jnp.int32


def _chunking(E, max_ch=128):
    ept = E // NW
    assert ept * NW == E
    for ch in range(max_ch, 0, -1):
        if ept % ch == 0 and (ept // ch) % 8 == 0:
            return ch, ept // ch
    raise ValueError(E)


def _sc_mesh():
    return plsc.VectorSubcoreMesh(
        core_axis_name="c", subcore_axis_name="s", num_cores=NC, num_subcores=NS
    )


def _pad_rows(N):
    q = NS * 64
    return ((N + q - 1) // q) * q




GR = 8
ZC = 80




@functools.cache
def _make_scatter_kernel(N, E, D):
    CH, NCHUNK = _chunking(E)
    NP = _pad_rows(N)
    RPT = NP // NS
    assert D % 16 == 0
    assert RPT % ZC == 0 and NCHUNK % GR == 0

    @functools.partial(
        pl.kernel,
        mesh=_sc_mesh(),
        out_type=jax.ShapeDtypeStruct((NC, NP, D), f32),
        scratch_types=[
            pltpu.VMEM((GR, CH), i32),
            pltpu.VMEM((GR, CH), i32),
            pltpu.VMEM((CH, D), f32),
            pltpu.VMEM((CH, D), f32),
            pltpu.VMEM_SHARED((NP, D), f32),
            pltpu.SemaphoreType.DMA,
            pltpu.SemaphoreType.DMA,
        ],
    )
    def scatter_kernel(x_hbm, src_hbm, dst_hbm, zeros_hbm, out_hbm, src_v,
                       dst_v, rows_a, rows_b, acc_sh, sem_a, sem_b):
        c = lax.axis_index("c")
        s = lax.axis_index("s")
        wid = c * NS + s

        def zstripe(k, _):
            pltpu.sync_copy(zeros_hbm.at[pl.ds(0, ZC)],
                            acc_sh.at[pl.ds(s * RPT + k * ZC, ZC)])
            return 0

        lax.fori_loop(0, RPT // ZC, zstripe, 0)
        plsc.subcore_barrier()

        pltpu.sync_copy(src_hbm.at[pl.ds(wid * NCHUNK, GR)], src_v)
        pltpu.sync_copy(dst_hbm.at[pl.ds(wid * NCHUNK, GR)], dst_v)
        pltpu.async_copy(x_hbm.at[src_v.at[0]], rows_a, sem_a)

        def outer(g, _):
            j = g * 2
            ja = j % GR
            jb = ja + 1
            more = j + 2 < NCHUNK
            wrap = jnp.logical_and(more, jb == GR - 1)

            pltpu.make_async_copy(x_hbm.at[src_v.at[ja]], rows_a, sem_a).wait()
            pltpu.async_copy(x_hbm.at[src_v.at[jb]], rows_b, sem_b)
            pltpu.sync_copy(rows_a, acc_sh.at[dst_v.at[ja]], add=True)

            pltpu.make_async_copy(x_hbm.at[src_v.at[jb]], rows_b, sem_b).wait()

            @pl.when(wrap)
            def _refresh_src():
                off = pl.multiple_of(wid * NCHUNK + j + 2, GR)
                pltpu.sync_copy(src_hbm.at[pl.ds(off, GR)], src_v)

            @pl.when(more)
            def _start_next():
                pltpu.async_copy(x_hbm.at[src_v.at[(j + 2) % GR]], rows_a,
                                 sem_a)

            pltpu.sync_copy(rows_b, acc_sh.at[dst_v.at[jb]], add=True)

            @pl.when(wrap)
            def _refresh_dst():
                off = pl.multiple_of(wid * NCHUNK + j + 2, GR)
                pltpu.sync_copy(dst_hbm.at[pl.ds(off, GR)], dst_v)

            return 0

        lax.fori_loop(0, NCHUNK // 2, outer, 0)
        plsc.subcore_barrier()

        pltpu.sync_copy(acc_sh.at[pl.ds(s * RPT, RPT)],
                        out_hbm.at[c, pl.ds(s * RPT, RPT)])

    return scatter_kernel




def _stage_a(feats, W1, odp, idp):
    N, D = feats.shape
    H = W1.shape[1]

    def body(f_ref, w_ref, od_ref, id_ref, y1_ref, ns_ref, nd_ref):
        od = od_ref[0, 0:N, 0:1] + od_ref[1, 0:N, 0:1]
        ind = id_ref[0, 0:N, 0:1] + id_ref[1, 0:N, 0:1]
        ns = lax.rsqrt(jnp.maximum(od, 1.0))
        nd = lax.rsqrt(jnp.maximum(ind, 1.0))
        z = jnp.dot(f_ref[...], w_ref[...], preferred_element_type=f32)
        y1_ref[...] = z * ns
        ns_ref[...] = ns
        nd_ref[...] = nd

    return pl.pallas_call(
        body,
        out_shape=(
            jax.ShapeDtypeStruct((N, H), f32),
            jax.ShapeDtypeStruct((N, 1), f32),
            jax.ShapeDtypeStruct((N, 1), f32),
        ),
    )(feats, W1, odp, idp)


def _stage_b(aggp, nd, b1, W2, ns):
    _, _, H = aggp.shape
    N = nd.shape[0]

    def body(a_ref, nd_ref, b_ref, w_ref, ns_ref, h1_ref, y2_ref):
        agg = a_ref[0, 0:N] + a_ref[1, 0:N]
        h1 = jnp.maximum(agg * nd_ref[...] + b_ref[...], 0.0)
        h1_ref[...] = h1
        y2_ref[...] = jnp.dot(h1, w_ref[...], preferred_element_type=f32) * ns_ref[...]

    return pl.pallas_call(
        body,
        out_shape=(
            jax.ShapeDtypeStruct((N, H), f32),
            jax.ShapeDtypeStruct((N, W2.shape[1]), f32),
        ),
    )(aggp, nd, b1, W2, ns)


def _stage_c(aggp, nd, b2, h1, w_top, w_bot):
    N = nd.shape[0]
    O = w_top.shape[1]

    def body(a_ref, nd_ref, b_ref, h1_ref, wt_ref, wb_ref, g_ref):
        h2 = jnp.maximum((a_ref[0, 0:N] + a_ref[1, 0:N]) * nd_ref[...] + b_ref[...], 0.0)
        g_ref[...] = jnp.dot(h1_ref[...], wt_ref[...], preferred_element_type=f32) + jnp.dot(
            h2, wb_ref[...], preferred_element_type=f32)

    return pl.pallas_call(
        body,
        out_shape=jax.ShapeDtypeStruct((N, O), f32),
    )(aggp, nd, b2, h1, w_top, w_bot)


def _stage_d(jp, bout, N):
    O = jp.shape[2]

    def body(j_ref, b_ref, o_ref):
        o_ref[...] = j_ref[0, 0:N] + j_ref[1, 0:N] + b_ref[...]

    return pl.pallas_call(
        body,
        out_shape=jax.ShapeDtypeStruct((N, O), f32),
    )(jp, bout)




def kernel(feats, edge_index, W1, b1, W2, b2, Wout, bout):
    N, D = feats.shape
    E = edge_index.shape[1]
    H = W1.shape[1]
    CH, NCHUNK = _chunking(E)

    src = edge_index[0].reshape(NW * NCHUNK, CH)
    dst = edge_index[1].reshape(NW * NCHUNK, CH)

    scat_h = _make_scatter_kernel(N, E, H)

    zerosH = jnp.zeros((ZC, H), f32)
    onesN = jnp.ones((N, H), f32)
    odp = scat_h(onesN, src, src, zerosH)
    idp = scat_h(onesN, dst, dst, zerosH)
    y1, ns, nd = _stage_a(feats, W1, odp, idp)
    agg1 = scat_h(y1, src, dst, zerosH)
    h1, y2 = _stage_b(agg1, nd, b1.reshape(1, H), W2, ns)
    agg2 = scat_h(y2, src, dst, zerosH)
    g = _stage_c(agg2, nd, b2.reshape(1, H), h1, Wout[:H], Wout[H:])
    jp = scat_h(g, src, dst, zerosH)
    return _stage_d(jp, bout.reshape(1, -1), N)

# --- scband reference (transcript-rebuilt; emitter-appended) ---
"""Pipeline reference for scband-jknet-31671088840810 (READ-ONLY COPY).

The authoritative reference and input builder live on the scoring server;
editing this copy changes nothing except your own understanding.
"""

import jax, jax.numpy as jnp
import numpy as np

N = 10000
E = 320000
D = 128
H = 128
O = 128


def setup_inputs(seed: int = 0) -> dict:
    key = jax.random.key(seed)
    ks = jax.random.split(key, 9)
    feats = jax.random.normal(ks[0], (N, D), dtype=jnp.float32)
    edge_index = jax.random.randint(ks[1], (2, E), 0, N).astype(jnp.int32)
    s = 0.05
    W1 = jax.random.normal(ks[2], (D, H), dtype=jnp.float32) * s
    b1 = jnp.zeros((H,), dtype=jnp.float32)
    W2 = jax.random.normal(ks[3], (H, H), dtype=jnp.float32) * s
    b2 = jnp.zeros((H,), dtype=jnp.float32)
    # mode='cat' with num_layers=1 -> 2 GraphConv layers -> jump dim = 2*H
    Wout = jax.random.normal(ks[4], (2 * H, O), dtype=jnp.float32) * s
    bout = jnp.zeros((O,), dtype=jnp.float32)
    return {"feats": feats, "edge_index": edge_index, "W1": W1, "b1": b1,
            "W2": W2, "b2": b2, "Wout": Wout, "bout": bout}


def _graph_conv(h, W, b, src, dst, n):
    # DGL GraphConv with norm='both', activation=relu
    out_deg = jnp.zeros((n,), h.dtype).at[src].add(1.0)
    in_deg = jnp.zeros((n,), h.dtype).at[dst].add(1.0)
    norm_src = jax.lax.rsqrt(jnp.clip(out_deg, 1.0))
    norm_dst = jax.lax.rsqrt(jnp.clip(in_deg, 1.0))
    h = h @ W
    h = h * norm_src[:, None]
    agg = jnp.zeros((n, W.shape[1]), h.dtype).at[dst].add(h[src])
    agg = agg * norm_dst[:, None]
    return jax.nn.relu(agg + b)


def reference(feats, edge_index, W1, b1, W2, b2, Wout, bout):
    n = feats.shape[0]
    src = edge_index[0]
    dst = edge_index[1]
    # layer stack (dropout p=0.0 is identity)
    h1 = _graph_conv(feats, W1, b1, src, dst, n)
    h2 = _graph_conv(h1, W2, b2, src, dst, n)
    # JumpingKnowledge mode='cat'
    h = jnp.concatenate([h1, h2], axis=1)
    # g.update_all(copy_u, sum): unnormalized scatter-add aggregation
    h = jnp.zeros_like(h).at[dst].add(h[src])
    # output linear
    return h @ Wout + bout

if __name__ == "__main__":
    import jax
    _d = setup_inputs()
    print(jax.jit(kernel)(*tuple(_d.values())))

</pallas_src>

<mosaic_0001>
#map = affine_map<(d0, d1) -> (0, 0)>
#map1 = affine_map<(d0, d1) -> (0, 0, 0)>
module attributes {stable_mosaic.version = 14 : i64} {
  func.func @scatter_kernel(%arg0: i32, %arg1: i32, %arg2: memref<10000x128xf32, #tpu.memory_space<hbm>>, %arg3: memref<2560x125xi32, #tpu.memory_space<hbm>>, %arg4: memref<2560x125xi32, #tpu.memory_space<hbm>>, %arg5: memref<80x128xf32, #tpu.memory_space<hbm>>, %arg6: memref<2x10240x128xf32, #tpu.memory_space<hbm>>, %arg7: memref<8x125xi32, #tpu.memory_space<vmem>>, %arg8: memref<8x125xi32, #tpu.memory_space<vmem>>, %arg9: memref<125x128xf32, #tpu.memory_space<vmem>>, %arg10: memref<125x128xf32, #tpu.memory_space<vmem>>, %arg11: memref<10240x128xf32, #tpu.memory_space<vmem_shared>>, %arg12: memref<!tpu.dma_semaphore, #tpu.memory_space<semaphore_mem>>, %arg13: memref<!tpu.dma_semaphore, #tpu.memory_space<semaphore_mem>>) attributes {dimension_semantics = [#tpu.dimension_semantics<core_parallel>, #tpu.dimension_semantics<subcore_parallel>], iteration_bounds = array<i64: 2, 16>, scalar_prefetch = 0 : i64, scratch_operands = 7 : i64, tpu.core_type = #tpu.core_type<sc_vector_subcore>, window_params = [{transform_indices = #map}, {transform_indices = #map}, {transform_indices = #map}, {transform_indices = #map}, {transform_indices = #map1}]} {
    %mul3A = arith.constant 16 : i32
    %mul3A_0 = arith.muli %arg0, %mul3A : i32
    %add3A = arith.addi %mul3A_0, %arg1 : i32
    %scan3A = arith.constant 0 : i32
    %scan3A_1 = arith.constant 0 : i32
    %scan3A_2 = arith.constant 8 : i32
    %scan3A_3 = arith.addi %scan3A_1, %scan3A_2 : i32
    %scan3A_4 = arith.constant 1 : i32
    %scan3A_5 = scf.for %scan3A_29 = %scan3A_1 to %scan3A_3 step %scan3A_4 iter_args(%scan3A_30 = %scan3A) -> (i32)  : i32 {
      %mul3A_31 = arith.constant 640 : i32
      %mul3A_32 = arith.muli %arg1, %mul3A_31 : i32
      %mul3A_33 = arith.constant 80 : i32
      %mul3A_34 = arith.muli %scan3A_29, %mul3A_33 : i32
      %add3A_35 = arith.addi %mul3A_32, %mul3A_34 : i32
      "tpu.region"() ({
        %run_scoped3A = tpu.sem_alloc : memref<!tpu.dma_semaphore, #tpu.memory_space<semaphore_mem>>
        %dma_start3A_37 = arith.constant 0 : i32
        %dma_start3A_38 = tpu.memref_slice %arg11[%add3A_35, %dma_start3A_37] : memref<10240x128xf32, #tpu.memory_space<vmem_shared>> -> memref<80x128xf32, #tpu.memory_space<vmem_shared>>
        %dma_start3A_39 = arith.constant 0 : i32
        %dma_start3A_40 = arith.constant 0 : i32
        %dma_start3A_41 = tpu.memref_slice %arg5[%dma_start3A_39, %dma_start3A_40] : memref<80x128xf32, #tpu.memory_space<hbm>> -> memref<80x128xf32, #tpu.memory_space<hbm>>
        tpu.enqueue_dma source(%dma_start3A_41 : memref<80x128xf32, #tpu.memory_space<hbm>>) target(%dma_start3A_38 : memref<80x128xf32, #tpu.memory_space<vmem_shared>>) target_semaphore(%run_scoped3A : memref<!tpu.dma_semaphore, #tpu.memory_space<semaphore_mem>>)
        %dma_wait3A = arith.constant 0 : i32
        %dma_wait3A_42 = tpu.memref_slice %arg11[%add3A_35, %dma_wait3A] : memref<10240x128xf32, #tpu.memory_space<vmem_shared>> -> memref<80x128xf32, #tpu.memory_space<vmem_shared>>
        %dma_wait3A_43 = arith.constant 0 : i32
        %dma_wait3A_44 = arith.constant 0 : i32
        %dma_wait3A_45 = tpu.memref_slice %arg5[%dma_wait3A_43, %dma_wait3A_44] : memref<80x128xf32, #tpu.memory_space<hbm>> -> memref<80x128xf32, #tpu.memory_space<hbm>>
        tpu.wait_dma2 semaphore(%run_scoped3A : memref<!tpu.dma_semaphore, #tpu.memory_space<semaphore_mem>>) src(%dma_wait3A_45 : memref<80x128xf32, #tpu.memory_space<hbm>>) dst(%dma_wait3A_42 : memref<80x128xf32, #tpu.memory_space<vmem_shared>>)
        tpu.yield
      }) : () -> ()
      %scan3A_36 = arith.constant 0 : i32
      scf.yield %scan3A_36 : i32
    }
    %scan3A_6 = arith.constant 8 : i32
    %barrier3A = arith.constant 0 : index
    tpu.barrier barrier_id(%barrier3A)
    %mul3A_7 = arith.constant 80 : i32
    %mul3A_8 = arith.muli %add3A, %mul3A_7 : i32
    "tpu.region"() ({
      %run_scoped3A = tpu.sem_alloc : memref<!tpu.dma_semaphore, #tpu.memory_space<semaphore_mem>>
      %dma_start3A_29 = arith.constant 0 : i32
      %dma_start3A_30 = tpu.memref_slice %arg3[%mul3A_8, %dma_start3A_29] : memref<2560x125xi32, #tpu.memory_space<hbm>> -> memref<8x125xi32, #tpu.memory_space<hbm>>
      %dma_start3A_31 = arith.constant 0 : i32
      %dma_start3A_32 = tpu.memref_slice %arg3[%mul3A_8, %dma_start3A_31] : memref<2560x125xi32, #tpu.memory_space<hbm>> -> memref<8x125xi32, #tpu.memory_space<hbm>>
      tpu.enqueue_dma source(%dma_start3A_32 : memref<8x125xi32, #tpu.memory_space<hbm>>) target(%arg7 : memref<8x125xi32, #tpu.memory_space<vmem>>) target_semaphore(%run_scoped3A : memref<!tpu.dma_semaphore, #tpu.memory_space<semaphore_mem>>)
      %dma_wait3A = arith.constant 0 : i32
      %dma_wait3A_33 = tpu.memref_slice %arg3[%mul3A_8, %dma_wait3A] : memref<2560x125xi32, #tpu.memory_space<hbm>> -> memref<8x125xi32, #tpu.memory_space<hbm>>
      %dma_wait3A_34 = arith.constant 0 : i32
      %dma_wait3A_35 = tpu.memref_slice %arg3[%mul3A_8, %dma_wait3A_34] : memref<2560x125xi32, #tpu.memory_space<hbm>> -> memref<8x125xi32, #tpu.memory_space<hbm>>
      tpu.wait_dma2 semaphore(%run_scoped3A : memref<!tpu.dma_semaphore, #tpu.memory_space<semaphore_mem>>) src(%dma_wait3A_35 : memref<8x125xi32, #tpu.memory_space<hbm>>) dst(%arg7 : memref<8x125xi32, #tpu.memory_space<vmem>>)
      tpu.yield
    }) : () -> ()
    %mul3A_9 = arith.constant 80 : i32
    %mul3A_10 = arith.muli %add3A, %mul3A_9 : i32
    "tpu.region"() ({
      %run_scoped3A = tpu.sem_alloc : memref<!tpu.dma_semaphore, #tpu.memory_space<semaphore_mem>>
      %dma_start3A_29 = arith.constant 0 : i32
      %dma_start3A_30 = tpu.memref_slice %arg4[%mul3A_10, %dma_start3A_29] : memref<2560x125xi32, #tpu.memory_space<hbm>> -> memref<8x125xi32, #tpu.memory_space<hbm>>
      %dma_start3A_31 = arith.constant 0 : i32
      %dma_start3A_32 = tpu.memref_slice %arg4[%mul3A_10, %dma_start3A_31] : memref<2560x125xi32, #tpu.memory_space<hbm>> -> memref<8x125xi32, #tpu.memory_space<hbm>>
      tpu.enqueue_dma source(%dma_start3A_32 : memref<8x125xi32, #tpu.memory_space<hbm>>) target(%arg8 : memref<8x125xi32, #tpu.memory_space<vmem>>) target_semaphore(%run_scoped3A : memref<!tpu.dma_semaphore, #tpu.memory_space<semaphore_mem>>)
      %dma_wait3A = arith.constant 0 : i32
      %dma_wait3A_33 = tpu.memref_slice %arg4[%mul3A_10, %dma_wait3A] : memref<2560x125xi32, #tpu.memory_space<hbm>> -> memref<8x125xi32, #tpu.memory_space<hbm>>
      %dma_wait3A_34 = arith.constant 0 : i32
      %dma_wait3A_35 = tpu.memref_slice %arg4[%mul3A_10, %dma_wait3A_34] : memref<2560x125xi32, #tpu.memory_space<hbm>> -> memref<8x125xi32, #tpu.memory_space<hbm>>
      tpu.wait_dma2 semaphore(%run_scoped3A : memref<!tpu.dma_semaphore, #tpu.memory_space<semaphore_mem>>) src(%dma_wait3A_35 : memref<8x125xi32, #tpu.memory_space<hbm>>) dst(%arg8 : memref<8x125xi32, #tpu.memory_space<vmem>>)
      tpu.yield
    }) : () -> ()
    %dma_start3A = arith.constant 0 : i32
    %dma_start3A_11 = arith.constant 0 : i32
    %dma_start3A_12 = tpu.memref_slice %arg7[%dma_start3A, %dma_start3A_11] : memref<8x125xi32, #tpu.memory_space<vmem>> -> memref<1x125xi32, #tpu.memory_space<vmem>>
    %dma_start3A_13 = tpu.memref_squeeze %dma_start3A_12 : memref<1x125xi32, #tpu.memory_space<vmem>> -> memref<125xi32, #tpu.memory_space<vmem>>
    %dma_start3A_14 = arith.constant 0 : i32
    %dma_start3A_15 = arith.constant 0 : i32
    %dma_start3A_16 = tpu.memref_slice %arg2[%dma_start3A_14, %dma_start3A_15] : memref<10000x128xf32, #tpu.memory_space<hbm>> -> memref<10000x128xf32, #tpu.memory_space<hbm>>
    tpu.enqueue_indirect_dma source(%dma_start3A_16 : memref<10000x128xf32, #tpu.memory_space<hbm>>) target(%arg9 : memref<125x128xf32, #tpu.memory_space<vmem>>) offsets(%dma_start3A_13 : memref<125xi32, #tpu.memory_space<vmem>>) semaphore(%arg12 : memref<!tpu.dma_semaphore, #tpu.memory_space<semaphore_mem>>)
    %scan3A_17 = arith.constant 0 : i32
    %scan3A_18 = arith.constant 0 : i32
    %scan3A_19 = arith.constant 40 : i32
    %scan3A_20 = arith.addi %scan3A_18, %scan3A_19 : i32
    %scan3A_21 = arith.constant 1 : i32
    %scan3A_22 = scf.for %scan3A_29 = %scan3A_18 to %scan3A_20 step %scan3A_21 iter_args(%scan3A_30 = %scan3A_17) -> (i32)  : i32 {
      %mul3A_31 = arith.constant 2 : i32
      %mul3A_32 = arith.muli %scan3A_29, %mul3A_31 : i32
      %jit3A = arith.constant 8 : i32
      %eq3A = arith.constant 0 : i32
      %eq3A_33 = arith.cmpi eq, %jit3A, %eq3A : i32
      %jit3A_34 = arith.constant 1 : i32
      %select_n3A = arith.select %eq3A_33, %jit3A_34, %jit3A : i32
      %rem3A = arith.remsi %mul3A_32, %select_n3A : i32
      %ne3A = arith.constant 0 : i32
      %ne3A_35 = arith.cmpi ne, %rem3A, %ne3A : i32
      %lt3A = arith.constant 0 : i32
      %lt3A_36 = arith.cmpi slt, %rem3A, %lt3A : i32
      %lt3A_37 = arith.constant 0 : i32
      %lt3A_38 = arith.cmpi slt, %select_n3A, %lt3A_37 : i32
      %ne3A_39 = arith.xori %lt3A_36, %lt3A_38 : i1
      %and3A = arith.andi %ne3A_39, %ne3A_35 : i1
      %add3A_40 = arith.addi %rem3A, %select_n3A : i32
      %select_n3A_41 = arith.select %and3A, %add3A_40, %rem3A : i32
      %add3A_42 = arith.constant 1 : i32
      %add3A_43 = arith.addi %select_n3A_41, %add3A_42 : i32
      %add3A_44 = arith.constant 2 : i32
      %add3A_45 = arith.addi %mul3A_32, %add3A_44 : i32
      %lt3A_46 = arith.constant 80 : i32
      %lt3A_47 = arith.cmpi slt, %add3A_45, %lt3A_46 : i32
      %eq3A_48 = arith.constant 7 : i32
      %eq3A_49 = arith.cmpi eq, %add3A_43, %eq3A_48 : i32
      %and3A_50 = arith.andi %lt3A_47, %eq3A_49 : i1
      %dma_wait3A = arith.constant 0 : i32
      %dma_wait3A_51 = tpu.memref_slice %arg7[%select_n3A_41, %dma_wait3A] : memref<8x125xi32, #tpu.memory_space<vmem>> -> memref<1x125xi32, #tpu.memory_space<vmem>>
      %dma_wait3A_52 = tpu.memref_squeeze %dma_wait3A_51 : memref<1x125xi32, #tpu.memory_space<vmem>> -> memref<125xi32, #tpu.memory_space<vmem>>
      %dma_wait3A_53 = arith.constant 0 : i32
      %dma_wait3A_54 = arith.constant 0 : i32
      %dma_wait3A_55 = tpu.memref_slice %arg2[%dma_wait3A_53, %dma_wait3A_54] : memref<10000x128xf32, #tpu.memory_space<hbm>> -> memref<10000x128xf32, #tpu.memory_space<hbm>>
      tpu.wait_indirect_dma semaphore(%arg12 : memref<!tpu.dma_semaphore, #tpu.memory_space<semaphore_mem>>) src(%dma_wait3A_55 : memref<10000x128xf32, #tpu.memory_space<hbm>>) dst(%arg9 : memref<125x128xf32, #tpu.memory_space<vmem>>)
      %dma_start3A_56 = arith.constant 0 : i32
      %dma_start3A_57 = tpu.memref_slice %arg7[%add3A_43, %dma_start3A_56] : memref<8x125xi32, #tpu.memory_space<vmem>> -> memref<1x125xi32, #tpu.memory_space<vmem>>
      %dma_start3A_58 = tpu.memref_squeeze %dma_start3A_57 : memref<1x125xi32, #tpu.memory_space<vmem>> -> memref<125xi32, #tpu.memory_space<vmem>>
      %dma_start3A_59 = arith.constant 0 : i32
      %dma_start3A_60 = arith.constant 0 : i32
      %dma_start3A_61 = tpu.memref_slice %arg2[%dma_start3A_59, %dma_start3A_60] : memref<10000x128xf32, #tpu.memory_space<hbm>> -> memref<10000x128xf32, #tpu.memory_space<hbm>>
      tpu.enqueue_indirect_dma source(%dma_start3A_61 : memref<10000x128xf32, #tpu.memory_space<hbm>>) target(%arg10 : memref<125x128xf32, #tpu.memory_space<vmem>>) offsets(%dma_start3A_58 : memref<125xi32, #tpu.memory_space<vmem>>) semaphore(%arg13 : memref<!tpu.dma_semaphore, #tpu.memory_space<semaphore_mem>>)
      "tpu.region"() ({
        %run_scoped3A = tpu.sem_alloc : memref<!tpu.dma_semaphore, #tpu.memory_space<semaphore_mem>>
        %dma_start3A_76 = arith.constant 0 : i32
        %dma_start3A_77 = tpu.memref_slice %arg8[%select_n3A_41, %dma_start3A_76] : memref<8x125xi32, #tpu.memory_space<vmem>> -> memref<1x125xi32, #tpu.memory_space<vmem>>
        %dma_start3A_78 = tpu.memref_squeeze %dma_start3A_77 : memref<1x125xi32, #tpu.memory_space<vmem>> -> memref<125xi32, #tpu.memory_space<vmem>>
        %dma_start3A_79 = arith.constant 0 : i32
        %dma_start3A_80 = arith.constant 0 : i32
        %dma_start3A_81 = tpu.memref_slice %arg11[%dma_start3A_79, %dma_start3A_80] : memref<10240x128xf32, #tpu.memory_space<vmem_shared>> -> memref<10240x128xf32, #tpu.memory_space<vmem_shared>>
        tpu.enqueue_indirect_dma source(%arg9 : memref<125x128xf32, #tpu.memory_space<vmem>>) target(%dma_start3A_81 : memref<10240x128xf32, #tpu.memory_space<vmem_shared>>) offsets(%dma_start3A_78 : memref<125xi32, #tpu.memory_space<vmem>>) semaphore(%run_scoped3A : memref<!tpu.dma_semaphore, #tpu.memory_space<semaphore_mem>>) {add = true}
        %dma_wait3A_82 = arith.constant 0 : i32
        %dma_wait3A_83 = tpu.memref_slice %arg8[%select_n3A_41, %dma_wait3A_82] : memref<8x125xi32, #tpu.memory_space<vmem>> -> memref<1x125xi32, #tpu.memory_space<vmem>>
        %dma_wait3A_84 = tpu.memref_squeeze %dma_wait3A_83 : memref<1x125xi32, #tpu.memory_space<vmem>> -> memref<125xi32, #tpu.memory_space<vmem>>
        %dma_wait3A_85 = arith.constant 0 : i32
        %dma_wait3A_86 = arith.constant 0 : i32
        %dma_wait3A_87 = tpu.memref_slice %arg11[%dma_wait3A_85, %dma_wait3A_86] : memref<10240x128xf32, #tpu.memory_space<vmem_shared>> -> memref<10240x128xf32, #tpu.memory_space<vmem_shared>>
        tpu.wait_indirect_dma semaphore(%run_scoped3A : memref<!tpu.dma_semaphore, #tpu.memory_space<semaphore_mem>>) src(%arg9 : memref<125x128xf32, #tpu.memory_space<vmem>>) dst(%dma_wait3A_87 : memref<10240x128xf32, #tpu.memory_space<vmem_shared>>)
        tpu.yield
      }) : () -> ()
      %dma_wait3A_62 = arith.constant 0 : i32
      %dma_wait3A_63 = tpu.memref_slice %arg7[%add3A_43, %dma_wait3A_62] : memref<8x125xi32, #tpu.memory_space<vmem>> -> memref<1x125xi32, #tpu.memory_space<vmem>>
      %dma_wait3A_64 = tpu.memref_squeeze %dma_wait3A_63 : memref<1x125xi32, #tpu.memory_space<vmem>> -> memref<125xi32, #tpu.memory_space<vmem>>
      %dma_wait3A_65 = arith.constant 0 : i32
      %dma_wait3A_66 = arith.constant 0 : i32
      %dma_wait3A_67 = tpu.memref_slice %arg2[%dma_wait3A_65, %dma_wait3A_66] : memref<10000x128xf32, #tpu.memory_space<hbm>> -> memref<10000x128xf32, #tpu.memory_space<hbm>>
      tpu.wait_indirect_dma semaphore(%arg13 : memref<!tpu.dma_semaphore, #tpu.memory_space<semaphore_mem>>) src(%dma_wait3A_67 : memref<10000x128xf32, #tpu.memory_space<hbm>>) dst(%arg10 : memref<125x128xf32, #tpu.memory_space<vmem>>)
      %convert_element_type3A = arith.extui %and3A_50 : i1 to i32
      %cond3A = arith.constant 0 : i32
      %cond3A_68 = arith.cmpi ne, %convert_element_type3A, %cond3A : i32
      scf.if %cond3A_68 {
        %mul3A_76 = arith.constant 80 : i32
        %mul3A_77 = arith.muli %add3A, %mul3A_76 : i32
        %add3A_78 = arith.addi %mul3A_77, %mul3A_32 : i32
        %add3A_79 = arith.constant 2 : i32
        %add3A_80 = arith.addi %add3A_78, %add3A_79 : i32
        %multiple_of3A = tpu.assume_multiple %add3A_80, 8 : i32
        "tpu.region"() ({
          %run_scoped3A = tpu.sem_alloc : memref<!tpu.dma_semaphore, #tpu.memory_space<semaphore_mem>>
          %dma_start3A_81 = arith.constant 0 : i32
          %dma_start3A_82 = tpu.memref_slice %arg3[%multiple_of3A, %dma_start3A_81] : memref<2560x125xi32, #tpu.memory_space<hbm>> -> memref<8x125xi32, #tpu.memory_space<hbm>>
          %dma_start3A_83 = arith.constant 0 : i32
          %dma_start3A_84 = tpu.memref_slice %arg3[%multiple_of3A, %dma_start3A_83] : memref<2560x125xi32, #tpu.memory_space<hbm>> -> memref<8x125xi32, #tpu.memory_space<hbm>>
          tpu.enqueue_dma source(%dma_start3A_84 : memref<8x125xi32, #tpu.memory_space<hbm>>) target(%arg7 : memref<8x125xi32, #tpu.memory_space<vmem>>) target_semaphore(%run_scoped3A : memref<!tpu.dma_semaphore, #tpu.memory_space<semaphore_mem>>)
          %dma_wait3A_85 = arith.constant 0 : i32
          %dma_wait3A_86 = tpu.memref_slice %arg3[%multiple_of3A, %dma_wait3A_85] : memref<2560x125xi32, #tpu.memory_space<hbm>> -> memref<8x125xi32, #tpu.memory_space<hbm>>
          %dma_wait3A_87 = arith.constant 0 : i32
          %dma_wait3A_88 = tpu.memref_slice %arg3[%multiple_of3A, %dma_wait3A_87] : memref<2560x125xi32, #tpu.memory_space<hbm>> -> memref<8x125xi32, #tpu.memory_space<hbm>>
          tpu.wait_dma2 semaphore(%run_scoped3A : memref<!tpu.dma_semaphore, #tpu.memory_space<semaphore_mem>>) src(%dma_wait3A_88 : memref<8x125xi32, #tpu.memory_space<hbm>>) dst(%arg7 : memref<8x125xi32, #tpu.memory_space<vmem>>)
          tpu.yield
        }) : () -> ()
      } else {
      }
      %convert_element_type3A_69 = arith.extui %lt3A_47 : i1 to i32
      %cond3A_70 = arith.constant 0 : i32
      %cond3A_71 = arith.cmpi ne, %convert_element_type3A_69, %cond3A_70 : i32
      scf.if %cond3A_71 {
        %add3A_76 = arith.constant 2 : i32
        %add3A_77 = arith.addi %mul3A_32, %add3A_76 : i32
        %jit3A_78 = arith.constant 8 : i32
        %eq3A_79 = arith.constant 0 : i32
        %eq3A_80 = arith.cmpi eq, %jit3A_78, %eq3A_79 : i32
        %jit3A_81 = arith.constant 1 : i32
        %select_n3A_82 = arith.select %eq3A_80, %jit3A_81, %jit3A_78 : i32
        %rem3A_83 = arith.remsi %add3A_77, %select_n3A_82 : i32
        %ne3A_84 = arith.constant 0 : i32
        %ne3A_85 = arith.cmpi ne, %rem3A_83, %ne3A_84 : i32
        %lt3A_86 = arith.constant 0 : i32
        %lt3A_87 = arith.cmpi slt, %rem3A_83, %lt3A_86 : i32
        %lt3A_88 = arith.constant 0 : i32
        %lt3A_89 = arith.cmpi slt, %select_n3A_82, %lt3A_88 : i32
        %ne3A_90 = arith.xori %lt3A_87, %lt3A_89 : i1
        %and3A_91 = arith.andi %ne3A_90, %ne3A_85 : i1
        %add3A_92 = arith.addi %rem3A_83, %select_n3A_82 : i32
        %select_n3A_93 = arith.select %and3A_91, %add3A_92, %rem3A_83 : i32
        %dma_start3A_94 = arith.constant 0 : i32
        %dma_start3A_95 = tpu.memref_slice %arg7[%select_n3A_93, %dma_start3A_94] : memref<8x125xi32, #tpu.memory_space<vmem>> -> memref<1x125xi32, #tpu.memory_space<vmem>>
        %dma_start3A_96 = tpu.memref_squeeze %dma_start3A_95 : memref<1x125xi32, #tpu.memory_space<vmem>> -> memref<125xi32, #tpu.memory_space<vmem>>
        %dma_start3A_97 = arith.constant 0 : i32
        %dma_start3A_98 = arith.constant 0 : i32
        %dma_start3A_99 = tpu.memref_slice %arg2[%dma_start3A_97, %dma_start3A_98] : memref<10000x128xf32, #tpu.memory_space<hbm>> -> memref<10000x128xf32, #tpu.memory_space<hbm>>
        tpu.enqueue_indirect_dma source(%dma_start3A_99 : memref<10000x128xf32, #tpu.memory_space<hbm>>) target(%arg9 : memref<125x128xf32, #tpu.memory_space<vmem>>) offsets(%dma_start3A_96 : memref<125xi32, #tpu.memory_space<vmem>>) semaphore(%arg12 : memref<!tpu.dma_semaphore, #tpu.memory_space<semaphore_mem>>)
      } else {
      }
      "tpu.region"() ({
        %run_scoped3A = tpu.sem_alloc : memref<!tpu.dma_semaphore, #tpu.memory_space<semaphore_mem>>
        %dma_start3A_76 = arith.constant 0 : i32
        %dma_start3A_77 = tpu.memref_slice %arg8[%add3A_43, %dma_start3A_76] : memref<8x125xi32, #tpu.memory_space<vmem>> -> memref<1x125xi32, #tpu.memory_space<vmem>>
        %dma_start3A_78 = tpu.memref_squeeze %dma_start3A_77 : memref<1x125xi32, #tpu.memory_space<vmem>> -> memref<125xi32, #tpu.memory_space<vmem>>
        %dma_start3A_79 = arith.constant 0 : i32
        %dma_start3A_80 = arith.constant 0 : i32
        %dma_start3A_81 = tpu.memref_slice %arg11[%dma_start3A_79, %dma_start3A_80] : memref<10240x128xf32, #tpu.memory_space<vmem_shared>> -> memref<10240x128xf32, #tpu.memory_space<vmem_shared>>
        tpu.enqueue_indirect_dma source(%arg10 : memref<125x128xf32, #tpu.memory_space<vmem>>) target(%dma_start3A_81 : memref<10240x128xf32, #tpu.memory_space<vmem_shared>>) offsets(%dma_start3A_78 : memref<125xi32, #tpu.memory_space<vmem>>) semaphore(%run_scoped3A : memref<!tpu.dma_semaphore, #tpu.memory_space<semaphore_mem>>) {add = true}
        %dma_wait3A_82 = arith.constant 0 : i32
        %dma_wait3A_83 = tpu.memref_slice %arg8[%add3A_43, %dma_wait3A_82] : memref<8x125xi32, #tpu.memory_space<vmem>> -> memref<1x125xi32, #tpu.memory_space<vmem>>
        %dma_wait3A_84 = tpu.memref_squeeze %dma_wait3A_83 : memref<1x125xi32, #tpu.memory_space<vmem>> -> memref<125xi32, #tpu.memory_space<vmem>>
        %dma_wait3A_85 = arith.constant 0 : i32
        %dma_wait3A_86 = arith.constant 0 : i32
        %dma_wait3A_87 = tpu.memref_slice %arg11[%dma_wait3A_85, %dma_wait3A_86] : memref<10240x128xf32, #tpu.memory_space<vmem_shared>> -> memref<10240x128xf32, #tpu.memory_space<vmem_shared>>
        tpu.wait_indirect_dma semaphore(%run_scoped3A : memref<!tpu.dma_semaphore, #tpu.memory_space<semaphore_mem>>) src(%arg10 : memref<125x128xf32, #tpu.memory_space<vmem>>) dst(%dma_wait3A_87 : memref<10240x128xf32, #tpu.memory_space<vmem_shared>>)
        tpu.yield
      }) : () -> ()
      %convert_element_type3A_72 = arith.extui %and3A_50 : i1 to i32
      %cond3A_73 = arith.constant 0 : i32
      %cond3A_74 = arith.cmpi ne, %convert_element_type3A_72, %cond3A_73 : i32
      scf.if %cond3A_74 {
        %mul3A_76 = arith.constant 80 : i32
        %mul3A_77 = arith.muli %add3A, %mul3A_76 : i32
        %add3A_78 = arith.addi %mul3A_77, %mul3A_32 : i32
        %add3A_79 = arith.constant 2 : i32
        %add3A_80 = arith.addi %add3A_78, %add3A_79 : i32
        %multiple_of3A = tpu.assume_multiple %add3A_80, 8 : i32
        "tpu.region"() ({
          %run_scoped3A = tpu.sem_alloc : memref<!tpu.dma_semaphore, #tpu.memory_space<semaphore_mem>>
          %dma_start3A_81 = arith.constant 0 : i32
          %dma_start3A_82 = tpu.memref_slice %arg4[%multiple_of3A, %dma_start3A_81] : memref<2560x125xi32, #tpu.memory_space<hbm>> -> memref<8x125xi32, #tpu.memory_space<hbm>>
          %dma_start3A_83 = arith.constant 0 : i32
          %dma_start3A_84 = tpu.memref_slice %arg4[%multiple_of3A, %dma_start3A_83] : memref<2560x125xi32, #tpu.memory_space<hbm>> -> memref<8x125xi32, #tpu.memory_space<hbm>>
          tpu.enqueue_dma source(%dma_start3A_84 : memref<8x125xi32, #tpu.memory_space<hbm>>) target(%arg8 : memref<8x125xi32, #tpu.memory_space<vmem>>) target_semaphore(%run_scoped3A : memref<!tpu.dma_semaphore, #tpu.memory_space<semaphore_mem>>)
          %dma_wait3A_85 = arith.constant 0 : i32
          %dma_wait3A_86 = tpu.memref_slice %arg4[%multiple_of3A, %dma_wait3A_85] : memref<2560x125xi32, #tpu.memory_space<hbm>> -> memref<8x125xi32, #tpu.memory_space<hbm>>
          %dma_wait3A_87 = arith.constant 0 : i32
          %dma_wait3A_88 = tpu.memref_slice %arg4[%multiple_of3A, %dma_wait3A_87] : memref<2560x125xi32, #tpu.memory_space<hbm>> -> memref<8x125xi32, #tpu.memory_space<hbm>>
          tpu.wait_dma2 semaphore(%run_scoped3A : memref<!tpu.dma_semaphore, #tpu.memory_space<semaphore_mem>>) src(%dma_wait3A_88 : memref<8x125xi32, #tpu.memory_space<hbm>>) dst(%arg8 : memref<8x125xi32, #tpu.memory_space<vmem>>)
          tpu.yield
        }) : () -> ()
      } else {
      }
      %scan3A_75 = arith.constant 0 : i32
      scf.yield %scan3A_75 : i32
    }
    %scan3A_23 = arith.constant 40 : i32
    %barrier3A_24 = arith.constant 0 : index
    tpu.barrier barrier_id(%barrier3A_24)
    %mul3A_25 = arith.constant 640 : i32
    %mul3A_26 = arith.muli %arg1, %mul3A_25 : i32
    %mul3A_27 = arith.constant 640 : i32
    %mul3A_28 = arith.muli %arg1, %mul3A_27 : i32
    "tpu.region"() ({
      %run_scoped3A = tpu.sem_alloc : memref<!tpu.dma_semaphore, #tpu.memory_space<semaphore_mem>>
      %dma_start3A_29 = arith.constant 0 : i32
      %dma_start3A_30 = tpu.memref_slice %arg6[%arg0, %mul3A_28, %dma_start3A_29] : memref<2x10240x128xf32, #tpu.memory_space<hbm>> -> memref<1x640x128xf32, #tpu.memory_space<hbm>>
      %dma_start3A_31 = tpu.memref_squeeze %dma_start3A_30 : memref<1x640x128xf32, #tpu.memory_space<hbm>> -> memref<640x128xf32, #tpu.memory_space<hbm>>
      %dma_start3A_32 = arith.constant 0 : i32
      %dma_start3A_33 = tpu.memref_slice %arg11[%mul3A_26, %dma_start3A_32] : memref<10240x128xf32, #tpu.memory_space<vmem_shared>> -> memref<640x128xf32, #tpu.memory_space<vmem_shared>>
      tpu.enqueue_dma source(%dma_start3A_33 : memref<640x128xf32, #tpu.memory_space<vmem_shared>>) target(%dma_start3A_31 : memref<640x128xf32, #tpu.memory_space<hbm>>) target_semaphore(%run_scoped3A : memref<!tpu.dma_semaphore, #tpu.memory_space<semaphore_mem>>)
      %dma_wait3A = arith.constant 0 : i32
      %dma_wait3A_34 = tpu.memref_slice %arg6[%arg0, %mul3A_28, %dma_wait3A] : memref<2x10240x128xf32, #tpu.memory_space<hbm>> -> memref<1x640x128xf32, #tpu.memory_space<hbm>>
      %dma_wait3A_35 = tpu.memref_squeeze %dma_wait3A_34 : memref<1x640x128xf32, #tpu.memory_space<hbm>> -> memref<640x128xf32, #tpu.memory_space<hbm>>
      %dma_wait3A_36 = arith.constant 0 : i32
      %dma_wait3A_37 = tpu.memref_slice %arg11[%mul3A_26, %dma_wait3A_36] : memref<10240x128xf32, #tpu.memory_space<vmem_shared>> -> memref<640x128xf32, #tpu.memory_space<vmem_shared>>
      tpu.wait_dma2 semaphore(%run_scoped3A : memref<!tpu.dma_semaphore, #tpu.memory_space<semaphore_mem>>) src(%dma_wait3A_37 : memref<640x128xf32, #tpu.memory_space<vmem_shared>>) dst(%dma_wait3A_35 : memref<640x128xf32, #tpu.memory_space<hbm>>)
      tpu.yield
    }) : () -> ()
    return
  }
}

#map = affine_map<(d0, d1) -> (0, 0)>
#map1 = affine_map<(d0, d1) -> (0, 0, 0)>
module attributes {stable_mosaic.version = 14 : i64} {
  func.func @scatter_kernel(%arg0: i32, %arg1: i32, %arg2: memref<10000x128xf32, #tpu.memory_space<hbm>>, %arg3: memref<2560x125xi32, #tpu.memory_space<hbm>>, %arg4: memref<2560x125xi32, #tpu.memory_space<hbm>>, %arg5: memref<80x128xf32, #tpu.memory_space<hbm>>, %arg6: memref<2x10240x128xf32, #tpu.memory_space<hbm>>, %arg7: memref<8x125xi32, #tpu.memory_space<vmem>>, %arg8: memref<8x125xi32, #tpu.memory_space<vmem>>, %arg9: memref<125x128xf32, #tpu.memory_space<vmem>>, %arg10: memref<125x128xf32, #tpu.memory_space<vmem>>, %arg11: memref<10240x128xf32, #tpu.memory_space<vmem_shared>>, %arg12: memref<!tpu.dma_semaphore, #tpu.memory_space<semaphore_mem>>, %arg13: memref<!tpu.dma_semaphore, #tpu.memory_space<semaphore_mem>>) attributes {dimension_semantics = [#tpu.dimension_semantics<core_parallel>, #tpu.dimension_semantics<subcore_parallel>], iteration_bounds = array<i64: 2, 16>, scalar_prefetch = 0 : i64, scratch_operands = 7 : i64, tpu.core_type = #tpu.core_type<sc_vector_subcore>, window_params = [{transform_indices = #map}, {transform_indices = #map}, {transform_indices = #map}, {transform_indices = #map}, {transform_indices = #map1}]} {
    %mul3A = arith.constant 16 : i32
    %mul3A_0 = arith.muli %arg0, %mul3A : i32
    %add3A = arith.addi %mul3A_0, %arg1 : i32
    %scan3A = arith.constant 0 : i32
    %scan3A_1 = arith.constant 0 : i32
    %scan3A_2 = arith.constant 8 : i32
    %scan3A_3 = arith.addi %scan3A_1, %scan3A_2 : i32
    %scan3A_4 = arith.constant 1 : i32
    %scan3A_5 = scf.for %scan3A_29 = %scan3A_1 to %scan3A_3 step %scan3A_4 iter_args(%scan3A_30 = %scan3A) -> (i32)  : i32 {
      %mul3A_31 = arith.constant 640 : i32
      %mul3A_32 = arith.muli %arg1, %mul3A_31 : i32
      %mul3A_33 = arith.constant 80 : i32
      %mul3A_34 = arith.muli %scan3A_29, %mul3A_33 : i32
      %add3A_35 = arith.addi %mul3A_32, %mul3A_34 : i32
      "tpu.region"() ({
        %run_scoped3A = tpu.sem_alloc : memref<!tpu.dma_semaphore, #tpu.memory_space<semaphore_mem>>
        %dma_start3A_37 = arith.constant 0 : i32
        %dma_start3A_38 = tpu.memref_slice %arg11[%add3A_35, %dma_start3A_37] : memref<10240x128xf32, #tpu.memory_space<vmem_shared>> -> memref<80x128xf32, #tpu.memory_space<vmem_shared>>
        %dma_start3A_39 = arith.constant 0 : i32
        %dma_start3A_40 = arith.constant 0 : i32
        %dma_start3A_41 = tpu.memref_slice %arg5[%dma_start3A_39, %dma_start3A_40] : memref<80x128xf32, #tpu.memory_space<hbm>> -> memref<80x128xf32, #tpu.memory_space<hbm>>
        tpu.enqueue_dma source(%dma_start3A_41 : memref<80x128xf32, #tpu.memory_space<hbm>>) target(%dma_start3A_38 : memref<80x128xf32, #tpu.memory_space<vmem_shared>>) target_semaphore(%run_scoped3A : memref<!tpu.dma_semaphore, #tpu.memory_space<semaphore_mem>>)
        %dma_wait3A = arith.constant 0 : i32
        %dma_wait3A_42 = tpu.memref_slice %arg11[%add3A_35, %dma_wait3A] : memref<10240x128xf32, #tpu.memory_space<vmem_shared>> -> memref<80x128xf32, #tpu.memory_space<vmem_shared>>
        %dma_wait3A_43 = arith.constant 0 : i32
        %dma_wait3A_44 = arith.constant 0 : i32
        %dma_wait3A_45 = tpu.memref_slice %arg5[%dma_wait3A_43, %dma_wait3A_44] : memref<80x128xf32, #tpu.memory_space<hbm>> -> memref<80x128xf32, #tpu.memory_space<hbm>>
        tpu.wait_dma2 semaphore(%run_scoped3A : memref<!tpu.dma_semaphore, #tpu.memory_space<semaphore_mem>>) src(%dma_wait3A_45 : memref<80x128xf32, #tpu.memory_space<hbm>>) dst(%dma_wait3A_42 : memref<80x128xf32, #tpu.memory_space<vmem_shared>>)
        tpu.yield
      }) : () -> ()
      %scan3A_36 = arith.constant 0 : i32
      scf.yield %scan3A_36 : i32
    }
    %scan3A_6 = arith.constant 8 : i32
    %barrier3A = arith.constant 0 : index
    tpu.barrier barrier_id(%barrier3A)
    %mul3A_7 = arith.constant 80 : i32
    %mul3A_8 = arith.muli %add3A, %mul3A_7 : i32
    "tpu.region"() ({
      %run_scoped3A = tpu.sem_alloc : memref<!tpu.dma_semaphore, #tpu.memory_space<semaphore_mem>>
      %dma_start3A_29 = arith.constant 0 : i32
      %dma_start3A_30 = tpu.memref_slice %arg3[%mul3A_8, %dma_start3A_29] : memref<2560x125xi32, #tpu.memory_space<hbm>> -> memref<8x125xi32, #tpu.memory_space<hbm>>
      %dma_start3A_31 = arith.constant 0 : i32
      %dma_start3A_32 = tpu.memref_slice %arg3[%mul3A_8, %dma_start3A_31] : memref<2560x125xi32, #tpu.memory_space<hbm>> -> memref<8x125xi32, #tpu.memory_space<hbm>>
      tpu.enqueue_dma source(%dma_start3A_32 : memref<8x125xi32, #tpu.memory_space<hbm>>) target(%arg7 : memref<8x125xi32, #tpu.memory_space<vmem>>) target_semaphore(%run_scoped3A : memref<!tpu.dma_semaphore, #tpu.memory_space<semaphore_mem>>)
      %dma_wait3A = arith.constant 0 : i32
      %dma_wait3A_33 = tpu.memref_slice %arg3[%mul3A_8, %dma_wait3A] : memref<2560x125xi32, #tpu.memory_space<hbm>> -> memref<8x125xi32, #tpu.memory_space<hbm>>
      %dma_wait3A_34 = arith.constant 0 : i32
      %dma_wait3A_35 = tpu.memref_slice %arg3[%mul3A_8, %dma_wait3A_34] : memref<2560x125xi32, #tpu.memory_space<hbm>> -> memref<8x125xi32, #tpu.memory_space<hbm>>
      tpu.wait_dma2 semaphore(%run_scoped3A : memref<!tpu.dma_semaphore, #tpu.memory_space<semaphore_mem>>) src(%dma_wait3A_35 : memref<8x125xi32, #tpu.memory_space<hbm>>) dst(%arg7 : memref<8x125xi32, #tpu.memory_space<vmem>>)
      tpu.yield
    }) : () -> ()
    %mul3A_9 = arith.constant 80 : i32
    %mul3A_10 = arith.muli %add3A, %mul3A_9 : i32
    "tpu.region"() ({
      %run_scoped3A = tpu.sem_alloc : memref<!tpu.dma_semaphore, #tpu.memory_space<semaphore_mem>>
      %dma_start3A_29 = arith.constant 0 : i32
      %dma_start3A_30 = tpu.memref_slice %arg4[%mul3A_10, %dma_start3A_29] : memref<2560x125xi32, #tpu.memory_space<hbm>> -> memref<8x125xi32, #tpu.memory_space<hbm>>
      %dma_start3A_31 = arith.constant 0 : i32
      %dma_start3A_32 = tpu.memref_slice %arg4[%mul3A_10, %dma_start3A_31] : memref<2560x125xi32, #tpu.memory_space<hbm>> -> memref<8x125xi32, #tpu.memory_space<hbm>>
      tpu.enqueue_dma source(%dma_start3A_32 : memref<8x125xi32, #tpu.memory_space<hbm>>) target(%arg8 : memref<8x125xi32, #tpu.memory_space<vmem>>) target_semaphore(%run_scoped3A : memref<!tpu.dma_semaphore, #tpu.memory_space<semaphore_mem>>)
      %dma_wait3A = arith.constant 0 : i32
      %dma_wait3A_33 = tpu.memref_slice %arg4[%mul3A_10, %dma_wait3A] : memref<2560x125xi32, #tpu.memory_space<hbm>> -> memref<8x125xi32, #tpu.memory_space<hbm>>
      %dma_wait3A_34 = arith.constant 0 : i32
      %dma_wait3A_35 = tpu.memref_slice %arg4[%mul3A_10, %dma_wait3A_34] : memref<2560x125xi32, #tpu.memory_space<hbm>> -> memref<8x125xi32, #tpu.memory_space<hbm>>
      tpu.wait_dma2 semaphore(%run_scoped3A : memref<!tpu.dma_semaphore, #tpu.memory_space<semaphore_mem>>) src(%dma_wait3A_35 : memref<8x125xi32, #tpu.memory_space<hbm>>) dst(%arg8 : memref<8x125xi32, #tpu.memory_space<vmem>>)
      tpu.yield
    }) : () -> ()
    %dma_start3A = arith.constant 0 : i32
    %dma_start3A_11 = arith.constant 0 : i32
    %dma_start3A_12 = tpu.memref_slice %arg7[%dma_start3A, %dma_start3A_11] : memref<8x125xi32, #tpu.memory_space<vmem>> -> memref<1x125xi32, #tpu.memory_space<vmem>>
    %dma_start3A_13 = tpu.memref_squeeze %dma_start3A_12 : memref<1x125xi32, #tpu.memory_space<vmem>> -> memref<125xi32, #tpu.memory_space<vmem>>
    %dma_start3A_14 = arith.constant 0 : i32
    %dma_start3A_15 = arith.constant 0 : i32
    %dma_start3A_16 = tpu.memref_slice %arg2[%dma_start3A_14, %dma_start3A_15] : memref<10000x128xf32, #tpu.memory_space<hbm>> -> memref<10000x128xf32, #tpu.memory_space<hbm>>
    tpu.enqueue_indirect_dma source(%dma_start3A_16 : memref<10000x128xf32, #tpu.memory_space<hbm>>) target(%arg9 : memref<125x128xf32, #tpu.memory_space<vmem>>) offsets(%dma_start3A_13 : memref<125xi32, #tpu.memory_space<vmem>>) semaphore(%arg12 : memref<!tpu.dma_semaphore, #tpu.memory_space<semaphore_mem>>)
    %scan3A_17 = arith.constant 0 : i32
    %scan3A_18 = arith.constant 0 : i32
    %scan3A_19 = arith.constant 40 : i32
    %scan3A_20 = arith.addi %scan3A_18, %scan3A_19 : i32
    %scan3A_21 = arith.constant 1 : i32
    %scan3A_22 = scf.for %scan3A_29 = %scan3A_18 to %scan3A_20 step %scan3A_21 iter_args(%scan3A_30 = %scan3A_17) -> (i32)  : i32 {
      %mul3A_31 = arith.constant 2 : i32
      %mul3A_32 = arith.muli %scan3A_29, %mul3A_31 : i32
      %jit3A = arith.constant 8 : i32
      %eq3A = arith.constant 0 : i32
      %eq3A_33 = arith.cmpi eq, %jit3A, %eq3A : i32
      %jit3A_34 = arith.constant 1 : i32
      %select_n3A = arith.select %eq3A_33, %jit3A_34, %jit3A : i32
      %rem3A = arith.remsi %mul3A_32, %select_n3A : i32
      %ne3A = arith.constant 0 : i32
      %ne3A_35 = arith.cmpi ne, %rem3A, %ne3A : i32
      %lt3A = arith.constant 0 : i32
      %lt3A_36 = arith.cmpi slt, %rem3A, %lt3A : i32
      %lt3A_37 = arith.constant 0 : i32
      %lt3A_38 = arith.cmpi slt, %select_n3A, %lt3A_37 : i32
      %ne3A_39 = arith.xori %lt3A_36, %lt3A_38 : i1
      %and3A = arith.andi %ne3A_39, %ne3A_35 : i1
      %add3A_40 = arith.addi %rem3A, %select_n3A : i32
      %select_n3A_41 = arith.select %and3A, %add3A_40, %rem3A : i32
      %add3A_42 = arith.constant 1 : i32
      %add3A_43 = arith.addi %select_n3A_41, %add3A_42 : i32
      %add3A_44 = arith.constant 2 : i32
      %add3A_45 = arith.addi %mul3A_32, %add3A_44 : i32
      %lt3A_46 = arith.constant 80 : i32
      %lt3A_47 = arith.cmpi slt, %add3A_45, %lt3A_46 : i32
      %eq3A_48 = arith.constant 7 : i32
      %eq3A_49 = arith.cmpi eq, %add3A_43, %eq3A_48 : i32
      %and3A_50 = arith.andi %lt3A_47, %eq3A_49 : i1
      %dma_wait3A = arith.constant 0 : i32
      %dma_wait3A_51 = tpu.memref_slice %arg7[%select_n3A_41, %dma_wait3A] : memref<8x125xi32, #tpu.memory_space<vmem>> -> memref<1x125xi32, #tpu.memory_space<vmem>>
      %dma_wait3A_52 = tpu.memref_squeeze %dma_wait3A_51 : memref<1x125xi32, #tpu.memory_space<vmem>> -> memref<125xi32, #tpu.memory_space<vmem>>
      %dma_wait3A_53 = arith.constant 0 : i32
      %dma_wait3A_54 = arith.constant 0 : i32
      %dma_wait3A_55 = tpu.memref_slice %arg2[%dma_wait3A_53, %dma_wait3A_54] : memref<10000x128xf32, #tpu.memory_space<hbm>> -> memref<10000x128xf32, #tpu.memory_space<hbm>>
      tpu.wait_indirect_dma semaphore(%arg12 : memref<!tpu.dma_semaphore, #tpu.memory_space<semaphore_mem>>) src(%dma_wait3A_55 : memref<10000x128xf32, #tpu.memory_space<hbm>>) dst(%arg9 : memref<125x128xf32, #tpu.memory_space<vmem>>)
      %dma_start3A_56 = arith.constant 0 : i32
      %dma_start3A_57 = tpu.memref_slice %arg7[%add3A_43, %dma_start3A_56] : memref<8x125xi32, #tpu.memory_space<vmem>> -> memref<1x125xi32, #tpu.memory_space<vmem>>
      %dma_start3A_58 = tpu.memref_squeeze %dma_start3A_57 : memref<1x125xi32, #tpu.memory_space<vmem>> -> memref<125xi32, #tpu.memory_space<vmem>>
      %dma_start3A_59 = arith.constant 0 : i32
      %dma_start3A_60 = arith.constant 0 : i32
      %dma_start3A_61 = tpu.memref_slice %arg2[%dma_start3A_59, %dma_start3A_60] : memref<10000x128xf32, #tpu.memory_space<hbm>> -> memref<10000x128xf32, #tpu.memory_space<hbm>>
      tpu.enqueue_indirect_dma source(%dma_start3A_61 : memref<10000x128xf32, #tpu.memory_space<hbm>>) target(%arg10 : memref<125x128xf32, #tpu.memory_space<vmem>>) offsets(%dma_start3A_58 : memref<125xi32, #tpu.memory_space<vmem>>) semaphore(%arg13 : memref<!tpu.dma_semaphore, #tpu.memory_space<semaphore_mem>>)
      "tpu.region"() ({
        %run_scoped3A = tpu.sem_alloc : memref<!tpu.dma_semaphore, #tpu.memory_space<semaphore_mem>>
        %dma_start3A_76 = arith.constant 0 : i32
        %dma_start3A_77 = tpu.memref_slice %arg8[%select_n3A_41, %dma_start3A_76] : memref<8x125xi32, #tpu.memory_space<vmem>> -> memref<1x125xi32, #tpu.memory_space<vmem>>
        %dma_start3A_78 = tpu.memref_squeeze %dma_start3A_77 : memref<1x125xi32, #tpu.memory_space<vmem>> -> memref<125xi32, #tpu.memory_space<vmem>>
        %dma_start3A_79 = arith.constant 0 : i32
        %dma_start3A_80 = arith.constant 0 : i32
        %dma_start3A_81 = tpu.memref_slice %arg11[%dma_start3A_79, %dma_start3A_80] : memref<10240x128xf32, #tpu.memory_space<vmem_shared>> -> memref<10240x128xf32, #tpu.memory_space<vmem_shared>>
        tpu.enqueue_indirect_dma source(%arg9 : memref<125x128xf32, #tpu.memory_space<vmem>>) target(%dma_start3A_81 : memref<10240x128xf32, #tpu.memory_space<vmem_shared>>) offsets(%dma_start3A_78 : memref<125xi32, #tpu.memory_space<vmem>>) semaphore(%run_scoped3A : memref<!tpu.dma_semaphore, #tpu.memory_space<semaphore_mem>>) {add = true}
        %dma_wait3A_82 = arith.constant 0 : i32
        %dma_wait3A_83 = tpu.memref_slice %arg8[%select_n3A_41, %dma_wait3A_82] : memref<8x125xi32, #tpu.memory_space<vmem>> -> memref<1x125xi32, #tpu.memory_space<vmem>>
        %dma_wait3A_84 = tpu.memref_squeeze %dma_wait3A_83 : memref<1x125xi32, #tpu.memory_space<vmem>> -> memref<125xi32, #tpu.memory_space<vmem>>
        %dma_wait3A_85 = arith.constant 0 : i32
        %dma_wait3A_86 = arith.constant 0 : i32
        %dma_wait3A_87 = tpu.memref_slice %arg11[%dma_wait3A_85, %dma_wait3A_86] : memref<10240x128xf32, #tpu.memory_space<vmem_shared>> -> memref<10240x128xf32, #tpu.memory_space<vmem_shared>>
        tpu.wait_indirect_dma semaphore(%run_scoped3A : memref<!tpu.dma_semaphore, #tpu.memory_space<semaphore_mem>>) src(%arg9 : memref<125x128xf32, #tpu.memory_space<vmem>>) dst(%dma_wait3A_87 : memref<10240x128xf32, #tpu.memory_space<vmem_shared>>)
        tpu.yield
      }) : () -> ()
      %dma_wait3A_62 = arith.constant 0 : i32
      %dma_wait3A_63 = tpu.memref_slice %arg7[%add3A_43, %dma_wait3A_62] : memref<8x125xi32, #tpu.memory_space<vmem>> -> memref<1x125xi32, #tpu.memory_space<vmem>>
      %dma_wait3A_64 = tpu.memref_squeeze %dma_wait3A_63 : memref<1x125xi32, #tpu.memory_space<vmem>> -> memref<125xi32, #tpu.memory_space<vmem>>
      %dma_wait3A_65 = arith.constant 0 : i32
      %dma_wait3A_66 = arith.constant 0 : i32
      %dma_wait3A_67 = tpu.memref_slice %arg2[%dma_wait3A_65, %dma_wait3A_66] : memref<10000x128xf32, #tpu.memory_space<hbm>> -> memref<10000x128xf32, #tpu.memory_space<hbm>>
      tpu.wait_indirect_dma semaphore(%arg13 : memref<!tpu.dma_semaphore, #tpu.memory_space<semaphore_mem>>) src(%dma_wait3A_67 : memref<10000x128xf32, #tpu.memory_space<hbm>>) dst(%arg10 : memref<125x128xf32, #tpu.memory_space<vmem>>)
      %convert_element_type3A = arith.extui %and3A_50 : i1 to i32
      %cond3A = arith.constant 0 : i32
      %cond3A_68 = arith.cmpi ne, %convert_element_type3A, %cond3A : i32
      scf.if %cond3A_68 {
        %mul3A_76 = arith.constant 80 : i32
        %mul3A_77 = arith.muli %add3A, %mul3A_76 : i32
        %add3A_78 = arith.addi %mul3A_77, %mul3A_32 : i32
        %add3A_79 = arith.constant 2 : i32
        %add3A_80 = arith.addi %add3A_78, %add3A_79 : i32
        %multiple_of3A = tpu.assume_multiple %add3A_80, 8 : i32
        "tpu.region"() ({
          %run_scoped3A = tpu.sem_alloc : memref<!tpu.dma_semaphore, #tpu.memory_space<semaphore_mem>>
          %dma_start3A_81 = arith.constant 0 : i32
          %dma_start3A_82 = tpu.memref_slice %arg3[%multiple_of3A, %dma_start3A_81] : memref<2560x125xi32, #tpu.memory_space<hbm>> -> memref<8x125xi32, #tpu.memory_space<hbm>>
          %dma_start3A_83 = arith.constant 0 : i32
          %dma_start3A_84 = tpu.memref_slice %arg3[%multiple_of3A, %dma_start3A_83] : memref<2560x125xi32, #tpu.memory_space<hbm>> -> memref<8x125xi32, #tpu.memory_space<hbm>>
          tpu.enqueue_dma source(%dma_start3A_84 : memref<8x125xi32, #tpu.memory_space<hbm>>) target(%arg7 : memref<8x125xi32, #tpu.memory_space<vmem>>) target_semaphore(%run_scoped3A : memref<!tpu.dma_semaphore, #tpu.memory_space<semaphore_mem>>)
          %dma_wait3A_85 = arith.constant 0 : i32
          %dma_wait3A_86 = tpu.memref_slice %arg3[%multiple_of3A, %dma_wait3A_85] : memref<2560x125xi32, #tpu.memory_space<hbm>> -> memref<8x125xi32, #tpu.memory_space<hbm>>
          %dma_wait3A_87 = arith.constant 0 : i32
          %dma_wait3A_88 = tpu.memref_slice %arg3[%multiple_of3A, %dma_wait3A_87] : memref<2560x125xi32, #tpu.memory_space<hbm>> -> memref<8x125xi32, #tpu.memory_space<hbm>>
          tpu.wait_dma2 semaphore(%run_scoped3A : memref<!tpu.dma_semaphore, #tpu.memory_space<semaphore_mem>>) src(%dma_wait3A_88 : memref<8x125xi32, #tpu.memory_space<hbm>>) dst(%arg7 : memref<8x125xi32, #tpu.memory_space<vmem>>)
          tpu.yield
        }) : () -> ()
      } else {
      }
      %convert_element_type3A_69 = arith.extui %lt3A_47 : i1 to i32
      %cond3A_70 = arith.constant 0 : i32
      %cond3A_71 = arith.cmpi ne, %convert_element_type3A_69, %cond3A_70 : i32
      scf.if %cond3A_71 {
        %add3A_76 = arith.constant 2 : i32
        %add3A_77 = arith.addi %mul3A_32, %add3A_76 : i32
        %jit3A_78 = arith.constant 8 : i32
        %eq3A_79 = arith.constant 0 : i32
        %eq3A_80 = arith.cmpi eq, %jit3A_78, %eq3A_79 : i32
        %jit3A_81 = arith.constant 1 : i32
        %select_n3A_82 = arith.select %eq3A_80, %jit3A_81, %jit3A_78 : i32
        %rem3A_83 = arith.remsi %add3A_77, %select_n3A_82 : i32
        %ne3A_84 = arith.constant 0 : i32
        %ne3A_85 = arith.cmpi ne, %rem3A_83, %ne3A_84 : i32
        %lt3A_86 = arith.constant 0 : i32
        %lt3A_87 = arith.cmpi slt, %rem3A_83, %lt3A_86 : i32
        %lt3A_88 = arith.constant 0 : i32
        %lt3A_89 = arith.cmpi slt, %select_n3A_82, %lt3A_88 : i32
        %ne3A_90 = arith.xori %lt3A_87, %lt3A_89 : i1
        %and3A_91 = arith.andi %ne3A_90, %ne3A_85 : i1
        %add3A_92 = arith.addi %rem3A_83, %select_n3A_82 : i32
        %select_n3A_93 = arith.select %and3A_91, %add3A_92, %rem3A_83 : i32
        %dma_start3A_94 = arith.constant 0 : i32
        %dma_start3A_95 = tpu.memref_slice %arg7[%select_n3A_93, %dma_start3A_94] : memref<8x125xi32, #tpu.memory_space<vmem>> -> memref<1x125xi32, #tpu.memory_space<vmem>>
        %dma_start3A_96 = tpu.memref_squeeze %dma_start3A_95 : memref<1x125xi32, #tpu.memory_space<vmem>> -> memref<125xi32, #tpu.memory_space<vmem>>
        %dma_start3A_97 = arith.constant 0 : i32
        %dma_start3A_98 = arith.constant 0 : i32
        %dma_start3A_99 = tpu.memref_slice %arg2[%dma_start3A_97, %dma_start3A_98] : memref<10000x128xf32, #tpu.memory_space<hbm>> -> memref<10000x128xf32, #tpu.memory_space<hbm>>
        tpu.enqueue_indirect_dma source(%dma_start3A_99 : memref<10000x128xf32, #tpu.memory_space<hbm>>) target(%arg9 : memref<125x128xf32, #tpu.memory_space<vmem>>) offsets(%dma_start3A_96 : memref<125xi32, #tpu.memory_space<vmem>>) semaphore(%arg12 : memref<!tpu.dma_semaphore, #tpu.memory_space<semaphore_mem>>)
      } else {
      }
      "tpu.region"() ({
        %run_scoped3A = tpu.sem_alloc : memref<!tpu.dma_semaphore, #tpu.memory_space<semaphore_mem>>
        %dma_start3A_76 = arith.constant 0 : i32
        %dma_start3A_77 = tpu.memref_slice %arg8[%add3A_43, %dma_start3A_76] : memref<8x125xi32, #tpu.memory_space<vmem>> -> memref<1x125xi32, #tpu.memory_space<vmem>>
        %dma_start3A_78 = tpu.memref_squeeze %dma_start3A_77 : memref<1x125xi32, #tpu.memory_space<vmem>> -> memref<125xi32, #tpu.memory_space<vmem>>
        %dma_start3A_79 = arith.constant 0 : i32
        %dma_start3A_80 = arith.constant 0 : i32
        %dma_start3A_81 = tpu.memref_slice %arg11[%dma_start3A_79, %dma_start3A_80] : memref<10240x128xf32, #tpu.memory_space<vmem_shared>> -> memref<10240x128xf32, #tpu.memory_space<vmem_shared>>
        tpu.enqueue_indirect_dma source(%arg10 : memref<125x128xf32, #tpu.memory_space<vmem>>) target(%dma_start3A_81 : memref<10240x128xf32, #tpu.memory_space<vmem_shared>>) offsets(%dma_start3A_78 : memref<125xi32, #tpu.memory_space<vmem>>) semaphore(%run_scoped3A : memref<!tpu.dma_semaphore, #tpu.memory_space<semaphore_mem>>) {add = true}
        %dma_wait3A_82 = arith.constant 0 : i32
        %dma_wait3A_83 = tpu.memref_slice %arg8[%add3A_43, %dma_wait3A_82] : memref<8x125xi32, #tpu.memory_space<vmem>> -> memref<1x125xi32, #tpu.memory_space<vmem>>
        %dma_wait3A_84 = tpu.memref_squeeze %dma_wait3A_83 : memref<1x125xi32, #tpu.memory_space<vmem>> -> memref<125xi32, #tpu.memory_space<vmem>>
        %dma_wait3A_85 = arith.constant 0 : i32
        %dma_wait3A_86 = arith.constant 0 : i32
        %dma_wait3A_87 = tpu.memref_slice %arg11[%dma_wait3A_85, %dma_wait3A_86] : memref<10240x128xf32, #tpu.memory_space<vmem_shared>> -> memref<10240x128xf32, #tpu.memory_space<vmem_shared>>
        tpu.wait_indirect_dma semaphore(%run_scoped3A : memref<!tpu.dma_semaphore, #tpu.memory_space<semaphore_mem>>) src(%arg10 : memref<125x128xf32, #tpu.memory_space<vmem>>) dst(%dma_wait3A_87 : memref<10240x128xf32, #tpu.memory_space<vmem_shared>>)
        tpu.yield
      }) : () -> ()
      %convert_element_type3A_72 = arith.extui %and3A_50 : i1 to i32
      %cond3A_73 = arith.constant 0 : i32
      %cond3A_74 = arith.cmpi ne, %convert_element_type3A_72, %cond3A_73 : i32
      scf.if %cond3A_74 {
        %mul3A_76 = arith.constant 80 : i32
        %mul3A_77 = arith.muli %add3A, %mul3A_76 : i32
        %add3A_78 = arith.addi %mul3A_77, %mul3A_32 : i32
        %add3A_79 = arith.constant 2 : i32
        %add3A_80 = arith.addi %add3A_78, %add3A_79 : i32
        %multiple_of3A = tpu.assume_multiple %add3A_80, 8 : i32
        "tpu.region"() ({
          %run_scoped3A = tpu.sem_alloc : memref<!tpu.dma_semaphore, #tpu.memory_space<semaphore_mem>>
          %dma_start3A_81 = arith.constant 0 : i32
          %dma_start3A_82 = tpu.memref_slice %arg4[%multiple_of3A, %dma_start3A_81] : memref<2560x125xi32, #tpu.memory_space<hbm>> -> memref<8x125xi32, #tpu.memory_space<hbm>>
          %dma_start3A_83 = arith.constant 0 : i32
          %dma_start3A_84 = tpu.memref_slice %arg4[%multiple_of3A, %dma_start3A_83] : memref<2560x125xi32, #tpu.memory_space<hbm>> -> memref<8x125xi32, #tpu.memory_space<hbm>>
          tpu.enqueue_dma source(%dma_start3A_84 : memref<8x125xi32, #tpu.memory_space<hbm>>) target(%arg8 : memref<8x125xi32, #tpu.memory_space<vmem>>) target_semaphore(%run_scoped3A : memref<!tpu.dma_semaphore, #tpu.memory_space<semaphore_mem>>)
          %dma_wait3A_85 = arith.constant 0 : i32
          %dma_wait3A_86 = tpu.memref_slice %arg4[%multiple_of3A, %dma_wait3A_85] : memref<2560x125xi32, #tpu.memory_space<hbm>> -> memref<8x125xi32, #tpu.memory_space<hbm>>
          %dma_wait3A_87 = arith.constant 0 : i32
          %dma_wait3A_88 = tpu.memref_slice %arg4[%multiple_of3A, %dma_wait3A_87] : memref<2560x125xi32, #tpu.memory_space<hbm>> -> memref<8x125xi32, #tpu.memory_space<hbm>>
          tpu.wait_dma2 semaphore(%run_scoped3A : memref<!tpu.dma_semaphore, #tpu.memory_space<semaphore_mem>>) src(%dma_wait3A_88 : memref<8x125xi32, #tpu.memory_space<hbm>>) dst(%arg8 : memref<8x125xi32, #tpu.memory_space<vmem>>)
          tpu.yield
        }) : () -> ()
      } else {
      }
      %scan3A_75 = arith.constant 0 : i32
      scf.yield %scan3A_75 : i32
    }
    %scan3A_23 = arith.constant 40 : i32
    %barrier3A_24 = arith.constant 0 : index
    tpu.barrier barrier_id(%barrier3A_24)
    %mul3A_25 = arith.constant 640 : i32
    %mul3A_26 = arith.muli %arg1, %mul3A_25 : i32
    %mul3A_27 = arith.constant 640 : i32
    %mul3A_28 = arith.muli %arg1, %mul3A_27 : i32
    "tpu.region"() ({
      %run_scoped3A = tpu.sem_alloc : memref<!tpu.dma_semaphore, #tpu.memory_space<semaphore_mem>>
      %dma_start3A_29 = arith.constant 0 : i32
      %dma_start3A_30 = tpu.memref_slice %arg6[%arg0, %mul3A_28, %dma_start3A_29] : memref<2x10240x128xf32, #tpu.memory_space<hbm>> -> memref<1x640x128xf32, #tpu.memory_space<hbm>>
      %dma_start3A_31 = tpu.memref_squeeze %dma_start3A_30 : memref<1x640x128xf32, #tpu.memory_space<hbm>> -> memref<640x128xf32, #tpu.memory_space<hbm>>
      %dma_start3A_32 = arith.constant 0 : i32
      %dma_start3A_33 = tpu.memref_slice %arg11[%mul3A_26, %dma_start3A_32] : memref<10240x128xf32, #tpu.memory_space<vmem_shared>> -> memref<640x128xf32, #tpu.memory_space<vmem_shared>>
      tpu.enqueue_dma source(%dma_start3A_33 : memref<640x128xf32, #tpu.memory_space<vmem_shared>>) target(%dma_start3A_31 : memref<640x128xf32, #tpu.memory_space<hbm>>) target_semaphore(%run_scoped3A : memref<!tpu.dma_semaphore, #tpu.memory_space<semaphore_mem>>)
      %dma_wait3A = arith.constant 0 : i32
      %dma_wait3A_34 = tpu.memref_slice %arg6[%arg0, %mul3A_28, %dma_wait3A] : memref<2x10240x128xf32, #tpu.memory_space<hbm>> -> memref<1x640x128xf32, #tpu.memory_space<hbm>>
      %dma_wait3A_35 = tpu.memref_squeeze %dma_wait3A_34 : memref<1x640x128xf32, #tpu.memory_space<hbm>> -> memref<640x128xf32, #tpu.memory_space<hbm>>
      %dma_wait3A_36 = arith.constant 0 : i32
      %dma_wait3A_37 = tpu.memref_slice %arg11[%mul3A_26, %dma_wait3A_36] : memref<10240x128xf32, #tpu.memory_space<vmem_shared>> -> memref<640x128xf32, #tpu.memory_space<vmem_shared>>
      tpu.wait_dma2 semaphore(%run_scoped3A : memref<!tpu.dma_semaphore, #tpu.memory_space<semaphore_mem>>) src(%dma_wait3A_37 : memref<640x128xf32, #tpu.memory_space<vmem_shared>>) dst(%dma_wait3A_35 : memref<640x128xf32, #tpu.memory_space<hbm>>)
      tpu.yield
    }) : () -> ()
    return
  }
}

#map = affine_map<(d0, d1) -> (0, 0)>
#map1 = affine_map<(d0, d1) -> (0, 0, 0)>
module attributes {stable_mosaic.version = 14 : i64} {
  func.func @scatter_kernel(%arg0: i32, %arg1: i32, %arg2: memref<10000x128xf32, #tpu.memory_space<hbm>>, %arg3: memref<2560x125xi32, #tpu.memory_space<hbm>>, %arg4: memref<2560x125xi32, #tpu.memory_space<hbm>>, %arg5: memref<80x128xf32, #tpu.memory_space<hbm>>, %arg6: memref<2x10240x128xf32, #tpu.memory_space<hbm>>, %arg7: memref<8x125xi32, #tpu.memory_space<vmem>>, %arg8: memref<8x125xi32, #tpu.memory_space<vmem>>, %arg9: memref<125x128xf32, #tpu.memory_space<vmem>>, %arg10: memref<125x128xf32, #tpu.memory_space<vmem>>, %arg11: memref<10240x128xf32, #tpu.memory_space<vmem_shared>>, %arg12: memref<!tpu.dma_semaphore, #tpu.memory_space<semaphore_mem>>, %arg13: memref<!tpu.dma_semaphore, #tpu.memory_space<semaphore_mem>>) attributes {dimension_semantics = [#tpu.dimension_semantics<core_parallel>, #tpu.dimension_semantics<subcore_parallel>], iteration_bounds = array<i64: 2, 16>, scalar_prefetch = 0 : i64, scratch_operands = 7 : i64, tpu.core_type = #tpu.core_type<sc_vector_subcore>, window_params = [{transform_indices = #map}, {transform_indices = #map}, {transform_indices = #map}, {transform_indices = #map}, {transform_indices = #map1}]} {
    %mul3A = arith.constant 16 : i32
    %mul3A_0 = arith.muli %arg0, %mul3A : i32
    %add3A = arith.addi %mul3A_0, %arg1 : i32
    %scan3A = arith.constant 0 : i32
    %scan3A_1 = arith.constant 0 : i32
    %scan3A_2 = arith.constant 8 : i32
    %scan3A_3 = arith.addi %scan3A_1, %scan3A_2 : i32
    %scan3A_4 = arith.constant 1 : i32
    %scan3A_5 = scf.for %scan3A_29 = %scan3A_1 to %scan3A_3 step %scan3A_4 iter_args(%scan3A_30 = %scan3A) -> (i32)  : i32 {
      %mul3A_31 = arith.constant 640 : i32
      %mul3A_32 = arith.muli %arg1, %mul3A_31 : i32
      %mul3A_33 = arith.constant 80 : i32
      %mul3A_34 = arith.muli %scan3A_29, %mul3A_33 : i32
      %add3A_35 = arith.addi %mul3A_32, %mul3A_34 : i32
      "tpu.region"() ({
        %run_scoped3A = tpu.sem_alloc : memref<!tpu.dma_semaphore, #tpu.memory_space<semaphore_mem>>
        %dma_start3A_37 = arith.constant 0 : i32
        %dma_start3A_38 = tpu.memref_slice %arg11[%add3A_35, %dma_start3A_37] : memref<10240x128xf32, #tpu.memory_space<vmem_shared>> -> memref<80x128xf32, #tpu.memory_space<vmem_shared>>
        %dma_start3A_39 = arith.constant 0 : i32
        %dma_start3A_40 = arith.constant 0 : i32
        %dma_start3A_41 = tpu.memref_slice %arg5[%dma_start3A_39, %dma_start3A_40] : memref<80x128xf32, #tpu.memory_space<hbm>> -> memref<80x128xf32, #tpu.memory_space<hbm>>
        tpu.enqueue_dma source(%dma_start3A_41 : memref<80x128xf32, #tpu.memory_space<hbm>>) target(%dma_start3A_38 : memref<80x128xf32, #tpu.memory_space<vmem_shared>>) target_semaphore(%run_scoped3A : memref<!tpu.dma_semaphore, #tpu.memory_space<semaphore_mem>>)
        %dma_wait3A = arith.constant 0 : i32
        %dma_wait3A_42 = tpu.memref_slice %arg11[%add3A_35, %dma_wait3A] : memref<10240x128xf32, #tpu.memory_space<vmem_shared>> -> memref<80x128xf32, #tpu.memory_space<vmem_shared>>
        %dma_wait3A_43 = arith.constant 0 : i32
        %dma_wait3A_44 = arith.constant 0 : i32
        %dma_wait3A_45 = tpu.memref_slice %arg5[%dma_wait3A_43, %dma_wait3A_44] : memref<80x128xf32, #tpu.memory_space<hbm>> -> memref<80x128xf32, #tpu.memory_space<hbm>>
        tpu.wait_dma2 semaphore(%run_scoped3A : memref<!tpu.dma_semaphore, #tpu.memory_space<semaphore_mem>>) src(%dma_wait3A_45 : memref<80x128xf32, #tpu.memory_space<hbm>>) dst(%dma_wait3A_42 : memref<80x128xf32, #tpu.memory_space<vmem_shared>>)
        tpu.yield
      }) : () -> ()
      %scan3A_36 = arith.constant 0 : i32
      scf.yield %scan3A_36 : i32
    }
    %scan3A_6 = arith.constant 8 : i32
    %barrier3A = arith.constant 0 : index
    tpu.barrier barrier_id(%barrier3A)
    %mul3A_7 = arith.constant 80 : i32
    %mul3A_8 = arith.muli %add3A, %mul3A_7 : i32
    "tpu.region"() ({
      %run_scoped3A = tpu.sem_alloc : memref<!tpu.dma_semaphore, #tpu.memory_space<semaphore_mem>>
      %dma_start3A_29 = arith.constant 0 : i32
      %dma_start3A_30 = tpu.memref_slice %arg3[%mul3A_8, %dma_start3A_29] : memref<2560x125xi32, #tpu.memory_space<hbm>> -> memref<8x125xi32, #tpu.memory_space<hbm>>
      %dma_start3A_31 = arith.constant 0 : i32
      %dma_start3A_32 = tpu.memref_slice %arg3[%mul3A_8, %dma_start3A_31] : memref<2560x125xi32, #tpu.memory_space<hbm>> -> memref<8x125xi32, #tpu.memory_space<hbm>>
      tpu.enqueue_dma source(%dma_start3A_32 : memref<8x125xi32, #tpu.memory_space<hbm>>) target(%arg7 : memref<8x125xi32, #tpu.memory_space<vmem>>) target_semaphore(%run_scoped3A : memref<!tpu.dma_semaphore, #tpu.memory_space<semaphore_mem>>)
      %dma_wait3A = arith.constant 0 : i32
      %dma_wait3A_33 = tpu.memref_slice %arg3[%mul3A_8, %dma_wait3A] : memref<2560x125xi32, #tpu.memory_space<hbm>> -> memref<8x125xi32, #tpu.memory_space<hbm>>
      %dma_wait3A_34 = arith.constant 0 : i32
      %dma_wait3A_35 = tpu.memref_slice %arg3[%mul3A_8, %dma_wait3A_34] : memref<2560x125xi32, #tpu.memory_space<hbm>> -> memref<8x125xi32, #tpu.memory_space<hbm>>
      tpu.wait_dma2 semaphore(%run_scoped3A : memref<!tpu.dma_semaphore, #tpu.memory_space<semaphore_mem>>) src(%dma_wait3A_35 : memref<8x125xi32, #tpu.memory_space<hbm>>) dst(%arg7 : memref<8x125xi32, #tpu.memory_space<vmem>>)
      tpu.yield
    }) : () -> ()
    %mul3A_9 = arith.constant 80 : i32
    %mul3A_10 = arith.muli %add3A, %mul3A_9 : i32
    "tpu.region"() ({
      %run_scoped3A = tpu.sem_alloc : memref<!tpu.dma_semaphore, #tpu.memory_space<semaphore_mem>>
      %dma_start3A_29 = arith.constant 0 : i32
      %dma_start3A_30 = tpu.memref_slice %arg4[%mul3A_10, %dma_start3A_29] : memref<2560x125xi32, #tpu.memory_space<hbm>> -> memref<8x125xi32, #tpu.memory_space<hbm>>
      %dma_start3A_31 = arith.constant 0 : i32
      %dma_start3A_32 = tpu.memref_slice %arg4[%mul3A_10, %dma_start3A_31] : memref<2560x125xi32, #tpu.memory_space<hbm>> -> memref<8x125xi32, #tpu.memory_space<hbm>>
      tpu.enqueue_dma source(%dma_start3A_32 : memref<8x125xi32, #tpu.memory_space<hbm>>) target(%arg8 : memref<8x125xi32, #tpu.memory_space<vmem>>) target_semaphore(%run_scoped3A : memref<!tpu.dma_semaphore, #tpu.memory_space<semaphore_mem>>)
      %dma_wait3A = arith.constant 0 : i32
      %dma_wait3A_33 = tpu.memref_slice %arg4[%mul3A_10, %dma_wait3A] : memref<2560x125xi32, #tpu.memory_space<hbm>> -> memref<8x125xi32, #tpu.memory_space<hbm>>
      %dma_wait3A_34 = arith.constant 0 : i32
      %dma_wait3A_35 = tpu.memref_slice %arg4[%mul3A_10, %dma_wait3A_34] : memref<2560x125xi32, #tpu.memory_space<hbm>> -> memref<8x125xi32, #tpu.memory_space<hbm>>
      tpu.wait_dma2 semaphore(%run_scoped3A : memref<!tpu.dma_semaphore, #tpu.memory_space<semaphore_mem>>) src(%dma_wait3A_35 : memref<8x125xi32, #tpu.memory_space<hbm>>) dst(%arg8 : memref<8x125xi32, #tpu.memory_space<vmem>>)
      tpu.yield
    }) : () -> ()
    %dma_start3A = arith.constant 0 : i32
    %dma_start3A_11 = arith.constant 0 : i32
    %dma_start3A_12 = tpu.memref_slice %arg7[%dma_start3A, %dma_start3A_11] : memref<8x125xi32, #tpu.memory_space<vmem>> -> memref<1x125xi32, #tpu.memory_space<vmem>>
    %dma_start3A_13 = tpu.memref_squeeze %dma_start3A_12 : memref<1x125xi32, #tpu.memory_space<vmem>> -> memref<125xi32, #tpu.memory_space<vmem>>
    %dma_start3A_14 = arith.constant 0 : i32
    %dma_start3A_15 = arith.constant 0 : i32
    %dma_start3A_16 = tpu.memref_slice %arg2[%dma_start3A_14, %dma_start3A_15] : memref<10000x128xf32, #tpu.memory_space<hbm>> -> memref<10000x128xf32, #tpu.memory_space<hbm>>
    tpu.enqueue_indirect_dma source(%dma_start3A_16 : memref<10000x128xf32, #tpu.memory_space<hbm>>) target(%arg9 : memref<125x128xf32, #tpu.memory_space<vmem>>) offsets(%dma_start3A_13 : memref<125xi32, #tpu.memory_space<vmem>>) semaphore(%arg12 : memref<!tpu.dma_semaphore, #tpu.memory_space<semaphore_mem>>)
    %scan3A_17 = arith.constant 0 : i32
    %scan3A_18 = arith.constant 0 : i32
    %scan3A_19 = arith.constant 40 : i32
    %scan3A_20 = arith.addi %scan3A_18, %scan3A_19 : i32
    %scan3A_21 = arith.constant 1 : i32
    %scan3A_22 = scf.for %scan3A_29 = %scan3A_18 to %scan3A_20 step %scan3A_21 iter_args(%scan3A_30 = %scan3A_17) -> (i32)  : i32 {
      %mul3A_31 = arith.constant 2 : i32
      %mul3A_32 = arith.muli %scan3A_29, %mul3A_31 : i32
      %jit3A = arith.constant 8 : i32
      %eq3A = arith.constant 0 : i32
      %eq3A_33 = arith.cmpi eq, %jit3A, %eq3A : i32
      %jit3A_34 = arith.constant 1 : i32
      %select_n3A = arith.select %eq3A_33, %jit3A_34, %jit3A : i32
      %rem3A = arith.remsi %mul3A_32, %select_n3A : i32
      %ne3A = arith.constant 0 : i32
      %ne3A_35 = arith.cmpi ne, %rem3A, %ne3A : i32
      %lt3A = arith.constant 0 : i32
      %lt3A_36 = arith.cmpi slt, %rem3A, %lt3A : i32
      %lt3A_37 = arith.constant 0 : i32
      %lt3A_38 = arith.cmpi slt, %select_n3A, %lt3A_37 : i32
      %ne3A_39 = arith.xori %lt3A_36, %lt3A_38 : i1
      %and3A = arith.andi %ne3A_39, %ne3A_35 : i1
      %add3A_40 = arith.addi %rem3A, %select_n3A : i32
      %select_n3A_41 = arith.select %and3A, %add3A_40, %rem3A : i32
      %add3A_42 = arith.constant 1 : i32
      %add3A_43 = arith.addi %select_n3A_41, %add3A_42 : i32
      %add3A_44 = arith.constant 2 : i32
      %add3A_45 = arith.addi %mul3A_32, %add3A_44 : i32
      %lt3A_46 = arith.constant 80 : i32
      %lt3A_47 = arith.cmpi slt, %add3A_45, %lt3A_46 : i32
      %eq3A_48 = arith.constant 7 : i32
      %eq3A_49 = arith.cmpi eq, %add3A_43, %eq3A_48 : i32
      %and3A_50 = arith.andi %lt3A_47, %eq3A_49 : i1
      %dma_wait3A = arith.constant 0 : i32
      %dma_wait3A_51 = tpu.memref_slice %arg7[%select_n3A_41, %dma_wait3A] : memref<8x125xi32, #tpu.memory_space<vmem>> -> memref<1x125xi32, #tpu.memory_space<vmem>>
      %dma_wait3A_52 = tpu.memref_squeeze %dma_wait3A_51 : memref<1x125xi32, #tpu.memory_space<vmem>> -> memref<125xi32, #tpu.memory_space<vmem>>
      %dma_wait3A_53 = arith.constant 0 : i32
      %dma_wait3A_54 = arith.constant 0 : i32
      %dma_wait3A_55 = tpu.memref_slice %arg2[%dma_wait3A_53, %dma_wait3A_54] : memref<10000x128xf32, #tpu.memory_space<hbm>> -> memref<10000x128xf32, #tpu.memory_space<hbm>>
      tpu.wait_indirect_dma semaphore(%arg12 : memref<!tpu.dma_semaphore, #tpu.memory_space<semaphore_mem>>) src(%dma_wait3A_55 : memref<10000x128xf32, #tpu.memory_space<hbm>>) dst(%arg9 : memref<125x128xf32, #tpu.memory_space<vmem>>)
      %dma_start3A_56 = arith.constant 0 : i32
      %dma_start3A_57 = tpu.memref_slice %arg7[%add3A_43, %dma_start3A_56] : memref<8x125xi32, #tpu.memory_space<vmem>> -> memref<1x125xi32, #tpu.memory_space<vmem>>
      %dma_start3A_58 = tpu.memref_squeeze %dma_start3A_57 : memref<1x125xi32, #tpu.memory_space<vmem>> -> memref<125xi32, #tpu.memory_space<vmem>>
      %dma_start3A_59 = arith.constant 0 : i32
      %dma_start3A_60 = arith.constant 0 : i32
      %dma_start3A_61 = tpu.memref_slice %arg2[%dma_start3A_59, %dma_start3A_60] : memref<10000x128xf32, #tpu.memory_space<hbm>> -> memref<10000x128xf32, #tpu.memory_space<hbm>>
      tpu.enqueue_indirect_dma source(%dma_start3A_61 : memref<10000x128xf32, #tpu.memory_space<hbm>>) target(%arg10 : memref<125x128xf32, #tpu.memory_space<vmem>>) offsets(%dma_start3A_58 : memref<125xi32, #tpu.memory_space<vmem>>) semaphore(%arg13 : memref<!tpu.dma_semaphore, #tpu.memory_space<semaphore_mem>>)
      "tpu.region"() ({
        %run_scoped3A = tpu.sem_alloc : memref<!tpu.dma_semaphore, #tpu.memory_space<semaphore_mem>>
        %dma_start3A_76 = arith.constant 0 : i32
        %dma_start3A_77 = tpu.memref_slice %arg8[%select_n3A_41, %dma_start3A_76] : memref<8x125xi32, #tpu.memory_space<vmem>> -> memref<1x125xi32, #tpu.memory_space<vmem>>
        %dma_start3A_78 = tpu.memref_squeeze %dma_start3A_77 : memref<1x125xi32, #tpu.memory_space<vmem>> -> memref<125xi32, #tpu.memory_space<vmem>>
        %dma_start3A_79 = arith.constant 0 : i32
        %dma_start3A_80 = arith.constant 0 : i32
        %dma_start3A_81 = tpu.memref_slice %arg11[%dma_start3A_79, %dma_start3A_80] : memref<10240x128xf32, #tpu.memory_space<vmem_shared>> -> memref<10240x128xf32, #tpu.memory_space<vmem_shared>>
        tpu.enqueue_indirect_dma source(%arg9 : memref<125x128xf32, #tpu.memory_space<vmem>>) target(%dma_start3A_81 : memref<10240x128xf32, #tpu.memory_space<vmem_shared>>) offsets(%dma_start3A_78 : memref<125xi32, #tpu.memory_space<vmem>>) semaphore(%run_scoped3A : memref<!tpu.dma_semaphore, #tpu.memory_space<semaphore_mem>>) {add = true}
        %dma_wait3A_82 = arith.constant 0 : i32
        %dma_wait3A_83 = tpu.memref_slice %arg8[%select_n3A_41, %dma_wait3A_82] : memref<8x125xi32, #tpu.memory_space<vmem>> -> memref<1x125xi32, #tpu.memory_space<vmem>>
        %dma_wait3A_84 = tpu.memref_squeeze %dma_wait3A_83 : memref<1x125xi32, #tpu.memory_space<vmem>> -> memref<125xi32, #tpu.memory_space<vmem>>
        %dma_wait3A_85 = arith.constant 0 : i32
        %dma_wait3A_86 = arith.constant 0 : i32
        %dma_wait3A_87 = tpu.memref_slice %arg11[%dma_wait3A_85, %dma_wait3A_86] : memref<10240x128xf32, #tpu.memory_space<vmem_shared>> -> memref<10240x128xf32, #tpu.memory_space<vmem_shared>>
        tpu.wait_indirect_dma semaphore(%run_scoped3A : memref<!tpu.dma_semaphore, #tpu.memory_space<semaphore_mem>>) src(%arg9 : memref<125x128xf32, #tpu.memory_space<vmem>>) dst(%dma_wait3A_87 : memref<10240x128xf32, #tpu.memory_space<vmem_shared>>)
        tpu.yield
      }) : () -> ()
      %dma_wait3A_62 = arith.constant 0 : i32
      %dma_wait3A_63 = tpu.memref_slice %arg7[%add3A_43, %dma_wait3A_62] : memref<8x125xi32, #tpu.memory_space<vmem>> -> memref<1x125xi32, #tpu.memory_space<vmem>>
      %dma_wait3A_64 = tpu.memref_squeeze %dma_wait3A_63 : memref<1x125xi32, #tpu.memory_space<vmem>> -> memref<125xi32, #tpu.memory_space<vmem>>
      %dma_wait3A_65 = arith.constant 0 : i32
      %dma_wait3A_66 = arith.constant 0 : i32
      %dma_wait3A_67 = tpu.memref_slice %arg2[%dma_wait3A_65, %dma_wait3A_66] : memref<10000x128xf32, #tpu.memory_space<hbm>> -> memref<10000x128xf32, #tpu.memory_space<hbm>>
      tpu.wait_indirect_dma semaphore(%arg13 : memref<!tpu.dma_semaphore, #tpu.memory_space<semaphore_mem>>) src(%dma_wait3A_67 : memref<10000x128xf32, #tpu.memory_space<hbm>>) dst(%arg10 : memref<125x128xf32, #tpu.memory_space<vmem>>)
      %convert_element_type3A = arith.extui %and3A_50 : i1 to i32
      %cond3A = arith.constant 0 : i32
      %cond3A_68 = arith.cmpi ne, %convert_element_type3A, %cond3A : i32
      scf.if %cond3A_68 {
        %mul3A_76 = arith.constant 80 : i32
        %mul3A_77 = arith.muli %add3A, %mul3A_76 : i32
        %add3A_78 = arith.addi %mul3A_77, %mul3A_32 : i32
        %add3A_79 = arith.constant 2 : i32
        %add3A_80 = arith.addi %add3A_78, %add3A_79 : i32
        %multiple_of3A = tpu.assume_multiple %add3A_80, 8 : i32
        "tpu.region"() ({
          %run_scoped3A = tpu.sem_alloc : memref<!tpu.dma_semaphore, #tpu.memory_space<semaphore_mem>>
          %dma_start3A_81 = arith.constant 0 : i32
          %dma_start3A_82 = tpu.memref_slice %arg3[%multiple_of3A, %dma_start3A_81] : memref<2560x125xi32, #tpu.memory_space<hbm>> -> memref<8x125xi32, #tpu.memory_space<hbm>>
          %dma_start3A_83 = arith.constant 0 : i32
          %dma_start3A_84 = tpu.memref_slice %arg3[%multiple_of3A, %dma_start3A_83] : memref<2560x125xi32, #tpu.memory_space<hbm>> -> memref<8x125xi32, #tpu.memory_space<hbm>>
          tpu.enqueue_dma source(%dma_start3A_84 : memref<8x125xi32, #tpu.memory_space<hbm>>) target(%arg7 : memref<8x125xi32, #tpu.memory_space<vmem>>) target_semaphore(%run_scoped3A : memref<!tpu.dma_semaphore, #tpu.memory_space<semaphore_mem>>)
          %dma_wait3A_85 = arith.constant 0 : i32
          %dma_wait3A_86 = tpu.memref_slice %arg3[%multiple_of3A, %dma_wait3A_85] : memref<2560x125xi32, #tpu.memory_space<hbm>> -> memref<8x125xi32, #tpu.memory_space<hbm>>
          %dma_wait3A_87 = arith.constant 0 : i32
          %dma_wait3A_88 = tpu.memref_slice %arg3[%multiple_of3A, %dma_wait3A_87] : memref<2560x125xi32, #tpu.memory_space<hbm>> -> memref<8x125xi32, #tpu.memory_space<hbm>>
          tpu.wait_dma2 semaphore(%run_scoped3A : memref<!tpu.dma_semaphore, #tpu.memory_space<semaphore_mem>>) src(%dma_wait3A_88 : memref<8x125xi32, #tpu.memory_space<hbm>>) dst(%arg7 : memref<8x125xi32, #tpu.memory_space<vmem>>)
          tpu.yield
        }) : () -> ()
      } else {
      }
      %convert_element_type3A_69 = arith.extui %lt3A_47 : i1 to i32
      %cond3A_70 = arith.constant 0 : i32
      %cond3A_71 = arith.cmpi ne, %convert_element_type3A_69, %cond3A_70 : i32
      scf.if %cond3A_71 {
        %add3A_76 = arith.constant 2 : i32
        %add3A_77 = arith.addi %mul3A_32, %add3A_76 : i32
        %jit3A_78 = arith.constant 8 : i32
        %eq3A_79 = arith.constant 0 : i32
        %eq3A_80 = arith.cmpi eq, %jit3A_78, %eq3A_79 : i32
        %jit3A_81 = arith.constant 1 : i32
        %select_n3A_82 = arith.select %eq3A_80, %jit3A_81, %jit3A_78 : i32
        %rem3A_83 = arith.remsi %add3A_77, %select_n3A_82 : i32
        %ne3A_84 = arith.constant 0 : i32
        %ne3A_85 = arith.cmpi ne, %rem3A_83, %ne3A_84 : i32
        %lt3A_86 = arith.constant 0 : i32
        %lt3A_87 = arith.cmpi slt, %rem3A_83, %lt3A_86 : i32
        %lt3A_88 = arith.constant 0 : i32
        %lt3A_89 = arith.cmpi slt, %select_n3A_82, %lt3A_88 : i32
        %ne3A_90 = arith.xori %lt3A_87, %lt3A_89 : i1
        %and3A_91 = arith.andi %ne3A_90, %ne3A_85 : i1
        %add3A_92 = arith.addi %rem3A_83, %select_n3A_82 : i32
        %select_n3A_93 = arith.select %and3A_91, %add3A_92, %rem3A_83 : i32
        %dma_start3A_94 = arith.constant 0 : i32
        %dma_start3A_95 = tpu.memref_slice %arg7[%select_n3A_93, %dma_start3A_94] : memref<8x125xi32, #tpu.memory_space<vmem>> -> memref<1x125xi32, #tpu.memory_space<vmem>>
        %dma_start3A_96 = tpu.memref_squeeze %dma_start3A_95 : memref<1x125xi32, #tpu.memory_space<vmem>> -> memref<125xi32, #tpu.memory_space<vmem>>
        %dma_start3A_97 = arith.constant 0 : i32
        %dma_start3A_98 = arith.constant 0 : i32
        %dma_start3A_99 = tpu.memref_slice %arg2[%dma_start3A_97, %dma_start3A_98] : memref<10000x128xf32, #tpu.memory_space<hbm>> -> memref<10000x128xf32, #tpu.memory_space<hbm>>
        tpu.enqueue_indirect_dma source(%dma_start3A_99 : memref<10000x128xf32, #tpu.memory_space<hbm>>) target(%arg9 : memref<125x128xf32, #tpu.memory_space<vmem>>) offsets(%dma_start3A_96 : memref<125xi32, #tpu.memory_space<vmem>>) semaphore(%arg12 : memref<!tpu.dma_semaphore, #tpu.memory_space<semaphore_mem>>)
      } else {
      }
      "tpu.region"() ({
        %run_scoped3A = tpu.sem_alloc : memref<!tpu.dma_semaphore, #tpu.memory_space<semaphore_mem>>
        %dma_start3A_76 = arith.constant 0 : i32
        %dma_start3A_77 = tpu.memref_slice %arg8[%add3A_43, %dma_start3A_76] : memref<8x125xi32, #tpu.memory_space<vmem>> -> memref<1x125xi32, #tpu.memory_space<vmem>>
        %dma_start3A_78 = tpu.memref_squeeze %dma_start3A_77 : memref<1x125xi32, #tpu.memory_space<vmem>> -> memref<125xi32, #tpu.memory_space<vmem>>
        %dma_start3A_79 = arith.constant 0 : i32
        %dma_start3A_80 = arith.constant 0 : i32
        %dma_start3A_81 = tpu.memref_slice %arg11[%dma_start3A_79, %dma_start3A_80] : memref<10240x128xf32, #tpu.memory_space<vmem_shared>> -> memref<10240x128xf32, #tpu.memory_space<vmem_shared>>
        tpu.enqueue_indirect_dma source(%arg10 : memref<125x128xf32, #tpu.memory_space<vmem>>) target(%dma_start3A_81 : memref<10240x128xf32, #tpu.memory_space<vmem_shared>>) offsets(%dma_start3A_78 : memref<125xi32, #tpu.memory_space<vmem>>) semaphore(%run_scoped3A : memref<!tpu.dma_semaphore, #tpu.memory_space<semaphore_mem>>) {add = true}
        %dma_wait3A_82 = arith.constant 0 : i32
        %dma_wait3A_83 = tpu.memref_slice %arg8[%add3A_43, %dma_wait3A_82] : memref<8x125xi32, #tpu.memory_space<vmem>> -> memref<1x125xi32, #tpu.memory_space<vmem>>
        %dma_wait3A_84 = tpu.memref_squeeze %dma_wait3A_83 : memref<1x125xi32, #tpu.memory_space<vmem>> -> memref<125xi32, #tpu.memory_space<vmem>>
        %dma_wait3A_85 = arith.constant 0 : i32
        %dma_wait3A_86 = arith.constant 0 : i32
        %dma_wait3A_87 = tpu.memref_slice %arg11[%dma_wait3A_85, %dma_wait3A_86] : memref<10240x128xf32, #tpu.memory_space<vmem_shared>> -> memref<10240x128xf32, #tpu.memory_space<vmem_shared>>
        tpu.wait_indirect_dma semaphore(%run_scoped3A : memref<!tpu.dma_semaphore, #tpu.memory_space<semaphore_mem>>) src(%arg10 : memref<125x128xf32, #tpu.memory_space<vmem>>) dst(%dma_wait3A_87 : memref<10240x128xf32, #tpu.memory_space<vmem_shared>>)
        tpu.yield
      }) : () -> ()
      %convert_element_type3A_72 = arith.extui %and3A_50 : i1 to i32
      %cond3A_73 = arith.constant 0 : i32
      %cond3A_74 = arith.cmpi ne, %convert_element_type3A_72, %cond3A_73 : i32
      scf.if %cond3A_74 {
        %mul3A_76 = arith.constant 80 : i32
        %mul3A_77 = arith.muli %add3A, %mul3A_76 : i32
        %add3A_78 = arith.addi %mul3A_77, %mul3A_32 : i32
        %add3A_79 = arith.constant 2 : i32
        %add3A_80 = arith.addi %add3A_78, %add3A_79 : i32
        %multiple_of3A = tpu.assume_multiple %add3A_80, 8 : i32
        "tpu.region"() ({
          %run_scoped3A = tpu.sem_alloc : memref<!tpu.dma_semaphore, #tpu.memory_space<semaphore_mem>>
          %dma_start3A_81 = arith.constant 0 : i32
          %dma_start3A_82 = tpu.memref_slice %arg4[%multiple_of3A, %dma_start3A_81] : memref<2560x125xi32, #tpu.memory_space<hbm>> -> memref<8x125xi32, #tpu.memory_space<hbm>>
          %dma_start3A_83 = arith.constant 0 : i32
          %dma_start3A_84 = tpu.memref_slice %arg4[%multiple_of3A, %dma_start3A_83] : memref<2560x125xi32, #tpu.memory_space<hbm>> -> memref<8x125xi32, #tpu.memory_space<hbm>>
          tpu.enqueue_dma source(%dma_start3A_84 : memref<8x125xi32, #tpu.memory_space<hbm>>) target(%arg8 : memref<8x125xi32, #tpu.memory_space<vmem>>) target_semaphore(%run_scoped3A : memref<!tpu.dma_semaphore, #tpu.memory_space<semaphore_mem>>)
          %dma_wait3A_85 = arith.constant 0 : i32
          %dma_wait3A_86 = tpu.memref_slice %arg4[%multiple_of3A, %dma_wait3A_85] : memref<2560x125xi32, #tpu.memory_space<hbm>> -> memref<8x125xi32, #tpu.memory_space<hbm>>
          %dma_wait3A_87 = arith.constant 0 : i32
          %dma_wait3A_88 = tpu.memref_slice %arg4[%multiple_of3A, %dma_wait3A_87] : memref<2560x125xi32, #tpu.memory_space<hbm>> -> memref<8x125xi32, #tpu.memory_space<hbm>>
          tpu.wait_dma2 semaphore(%run_scoped3A : memref<!tpu.dma_semaphore, #tpu.memory_space<semaphore_mem>>) src(%dma_wait3A_88 : memref<8x125xi32, #tpu.memory_space<hbm>>) dst(%arg8 : memref<8x125xi32, #tpu.memory_space<vmem>>)
          tpu.yield
        }) : () -> ()
      } else {
      }
      %scan3A_75 = arith.constant 0 : i32
      scf.yield %scan3A_75 : i32
    }
    %scan3A_23 = arith.constant 40 : i32
    %barrier3A_24 = arith.constant 0 : index
    tpu.barrier barrier_id(%barrier3A_24)
    %mul3A_25 = arith.constant 640 : i32
    %mul3A_26 = arith.muli %arg1, %mul3A_25 : i32
    %mul3A_27 = arith.constant 640 : i32
    %mul3A_28 = arith.muli %arg1, %mul3A_27 : i32
    "tpu.region"() ({
      %run_scoped3A = tpu.sem_alloc : memref<!tpu.dma_semaphore, #tpu.memory_space<semaphore_mem>>
      %dma_start3A_29 = arith.constant 0 : i32
      %dma_start3A_30 = tpu.memref_slice %arg6[%arg0, %mul3A_28, %dma_start3A_29] : memref<2x10240x128xf32, #tpu.memory_space<hbm>> -> memref<1x640x128xf32, #tpu.memory_space<hbm>>
      %dma_start3A_31 = tpu.memref_squeeze %dma_start3A_30 : memref<1x640x128xf32, #tpu.memory_space<hbm>> -> memref<640x128xf32, #tpu.memory_space<hbm>>
      %dma_start3A_32 = arith.constant 0 : i32
      %dma_start3A_33 = tpu.memref_slice %arg11[%mul3A_26, %dma_start3A_32] : memref<10240x128xf32, #tpu.memory_space<vmem_shared>> -> memref<640x128xf32, #tpu.memory_space<vmem_shared>>
      tpu.enqueue_dma source(%dma_start3A_33 : memref<640x128xf32, #tpu.memory_space<vmem_shared>>) target(%dma_start3A_31 : memref<640x128xf32, #tpu.memory_space<hbm>>) target_semaphore(%run_scoped3A : memref<!tpu.dma_semaphore, #tpu.memory_space<semaphore_mem>>)
      %dma_wait3A = arith.constant 0 : i32
      %dma_wait3A_34 = tpu.memref_slice %arg6[%arg0, %mul3A_28, %dma_wait3A] : memref<2x10240x128xf32, #tpu.memory_space<hbm>> -> memref<1x640x128xf32, #tpu.memory_space<hbm>>
      %dma_wait3A_35 = tpu.memref_squeeze %dma_wait3A_34 : memref<1x640x128xf32, #tpu.memory_space<hbm>> -> memref<640x128xf32, #tpu.memory_space<hbm>>
      %dma_wait3A_36 = arith.constant 0 : i32
      %dma_wait3A_37 = tpu.memref_slice %arg11[%mul3A_26, %dma_wait3A_36] : memref<10240x128xf32, #tpu.memory_space<vmem_shared>> -> memref<640x128xf32, #tpu.memory_space<vmem_shared>>
      tpu.wait_dma2 semaphore(%run_scoped3A : memref<!tpu.dma_semaphore, #tpu.memory_space<semaphore_mem>>) src(%dma_wait3A_37 : memref<640x128xf32, #tpu.memory_space<vmem_shared>>) dst(%dma_wait3A_35 : memref<640x128xf32, #tpu.memory_space<hbm>>)
      tpu.yield
    }) : () -> ()
    return
  }
}

#map = affine_map<(d0, d1) -> (0, 0)>
#map1 = affine_map<(d0, d1) -> (0, 0, 0)>
module attributes {stable_mosaic.version = 14 : i64} {
  func.func @scatter_kernel(%arg0: i32, %arg1: i32, %arg2: memref<10000x128xf32, #tpu.memory_space<hbm>>, %arg3: memref<2560x125xi32, #tpu.memory_space<hbm>>, %arg4: memref<2560x125xi32, #tpu.memory_space<hbm>>, %arg5: memref<80x128xf32, #tpu.memory_space<hbm>>, %arg6: memref<2x10240x128xf32, #tpu.memory_space<hbm>>, %arg7: memref<8x125xi32, #tpu.memory_space<vmem>>, %arg8: memref<8x125xi32, #tpu.memory_space<vmem>>, %arg9: memref<125x128xf32, #tpu.memory_space<vmem>>, %arg10: memref<125x128xf32, #tpu.memory_space<vmem>>, %arg11: memref<10240x128xf32, #tpu.memory_space<vmem_shared>>, %arg12: memref<!tpu.dma_semaphore, #tpu.memory_space<semaphore_mem>>, %arg13: memref<!tpu.dma_semaphore, #tpu.memory_space<semaphore_mem>>) attributes {dimension_semantics = [#tpu.dimension_semantics<core_parallel>, #tpu.dimension_semantics<subcore_parallel>], iteration_bounds = array<i64: 2, 16>, scalar_prefetch = 0 : i64, scratch_operands = 7 : i64, tpu.core_type = #tpu.core_type<sc_vector_subcore>, window_params = [{transform_indices = #map}, {transform_indices = #map}, {transform_indices = #map}, {transform_indices = #map}, {transform_indices = #map1}]} {
    %mul3A = arith.constant 16 : i32
    %mul3A_0 = arith.muli %arg0, %mul3A : i32
    %add3A = arith.addi %mul3A_0, %arg1 : i32
    %scan3A = arith.constant 0 : i32
    %scan3A_1 = arith.constant 0 : i32
    %scan3A_2 = arith.constant 8 : i32
    %scan3A_3 = arith.addi %scan3A_1, %scan3A_2 : i32
    %scan3A_4 = arith.constant 1 : i32
    %scan3A_5 = scf.for %scan3A_29 = %scan3A_1 to %scan3A_3 step %scan3A_4 iter_args(%scan3A_30 = %scan3A) -> (i32)  : i32 {
      %mul3A_31 = arith.constant 640 : i32
      %mul3A_32 = arith.muli %arg1, %mul3A_31 : i32
      %mul3A_33 = arith.constant 80 : i32
      %mul3A_34 = arith.muli %scan3A_29, %mul3A_33 : i32
      %add3A_35 = arith.addi %mul3A_32, %mul3A_34 : i32
      "tpu.region"() ({
        %run_scoped3A = tpu.sem_alloc : memref<!tpu.dma_semaphore, #tpu.memory_space<semaphore_mem>>
        %dma_start3A_37 = arith.constant 0 : i32
        %dma_start3A_38 = tpu.memref_slice %arg11[%add3A_35, %dma_start3A_37] : memref<10240x128xf32, #tpu.memory_space<vmem_shared>> -> memref<80x128xf32, #tpu.memory_space<vmem_shared>>
        %dma_start3A_39 = arith.constant 0 : i32
        %dma_start3A_40 = arith.constant 0 : i32
        %dma_start3A_41 = tpu.memref_slice %arg5[%dma_start3A_39, %dma_start3A_40] : memref<80x128xf32, #tpu.memory_space<hbm>> -> memref<80x128xf32, #tpu.memory_space<hbm>>
        tpu.enqueue_dma source(%dma_start3A_41 : memref<80x128xf32, #tpu.memory_space<hbm>>) target(%dma_start3A_38 : memref<80x128xf32, #tpu.memory_space<vmem_shared>>) target_semaphore(%run_scoped3A : memref<!tpu.dma_semaphore, #tpu.memory_space<semaphore_mem>>)
        %dma_wait3A = arith.constant 0 : i32
        %dma_wait3A_42 = tpu.memref_slice %arg11[%add3A_35, %dma_wait3A] : memref<10240x128xf32, #tpu.memory_space<vmem_shared>> -> memref<80x128xf32, #tpu.memory_space<vmem_shared>>
        %dma_wait3A_43 = arith.constant 0 : i32
        %dma_wait3A_44 = arith.constant 0 : i32
        %dma_wait3A_45 = tpu.memref_slice %arg5[%dma_wait3A_43, %dma_wait3A_44] : memref<80x128xf32, #tpu.memory_space<hbm>> -> memref<80x128xf32, #tpu.memory_space<hbm>>
        tpu.wait_dma2 semaphore(%run_scoped3A : memref<!tpu.dma_semaphore, #tpu.memory_space<semaphore_mem>>) src(%dma_wait3A_45 : memref<80x128xf32, #tpu.memory_space<hbm>>) dst(%dma_wait3A_42 : memref<80x128xf32, #tpu.memory_space<vmem_shared>>)
        tpu.yield
      }) : () -> ()
      %scan3A_36 = arith.constant 0 : i32
      scf.yield %scan3A_36 : i32
    }
    %scan3A_6 = arith.constant 8 : i32
    %barrier3A = arith.constant 0 : index
    tpu.barrier barrier_id(%barrier3A)
    %mul3A_7 = arith.constant 80 : i32
    %mul3A_8 = arith.muli %add3A, %mul3A_7 : i32
    "tpu.region"() ({
      %run_scoped3A = tpu.sem_alloc : memref<!tpu.dma_semaphore, #tpu.memory_space<semaphore_mem>>
      %dma_start3A_29 = arith.constant 0 : i32
      %dma_start3A_30 = tpu.memref_slice %arg3[%mul3A_8, %dma_start3A_29] : memref<2560x125xi32, #tpu.memory_space<hbm>> -> memref<8x125xi32, #tpu.memory_space<hbm>>
      %dma_start3A_31 = arith.constant 0 : i32
      %dma_start3A_32 = tpu.memref_slice %arg3[%mul3A_8, %dma_start3A_31] : memref<2560x125xi32, #tpu.memory_space<hbm>> -> memref<8x125xi32, #tpu.memory_space<hbm>>
      tpu.enqueue_dma source(%dma_start3A_32 : memref<8x125xi32, #tpu.memory_space<hbm>>) target(%arg7 : memref<8x125xi32, #tpu.memory_space<vmem>>) target_semaphore(%run_scoped3A : memref<!tpu.dma_semaphore, #tpu.memory_space<semaphore_mem>>)
      %dma_wait3A = arith.constant 0 : i32
      %dma_wait3A_33 = tpu.memref_slice %arg3[%mul3A_8, %dma_wait3A] : memref<2560x125xi32, #tpu.memory_space<hbm>> -> memref<8x125xi32, #tpu.memory_space<hbm>>
      %dma_wait3A_34 = arith.constant 0 : i32
      %dma_wait3A_35 = tpu.memref_slice %arg3[%mul3A_8, %dma_wait3A_34] : memref<2560x125xi32, #tpu.memory_space<hbm>> -> memref<8x125xi32, #tpu.memory_space<hbm>>
      tpu.wait_dma2 semaphore(%run_scoped3A : memref<!tpu.dma_semaphore, #tpu.memory_space<semaphore_mem>>) src(%dma_wait3A_35 : memref<8x125xi32, #tpu.memory_space<hbm>>) dst(%arg7 : memref<8x125xi32, #tpu.memory_space<vmem>>)
      tpu.yield
    }) : () -> ()
    %mul3A_9 = arith.constant 80 : i32
    %mul3A_10 = arith.muli %add3A, %mul3A_9 : i32
    "tpu.region"() ({
      %run_scoped3A = tpu.sem_alloc : memref<!tpu.dma_semaphore, #tpu.memory_space<semaphore_mem>>
      %dma_start3A_29 = arith.constant 0 : i32
      %dma_start3A_30 = tpu.memref_slice %arg4[%mul3A_10, %dma_start3A_29] : memref<2560x125xi32, #tpu.memory_space<hbm>> -> memref<8x125xi32, #tpu.memory_space<hbm>>
      %dma_start3A_31 = arith.constant 0 : i32
      %dma_start3A_32 = tpu.memref_slice %arg4[%mul3A_10, %dma_start3A_31] : memref<2560x125xi32, #tpu.memory_space<hbm>> -> memref<8x125xi32, #tpu.memory_space<hbm>>
      tpu.enqueue_dma source(%dma_start3A_32 : memref<8x125xi32, #tpu.memory_space<hbm>>) target(%arg8 : memref<8x125xi32, #tpu.memory_space<vmem>>) target_semaphore(%run_scoped3A : memref<!tpu.dma_semaphore, #tpu.memory_space<semaphore_mem>>)
      %dma_wait3A = arith.constant 0 : i32
      %dma_wait3A_33 = tpu.memref_slice %arg4[%mul3A_10, %dma_wait3A] : memref<2560x125xi32, #tpu.memory_space<hbm>> -> memref<8x125xi32, #tpu.memory_space<hbm>>
      %dma_wait3A_34 = arith.constant 0 : i32
      %dma_wait3A_35 = tpu.memref_slice %arg4[%mul3A_10, %dma_wait3A_34] : memref<2560x125xi32, #tpu.memory_space<hbm>> -> memref<8x125xi32, #tpu.memory_space<hbm>>
      tpu.wait_dma2 semaphore(%run_scoped3A : memref<!tpu.dma_semaphore, #tpu.memory_space<semaphore_mem>>) src(%dma_wait3A_35 : memref<8x125xi32, #tpu.memory_space<hbm>>) dst(%arg8 : memref<8x125xi32, #tpu.memory_space<vmem>>)
      tpu.yield
    }) : () -> ()
    %dma_start3A = arith.constant 0 : i32
    %dma_start3A_11 = arith.constant 0 : i32
    %dma_start3A_12 = tpu.memref_slice %arg7[%dma_start3A, %dma_start3A_11] : memref<8x125xi32, #tpu.memory_space<vmem>> -> memref<1x125xi32, #tpu.memory_space<vmem>>
    %dma_start3A_13 = tpu.memref_squeeze %dma_start3A_12 : memref<1x125xi32, #tpu.memory_space<vmem>> -> memref<125xi32, #tpu.memory_space<vmem>>
    %dma_start3A_14 = arith.constant 0 : i32
    %dma_start3A_15 = arith.constant 0 : i32
    %dma_start3A_16 = tpu.memref_slice %arg2[%dma_start3A_14, %dma_start3A_15] : memref<10000x128xf32, #tpu.memory_space<hbm>> -> memref<10000x128xf32, #tpu.memory_space<hbm>>
    tpu.enqueue_indirect_dma source(%dma_start3A_16 : memref<10000x128xf32, #tpu.memory_space<hbm>>) target(%arg9 : memref<125x128xf32, #tpu.memory_space<vmem>>) offsets(%dma_start3A_13 : memref<125xi32, #tpu.memory_space<vmem>>) semaphore(%arg12 : memref<!tpu.dma_semaphore, #tpu.memory_space<semaphore_mem>>)
    %scan3A_17 = arith.constant 0 : i32
    %scan3A_18 = arith.constant 0 : i32
    %scan3A_19 = arith.constant 40 : i32
    %scan3A_20 = arith.addi %scan3A_18, %scan3A_19 : i32
    %scan3A_21 = arith.constant 1 : i32
    %scan3A_22 = scf.for %scan3A_29 = %scan3A_18 to %scan3A_20 step %scan3A_21 iter_args(%scan3A_30 = %scan3A_17) -> (i32)  : i32 {
      %mul3A_31 = arith.constant 2 : i32
      %mul3A_32 = arith.muli %scan3A_29, %mul3A_31 : i32
      %jit3A = arith.constant 8 : i32
      %eq3A = arith.constant 0 : i32
      %eq3A_33 = arith.cmpi eq, %jit3A, %eq3A : i32
      %jit3A_34 = arith.constant 1 : i32
      %select_n3A = arith.select %eq3A_33, %jit3A_34, %jit3A : i32
      %rem3A = arith.remsi %mul3A_32, %select_n3A : i32
      %ne3A = arith.constant 0 : i32
      %ne3A_35 = arith.cmpi ne, %rem3A, %ne3A : i32
      %lt3A = arith.constant 0 : i32
      %lt3A_36 = arith.cmpi slt, %rem3A, %lt3A : i32
      %lt3A_37 = arith.constant 0 : i32
      %lt3A_38 = arith.cmpi slt, %select_n3A, %lt3A_37 : i32
      %ne3A_39 = arith.xori %lt3A_36, %lt3A_38 : i1
      %and3A = arith.andi %ne3A_39, %ne3A_35 : i1
      %add3A_40 = arith.addi %rem3A, %select_n3A : i32
      %select_n3A_41 = arith.select %and3A, %add3A_40, %rem3A : i32
      %add3A_42 = arith.constant 1 : i32
      %add3A_43 = arith.addi %select_n3A_41, %add3A_42 : i32
      %add3A_44 = arith.constant 2 : i32
      %add3A_45 = arith.addi %mul3A_32, %add3A_44 : i32
      %lt3A_46 = arith.constant 80 : i32
      %lt3A_47 = arith.cmpi slt, %add3A_45, %lt3A_46 : i32
      %eq3A_48 = arith.constant 7 : i32
      %eq3A_49 = arith.cmpi eq, %add3A_43, %eq3A_48 : i32
      %and3A_50 = arith.andi %lt3A_47, %eq3A_49 : i1
      %dma_wait3A = arith.constant 0 : i32
      %dma_wait3A_51 = tpu.memref_slice %arg7[%select_n3A_41, %dma_wait3A] : memref<8x125xi32, #tpu.memory_space<vmem>> -> memref<1x125xi32, #tpu.memory_space<vmem>>
      %dma_wait3A_52 = tpu.memref_squeeze %dma_wait3A_51 : memref<1x125xi32, #tpu.memory_space<vmem>> -> memref<125xi32, #tpu.memory_space<vmem>>
      %dma_wait3A_53 = arith.constant 0 : i32
      %dma_wait3A_54 = arith.constant 0 : i32
      %dma_wait3A_55 = tpu.memref_slice %arg2[%dma_wait3A_53, %dma_wait3A_54] : memref<10000x128xf32, #tpu.memory_space<hbm>> -> memref<10000x128xf32, #tpu.memory_space<hbm>>
      tpu.wait_indirect_dma semaphore(%arg12 : memref<!tpu.dma_semaphore, #tpu.memory_space<semaphore_mem>>) src(%dma_wait3A_55 : memref<10000x128xf32, #tpu.memory_space<hbm>>) dst(%arg9 : memref<125x128xf32, #tpu.memory_space<vmem>>)
      %dma_start3A_56 = arith.constant 0 : i32
      %dma_start3A_57 = tpu.memref_slice %arg7[%add3A_43, %dma_start3A_56] : memref<8x125xi32, #tpu.memory_space<vmem>> -> memref<1x125xi32, #tpu.memory_space<vmem>>
      %dma_start3A_58 = tpu.memref_squeeze %dma_start3A_57 : memref<1x125xi32, #tpu.memory_space<vmem>> -> memref<125xi32, #tpu.memory_space<vmem>>
      %dma_start3A_59 = arith.constant 0 : i32
      %dma_start3A_60 = arith.constant 0 : i32
      %dma_start3A_61 = tpu.memref_slice %arg2[%dma_start3A_59, %dma_start3A_60] : memref<10000x128xf32, #tpu.memory_space<hbm>> -> memref<10000x128xf32, #tpu.memory_space<hbm>>
      tpu.enqueue_indirect_dma source(%dma_start3A_61 : memref<10000x128xf32, #tpu.memory_space<hbm>>) target(%arg10 : memref<125x128xf32, #tpu.memory_space<vmem>>) offsets(%dma_start3A_58 : memref<125xi32, #tpu.memory_space<vmem>>) semaphore(%arg13 : memref<!tpu.dma_semaphore, #tpu.memory_space<semaphore_mem>>)
      "tpu.region"() ({
        %run_scoped3A = tpu.sem_alloc : memref<!tpu.dma_semaphore, #tpu.memory_space<semaphore_mem>>
        %dma_start3A_76 = arith.constant 0 : i32
        %dma_start3A_77 = tpu.memref_slice %arg8[%select_n3A_41, %dma_start3A_76] : memref<8x125xi32, #tpu.memory_space<vmem>> -> memref<1x125xi32, #tpu.memory_space<vmem>>
        %dma_start3A_78 = tpu.memref_squeeze %dma_start3A_77 : memref<1x125xi32, #tpu.memory_space<vmem>> -> memref<125xi32, #tpu.memory_space<vmem>>
        %dma_start3A_79 = arith.constant 0 : i32
        %dma_start3A_80 = arith.constant 0 : i32
        %dma_start3A_81 = tpu.memref_slice %arg11[%dma_start3A_79, %dma_start3A_80] : memref<10240x128xf32, #tpu.memory_space<vmem_shared>> -> memref<10240x128xf32, #tpu.memory_space<vmem_shared>>
        tpu.enqueue_indirect_dma source(%arg9 : memref<125x128xf32, #tpu.memory_space<vmem>>) target(%dma_start3A_81 : memref<10240x128xf32, #tpu.memory_space<vmem_shared>>) offsets(%dma_start3A_78 : memref<125xi32, #tpu.memory_space<vmem>>) semaphore(%run_scoped3A : memref<!tpu.dma_semaphore, #tpu.memory_space<semaphore_mem>>) {add = true}
        %dma_wait3A_82 = arith.constant 0 : i32
        %dma_wait3A_83 = tpu.memref_slice %arg8[%select_n3A_41, %dma_wait3A_82] : memref<8x125xi32, #tpu.memory_space<vmem>> -> memref<1x125xi32, #tpu.memory_space<vmem>>
        %dma_wait3A_84 = tpu.memref_squeeze %dma_wait3A_83 : memref<1x125xi32, #tpu.memory_space<vmem>> -> memref<125xi32, #tpu.memory_space<vmem>>
        %dma_wait3A_85 = arith.constant 0 : i32
        %dma_wait3A_86 = arith.constant 0 : i32
        %dma_wait3A_87 = tpu.memref_slice %arg11[%dma_wait3A_85, %dma_wait3A_86] : memref<10240x128xf32, #tpu.memory_space<vmem_shared>> -> memref<10240x128xf32, #tpu.memory_space<vmem_shared>>
        tpu.wait_indirect_dma semaphore(%run_scoped3A : memref<!tpu.dma_semaphore, #tpu.memory_space<semaphore_mem>>) src(%arg9 : memref<125x128xf32, #tpu.memory_space<vmem>>) dst(%dma_wait3A_87 : memref<10240x128xf32, #tpu.memory_space<vmem_shared>>)
        tpu.yield
      }) : () -> ()
      %dma_wait3A_62 = arith.constant 0 : i32
      %dma_wait3A_63 = tpu.memref_slice %arg7[%add3A_43, %dma_wait3A_62] : memref<8x125xi32, #tpu.memory_space<vmem>> -> memref<1x125xi32, #tpu.memory_space<vmem>>
      %dma_wait3A_64 = tpu.memref_squeeze %dma_wait3A_63 : memref<1x125xi32, #tpu.memory_space<vmem>> -> memref<125xi32, #tpu.memory_space<vmem>>
      %dma_wait3A_65 = arith.constant 0 : i32
      %dma_wait3A_66 = arith.constant 0 : i32
      %dma_wait3A_67 = tpu.memref_slice %arg2[%dma_wait3A_65, %dma_wait3A_66] : memref<10000x128xf32, #tpu.memory_space<hbm>> -> memref<10000x128xf32, #tpu.memory_space<hbm>>
      tpu.wait_indirect_dma semaphore(%arg13 : memref<!tpu.dma_semaphore, #tpu.memory_space<semaphore_mem>>) src(%dma_wait3A_67 : memref<10000x128xf32, #tpu.memory_space<hbm>>) dst(%arg10 : memref<125x128xf32, #tpu.memory_space<vmem>>)
      %convert_element_type3A = arith.extui %and3A_50 : i1 to i32
      %cond3A = arith.constant 0 : i32
      %cond3A_68 = arith.cmpi ne, %convert_element_type3A, %cond3A : i32
      scf.if %cond3A_68 {
        %mul3A_76 = arith.constant 80 : i32
        %mul3A_77 = arith.muli %add3A, %mul3A_76 : i32
        %add3A_78 = arith.addi %mul3A_77, %mul3A_32 : i32
        %add3A_79 = arith.constant 2 : i32
        %add3A_80 = arith.addi %add3A_78, %add3A_79 : i32
        %multiple_of3A = tpu.assume_multiple %add3A_80, 8 : i32
        "tpu.region"() ({
          %run_scoped3A = tpu.sem_alloc : memref<!tpu.dma_semaphore, #tpu.memory_space<semaphore_mem>>
          %dma_start3A_81 = arith.constant 0 : i32
          %dma_start3A_82 = tpu.memref_slice %arg3[%multiple_of3A, %dma_start3A_81] : memref<2560x125xi32, #tpu.memory_space<hbm>> -> memref<8x125xi32, #tpu.memory_space<hbm>>
          %dma_start3A_83 = arith.constant 0 : i32
          %dma_start3A_84 = tpu.memref_slice %arg3[%multiple_of3A, %dma_start3A_83] : memref<2560x125xi32, #tpu.memory_space<hbm>> -> memref<8x125xi32, #tpu.memory_space<hbm>>
          tpu.enqueue_dma source(%dma_start3A_84 : memref<8x125xi32, #tpu.memory_space<hbm>>) target(%arg7 : memref<8x125xi32, #tpu.memory_space<vmem>>) target_semaphore(%run_scoped3A : memref<!tpu.dma_semaphore, #tpu.memory_space<semaphore_mem>>)
          %dma_wait3A_85 = arith.constant 0 : i32
          %dma_wait3A_86 = tpu.memref_slice %arg3[%multiple_of3A, %dma_wait3A_85] : memref<2560x125xi32, #tpu.memory_space<hbm>> -> memref<8x125xi32, #tpu.memory_space<hbm>>
          %dma_wait3A_87 = arith.constant 0 : i32
          %dma_wait3A_88 = tpu.memref_slice %arg3[%multiple_of3A, %dma_wait3A_87] : memref<2560x125xi32, #tpu.memory_space<hbm>> -> memref<8x125xi32, #tpu.memory_space<hbm>>
          tpu.wait_dma2 semaphore(%run_scoped3A : memref<!tpu.dma_semaphore, #tpu.memory_space<semaphore_mem>>) src(%dma_wait3A_88 : memref<8x125xi32, #tpu.memory_space<hbm>>) dst(%arg7 : memref<8x125xi32, #tpu.memory_space<vmem>>)
          tpu.yield
        }) : () -> ()
      } else {
      }
      %convert_element_type3A_69 = arith.extui %lt3A_47 : i1 to i32
      %cond3A_70 = arith.constant 0 : i32
      %cond3A_71 = arith.cmpi ne, %convert_element_type3A_69, %cond3A_70 : i32
      scf.if %cond3A_71 {
        %add3A_76 = arith.constant 2 : i32
        %add3A_77 = arith.addi %mul3A_32, %add3A_76 : i32
        %jit3A_78 = arith.constant 8 : i32
        %eq3A_79 = arith.constant 0 : i32
        %eq3A_80 = arith.cmpi eq, %jit3A_78, %eq3A_79 : i32
        %jit3A_81 = arith.constant 1 : i32
        %select_n3A_82 = arith.select %eq3A_80, %jit3A_81, %jit3A_78 : i32
        %rem3A_83 = arith.remsi %add3A_77, %select_n3A_82 : i32
        %ne3A_84 = arith.constant 0 : i32
        %ne3A_85 = arith.cmpi ne, %rem3A_83, %ne3A_84 : i32
        %lt3A_86 = arith.constant 0 : i32
        %lt3A_87 = arith.cmpi slt, %rem3A_83, %lt3A_86 : i32
        %lt3A_88 = arith.constant 0 : i32
        %lt3A_89 = arith.cmpi slt, %select_n3A_82, %lt3A_88 : i32
        %ne3A_90 = arith.xori %lt3A_87, %lt3A_89 : i1
        %and3A_91 = arith.andi %ne3A_90, %ne3A_85 : i1
        %add3A_92 = arith.addi %rem3A_83, %select_n3A_82 : i32
        %select_n3A_93 = arith.select %and3A_91, %add3A_92, %rem3A_83 : i32
        %dma_start3A_94 = arith.constant 0 : i32
        %dma_start3A_95 = tpu.memref_slice %arg7[%select_n3A_93, %dma_start3A_94] : memref<8x125xi32, #tpu.memory_space<vmem>> -> memref<1x125xi32, #tpu.memory_space<vmem>>
        %dma_start3A_96 = tpu.memref_squeeze %dma_start3A_95 : memref<1x125xi32, #tpu.memory_space<vmem>> -> memref<125xi32, #tpu.memory_space<vmem>>
        %dma_start3A_97 = arith.constant 0 : i32
        %dma_start3A_98 = arith.constant 0 : i32
        %dma_start3A_99 = tpu.memref_slice %arg2[%dma_start3A_97, %dma_start3A_98] : memref<10000x128xf32, #tpu.memory_space<hbm>> -> memref<10000x128xf32, #tpu.memory_space<hbm>>
        tpu.enqueue_indirect_dma source(%dma_start3A_99 : memref<10000x128xf32, #tpu.memory_space<hbm>>) target(%arg9 : memref<125x128xf32, #tpu.memory_space<vmem>>) offsets(%dma_start3A_96 : memref<125xi32, #tpu.memory_space<vmem>>) semaphore(%arg12 : memref<!tpu.dma_semaphore, #tpu.memory_space<semaphore_mem>>)
      } else {
      }
      "tpu.region"() ({
        %run_scoped3A = tpu.sem_alloc : memref<!tpu.dma_semaphore, #tpu.memory_space<semaphore_mem>>
        %dma_start3A_76 = arith.constant 0 : i32
        %dma_start3A_77 = tpu.memref_slice %arg8[%add3A_43, %dma_start3A_76] : memref<8x125xi32, #tpu.memory_space<vmem>> -> memref<1x125xi32, #tpu.memory_space<vmem>>
        %dma_start3A_78 = tpu.memref_squeeze %dma_start3A_77 : memref<1x125xi32, #tpu.memory_space<vmem>> -> memref<125xi32, #tpu.memory_space<vmem>>
        %dma_start3A_79 = arith.constant 0 : i32
        %dma_start3A_80 = arith.constant 0 : i32
        %dma_start3A_81 = tpu.memref_slice %arg11[%dma_start3A_79, %dma_start3A_80] : memref<10240x128xf32, #tpu.memory_space<vmem_shared>> -> memref<10240x128xf32, #tpu.memory_space<vmem_shared>>
        tpu.enqueue_indirect_dma source(%arg10 : memref<125x128xf32, #tpu.memory_space<vmem>>) target(%dma_start3A_81 : memref<10240x128xf32, #tpu.memory_space<vmem_shared>>) offsets(%dma_start3A_78 : memref<125xi32, #tpu.memory_space<vmem>>) semaphore(%run_scoped3A : memref<!tpu.dma_semaphore, #tpu.memory_space<semaphore_mem>>) {add = true}
        %dma_wait3A_82 = arith.constant 0 : i32
        %dma_wait3A_83 = tpu.memref_slice %arg8[%add3A_43, %dma_wait3A_82] : memref<8x125xi32, #tpu.memory_space<vmem>> -> memref<1x125xi32, #tpu.memory_space<vmem>>
        %dma_wait3A_84 = tpu.memref_squeeze %dma_wait3A_83 : memref<1x125xi32, #tpu.memory_space<vmem>> -> memref<125xi32, #tpu.memory_space<vmem>>
        %dma_wait3A_85 = arith.constant 0 : i32
        %dma_wait3A_86 = arith.constant 0 : i32
        %dma_wait3A_87 = tpu.memref_slice %arg11[%dma_wait3A_85, %dma_wait3A_86] : memref<10240x128xf32, #tpu.memory_space<vmem_shared>> -> memref<10240x128xf32, #tpu.memory_space<vmem_shared>>
        tpu.wait_indirect_dma semaphore(%run_scoped3A : memref<!tpu.dma_semaphore, #tpu.memory_space<semaphore_mem>>) src(%arg10 : memref<125x128xf32, #tpu.memory_space<vmem>>) dst(%dma_wait3A_87 : memref<10240x128xf32, #tpu.memory_space<vmem_shared>>)
        tpu.yield
      }) : () -> ()
      %convert_element_type3A_72 = arith.extui %and3A_50 : i1 to i32
      %cond3A_73 = arith.constant 0 : i32
      %cond3A_74 = arith.cmpi ne, %convert_element_type3A_72, %cond3A_73 : i32
      scf.if %cond3A_74 {
        %mul3A_76 = arith.constant 80 : i32
        %mul3A_77 = arith.muli %add3A, %mul3A_76 : i32
        %add3A_78 = arith.addi %mul3A_77, %mul3A_32 : i32
        %add3A_79 = arith.constant 2 : i32
        %add3A_80 = arith.addi %add3A_78, %add3A_79 : i32
        %multiple_of3A = tpu.assume_multiple %add3A_80, 8 : i32
        "tpu.region"() ({
          %run_scoped3A = tpu.sem_alloc : memref<!tpu.dma_semaphore, #tpu.memory_space<semaphore_mem>>
          %dma_start3A_81 = arith.constant 0 : i32
          %dma_start3A_82 = tpu.memref_slice %arg4[%multiple_of3A, %dma_start3A_81] : memref<2560x125xi32, #tpu.memory_space<hbm>> -> memref<8x125xi32, #tpu.memory_space<hbm>>
          %dma_start3A_83 = arith.constant 0 : i32
          %dma_start3A_84 = tpu.memref_slice %arg4[%multiple_of3A, %dma_start3A_83] : memref<2560x125xi32, #tpu.memory_space<hbm>> -> memref<8x125xi32, #tpu.memory_space<hbm>>
          tpu.enqueue_dma source(%dma_start3A_84 : memref<8x125xi32, #tpu.memory_space<hbm>>) target(%arg8 : memref<8x125xi32, #tpu.memory_space<vmem>>) target_semaphore(%run_scoped3A : memref<!tpu.dma_semaphore, #tpu.memory_space<semaphore_mem>>)
          %dma_wait3A_85 = arith.constant 0 : i32
          %dma_wait3A_86 = tpu.memref_slice %arg4[%multiple_of3A, %dma_wait3A_85] : memref<2560x125xi32, #tpu.memory_space<hbm>> -> memref<8x125xi32, #tpu.memory_space<hbm>>
          %dma_wait3A_87 = arith.constant 0 : i32
          %dma_wait3A_88 = tpu.memref_slice %arg4[%multiple_of3A, %dma_wait3A_87] : memref<2560x125xi32, #tpu.memory_space<hbm>> -> memref<8x125xi32, #tpu.memory_space<hbm>>
          tpu.wait_dma2 semaphore(%run_scoped3A : memref<!tpu.dma_semaphore, #tpu.memory_space<semaphore_mem>>) src(%dma_wait3A_88 : memref<8x125xi32, #tpu.memory_space<hbm>>) dst(%arg8 : memref<8x125xi32, #tpu.memory_space<vmem>>)
          tpu.yield
        }) : () -> ()
      } else {
      }
      %scan3A_75 = arith.constant 0 : i32
      scf.yield %scan3A_75 : i32
    }
    %scan3A_23 = arith.constant 40 : i32
    %barrier3A_24 = arith.constant 0 : index
    tpu.barrier barrier_id(%barrier3A_24)
    %mul3A_25 = arith.constant 640 : i32
    %mul3A_26 = arith.muli %arg1, %mul3A_25 : i32
    %mul3A_27 = arith.constant 640 : i32
    %mul3A_28 = arith.muli %arg1, %mul3A_27 : i32
    "tpu.region"() ({
      %run_scoped3A = tpu.sem_alloc : memref<!tpu.dma_semaphore, #tpu.memory_space<semaphore_mem>>
      %dma_start3A_29 = arith.constant 0 : i32
      %dma_start3A_30 = tpu.memref_slice %arg6[%arg0, %mul3A_28, %dma_start3A_29] : memref<2x10240x128xf32, #tpu.memory_space<hbm>> -> memref<1x640x128xf32, #tpu.memory_space<hbm>>
      %dma_start3A_31 = tpu.memref_squeeze %dma_start3A_30 : memref<1x640x128xf32, #tpu.memory_space<hbm>> -> memref<640x128xf32, #tpu.memory_space<hbm>>
      %dma_start3A_32 = arith.constant 0 : i32
      %dma_start3A_33 = tpu.memref_slice %arg11[%mul3A_26, %dma_start3A_32] : memref<10240x128xf32, #tpu.memory_space<vmem_shared>> -> memref<640x128xf32, #tpu.memory_space<vmem_shared>>
      tpu.enqueue_dma source(%dma_start3A_33 : memref<640x128xf32, #tpu.memory_space<vmem_shared>>) target(%dma_start3A_31 : memref<640x128xf32, #tpu.memory_space<hbm>>) target_semaphore(%run_scoped3A : memref<!tpu.dma_semaphore, #tpu.memory_space<semaphore_mem>>)
      %dma_wait3A = arith.constant 0 : i32
      %dma_wait3A_34 = tpu.memref_slice %arg6[%arg0, %mul3A_28, %dma_wait3A] : memref<2x10240x128xf32, #tpu.memory_space<hbm>> -> memref<1x640x128xf32, #tpu.memory_space<hbm>>
      %dma_wait3A_35 = tpu.memref_squeeze %dma_wait3A_34 : memref<1x640x128xf32, #tpu.memory_space<hbm>> -> memref<640x128xf32, #tpu.memory_space<hbm>>
      %dma_wait3A_36 = arith.constant 0 : i32
      %dma_wait3A_37 = tpu.memref_slice %arg11[%mul3A_26, %dma_wait3A_36] : memref<10240x128xf32, #tpu.memory_space<vmem_shared>> -> memref<640x128xf32, #tpu.memory_space<vmem_shared>>
      tpu.wait_dma2 semaphore(%run_scoped3A : memref<!tpu.dma_semaphore, #tpu.memory_space<semaphore_mem>>) src(%dma_wait3A_37 : memref<640x128xf32, #tpu.memory_space<vmem_shared>>) dst(%dma_wait3A_35 : memref<640x128xf32, #tpu.memory_space<hbm>>)
      tpu.yield
    }) : () -> ()
    return
  }
}

#map = affine_map<(d0, d1) -> (0, 0)>
#map1 = affine_map<(d0, d1) -> (0, 0, 0)>
module attributes {stable_mosaic.version = 14 : i64} {
  func.func @scatter_kernel(%arg0: i32, %arg1: i32, %arg2: memref<10000x128xf32, #tpu.memory_space<hbm>>, %arg3: memref<2560x125xi32, #tpu.memory_space<hbm>>, %arg4: memref<2560x125xi32, #tpu.memory_space<hbm>>, %arg5: memref<80x128xf32, #tpu.memory_space<hbm>>, %arg6: memref<2x10240x128xf32, #tpu.memory_space<hbm>>, %arg7: memref<8x125xi32, #tpu.memory_space<vmem>>, %arg8: memref<8x125xi32, #tpu.memory_space<vmem>>, %arg9: memref<125x128xf32, #tpu.memory_space<vmem>>, %arg10: memref<125x128xf32, #tpu.memory_space<vmem>>, %arg11: memref<10240x128xf32, #tpu.memory_space<vmem_shared>>, %arg12: memref<!tpu.dma_semaphore, #tpu.memory_space<semaphore_mem>>, %arg13: memref<!tpu.dma_semaphore, #tpu.memory_space<semaphore_mem>>) attributes {dimension_semantics = [#tpu.dimension_semantics<core_parallel>, #tpu.dimension_semantics<subcore_parallel>], iteration_bounds = array<i64: 2, 16>, scalar_prefetch = 0 : i64, scratch_operands = 7 : i64, tpu.core_type = #tpu.core_type<sc_vector_subcore>, window_params = [{transform_indices = #map}, {transform_indices = #map}, {transform_indices = #map}, {transform_indices = #map}, {transform_indices = #map1}]} {
    %mul3A = arith.constant 16 : i32
    %mul3A_0 = arith.muli %arg0, %mul3A : i32
    %add3A = arith.addi %mul3A_0, %arg1 : i32
    %scan3A = arith.constant 0 : i32
    %scan3A_1 = arith.constant 0 : i32
    %scan3A_2 = arith.constant 8 : i32
    %scan3A_3 = arith.addi %scan3A_1, %scan3A_2 : i32
    %scan3A_4 = arith.constant 1 : i32
    %scan3A_5 = scf.for %scan3A_29 = %scan3A_1 to %scan3A_3 step %scan3A_4 iter_args(%scan3A_30 = %scan3A) -> (i32)  : i32 {
      %mul3A_31 = arith.constant 640 : i32
      %mul3A_32 = arith.muli %arg1, %mul3A_31 : i32
      %mul3A_33 = arith.constant 80 : i32
      %mul3A_34 = arith.muli %scan3A_29, %mul3A_33 : i32
      %add3A_35 = arith.addi %mul3A_32, %mul3A_34 : i32
      "tpu.region"() ({
        %run_scoped3A = tpu.sem_alloc : memref<!tpu.dma_semaphore, #tpu.memory_space<semaphore_mem>>
        %dma_start3A_37 = arith.constant 0 : i32
        %dma_start3A_38 = tpu.memref_slice %arg11[%add3A_35, %dma_start3A_37] : memref<10240x128xf32, #tpu.memory_space<vmem_shared>> -> memref<80x128xf32, #tpu.memory_space<vmem_shared>>
        %dma_start3A_39 = arith.constant 0 : i32
        %dma_start3A_40 = arith.constant 0 : i32
        %dma_start3A_41 = tpu.memref_slice %arg5[%dma_start3A_39, %dma_start3A_40] : memref<80x128xf32, #tpu.memory_space<hbm>> -> memref<80x128xf32, #tpu.memory_space<hbm>>
        tpu.enqueue_dma source(%dma_start3A_41 : memref<80x128xf32, #tpu.memory_space<hbm>>) target(%dma_start3A_38 : memref<80x128xf32, #tpu.memory_space<vmem_shared>>) target_semaphore(%run_scoped3A : memref<!tpu.dma_semaphore, #tpu.memory_space<semaphore_mem>>)
        %dma_wait3A = arith.constant 0 : i32
        %dma_wait3A_42 = tpu.memref_slice %arg11[%add3A_35, %dma_wait3A] : memref<10240x128xf32, #tpu.memory_space<vmem_shared>> -> memref<80x128xf32, #tpu.memory_space<vmem_shared>>
        %dma_wait3A_43 = arith.constant 0 : i32
        %dma_wait3A_44 = arith.constant 0 : i32
        %dma_wait3A_45 = tpu.memref_slice %arg5[%dma_wait3A_43, %dma_wait3A_44] : memref<80x128xf32, #tpu.memory_space<hbm>> -> memref<80x128xf32, #tpu.memory_space<hbm>>
        tpu.wait_dma2 semaphore(%run_scoped3A : memref<!tpu.dma_semaphore, #tpu.memory_space<semaphore_mem>>) src(%dma_wait3A_45 : memref<80x128xf32, #tpu.memory_space<hbm>>) dst(%dma_wait3A_42 : memref<80x128xf32, #tpu.memory_space<vmem_shared>>)
        tpu.yield
      }) : () -> ()
      %scan3A_36 = arith.constant 0 : i32
      scf.yield %scan3A_36 : i32
    }
    %scan3A_6 = arith.constant 8 : i32
    %barrier3A = arith.constant 0 : index
    tpu.barrier barrier_id(%barrier3A)
    %mul3A_7 = arith.constant 80 : i32
    %mul3A_8 = arith.muli %add3A, %mul3A_7 : i32
    "tpu.region"() ({
      %run_scoped3A = tpu.sem_alloc : memref<!tpu.dma_semaphore, #tpu.memory_space<semaphore_mem>>
      %dma_start3A_29 = arith.constant 0 : i32
      %dma_start3A_30 = tpu.memref_slice %arg3[%mul3A_8, %dma_start3A_29] : memref<2560x125xi32, #tpu.memory_space<hbm>> -> memref<8x125xi32, #tpu.memory_space<hbm>>
      %dma_start3A_31 = arith.constant 0 : i32
      %dma_start3A_32 = tpu.memref_slice %arg3[%mul3A_8, %dma_start3A_31] : memref<2560x125xi32, #tpu.memory_space<hbm>> -> memref<8x125xi32, #tpu.memory_space<hbm>>
      tpu.enqueue_dma source(%dma_start3A_32 : memref<8x125xi32, #tpu.memory_space<hbm>>) target(%arg7 : memref<8x125xi32, #tpu.memory_space<vmem>>) target_semaphore(%run_scoped3A : memref<!tpu.dma_semaphore, #tpu.memory_space<semaphore_mem>>)
      %dma_wait3A = arith.constant 0 : i32
      %dma_wait3A_33 = tpu.memref_slice %arg3[%mul3A_8, %dma_wait3A] : memref<2560x125xi32, #tpu.memory_space<hbm>> -> memref<8x125xi32, #tpu.memory_space<hbm>>
      %dma_wait3A_34 = arith.constant 0 : i32
      %dma_wait3A_35 = tpu.memref_slice %arg3[%mul3A_8, %dma_wait3A_34] : memref<2560x125xi32, #tpu.memory_space<hbm>> -> memref<8x125xi32, #tpu.memory_space<hbm>>
      tpu.wait_dma2 semaphore(%run_scoped3A : memref<!tpu.dma_semaphore, #tpu.memory_space<semaphore_mem>>) src(%dma_wait3A_35 : memref<8x125xi32, #tpu.memory_space<hbm>>) dst(%arg7 : memref<8x125xi32, #tpu.memory_space<vmem>>)
      tpu.yield
    }) : () -> ()
    %mul3A_9 = arith.constant 80 : i32
    %mul3A_10 = arith.muli %add3A, %mul3A_9 : i32
    "tpu.region"() ({
      %run_scoped3A = tpu.sem_alloc : memref<!tpu.dma_semaphore, #tpu.memory_space<semaphore_mem>>
      %dma_start3A_29 = arith.constant 0 : i32
      %dma_start3A_30 = tpu.memref_slice %arg4[%mul3A_10, %dma_start3A_29] : memref<2560x125xi32, #tpu.memory_space<hbm>> -> memref<8x125xi32, #tpu.memory_space<hbm>>
      %dma_start3A_31 = arith.constant 0 : i32
      %dma_start3A_32 = tpu.memref_slice %arg4[%mul3A_10, %dma_start3A_31] : memref<2560x125xi32, #tpu.memory_space<hbm>> -> memref<8x125xi32, #tpu.memory_space<hbm>>
      tpu.enqueue_dma source(%dma_start3A_32 : memref<8x125xi32, #tpu.memory_space<hbm>>) target(%arg8 : memref<8x125xi32, #tpu.memory_space<vmem>>) target_semaphore(%run_scoped3A : memref<!tpu.dma_semaphore, #tpu.memory_space<semaphore_mem>>)
      %dma_wait3A = arith.constant 0 : i32
      %dma_wait3A_33 = tpu.memref_slice %arg4[%mul3A_10, %dma_wait3A] : memref<2560x125xi32, #tpu.memory_space<hbm>> -> memref<8x125xi32, #tpu.memory_space<hbm>>
      %dma_wait3A_34 = arith.constant 0 : i32
      %dma_wait3A_35 = tpu.memref_slice %arg4[%mul3A_10, %dma_wait3A_34] : memref<2560x125xi32, #tpu.memory_space<hbm>> -> memref<8x125xi32, #tpu.memory_space<hbm>>
      tpu.wait_dma2 semaphore(%run_scoped3A : memref<!tpu.dma_semaphore, #tpu.memory_space<semaphore_mem>>) src(%dma_wait3A_35 : memref<8x125xi32, #tpu.memory_space<hbm>>) dst(%arg8 : memref<8x125xi32, #tpu.memory_space<vmem>>)
      tpu.yield
    }) : () -> ()
    %dma_start3A = arith.constant 0 : i32
    %dma_start3A_11 = arith.constant 0 : i32
    %dma_start3A_12 = tpu.memref_slice %arg7[%dma_start3A, %dma_start3A_11] : memref<8x125xi32, #tpu.memory_space<vmem>> -> memref<1x125xi32, #tpu.memory_space<vmem>>
    %dma_start3A_13 = tpu.memref_squeeze %dma_start3A_12 : memref<1x125xi32, #tpu.memory_space<vmem>> -> memref<125xi32, #tpu.memory_space<vmem>>
    %dma_start3A_14 = arith.constant 0 : i32
    %dma_start3A_15 = arith.constant 0 : i32
    %dma_start3A_16 = tpu.memref_slice %arg2[%dma_start3A_14, %dma_start3A_15] : memref<10000x128xf32, #tpu.memory_space<hbm>> -> memref<10000x128xf32, #tpu.memory_space<hbm>>
    tpu.enqueue_indirect_dma source(%dma_start3A_16 : memref<10000x128xf32, #tpu.memory_space<hbm>>) target(%arg9 : memref<125x128xf32, #tpu.memory_space<vmem>>) offsets(%dma_start3A_13 : memref<125xi32, #tpu.memory_space<vmem>>) semaphore(%arg12 : memref<!tpu.dma_semaphore, #tpu.memory_space<semaphore_mem>>)
    %scan3A_17 = arith.constant 0 : i32
    %scan3A_18 = arith.constant 0 : i32
    %scan3A_19 = arith.constant 40 : i32
    %scan3A_20 = arith.addi %scan3A_18, %scan3A_19 : i32
    %scan3A_21 = arith.constant 1 : i32
    %scan3A_22 = scf.for %scan3A_29 = %scan3A_18 to %scan3A_20 step %scan3A_21 iter_args(%scan3A_30 = %scan3A_17) -> (i32)  : i32 {
      %mul3A_31 = arith.constant 2 : i32
      %mul3A_32 = arith.muli %scan3A_29, %mul3A_31 : i32
      %jit3A = arith.constant 8 : i32
      %eq3A = arith.constant 0 : i32
      %eq3A_33 = arith.cmpi eq, %jit3A, %eq3A : i32
      %jit3A_34 = arith.constant 1 : i32
      %select_n3A = arith.select %eq3A_33, %jit3A_34, %jit3A : i32
      %rem3A = arith.remsi %mul3A_32, %select_n3A : i32
      %ne3A = arith.constant 0 : i32
      %ne3A_35 = arith.cmpi ne, %rem3A, %ne3A : i32
      %lt3A = arith.constant 0 : i32
      %lt3A_36 = arith.cmpi slt, %rem3A, %lt3A : i32
      %lt3A_37 = arith.constant 0 : i32
      %lt3A_38 = arith.cmpi slt, %select_n3A, %lt3A_37 : i32
      %ne3A_39 = arith.xori %lt3A_36, %lt3A_38 : i1
      %and3A = arith.andi %ne3A_39, %ne3A_35 : i1
      %add3A_40 = arith.addi %rem3A, %select_n3A : i32
      %select_n3A_41 = arith.select %and3A, %add3A_40, %rem3A : i32
      %add3A_42 = arith.constant 1 : i32
      %add3A_43 = arith.addi %select_n3A_41, %add3A_42 : i32
      %add3A_44 = arith.constant 2 : i32
      %add3A_45 = arith.addi %mul3A_32, %add3A_44 : i32
      %lt3A_46 = arith.constant 80 : i32
      %lt3A_47 = arith.cmpi slt, %add3A_45, %lt3A_46 : i32
      %eq3A_48 = arith.constant 7 : i32
      %eq3A_49 = arith.cmpi eq, %add3A_43, %eq3A_48 : i32
      %and3A_50 = arith.andi %lt3A_47, %eq3A_49 : i1
      %dma_wait3A = arith.constant 0 : i32
      %dma_wait3A_51 = tpu.memref_slice %arg7[%select_n3A_41, %dma_wait3A] : memref<8x125xi32, #tpu.memory_space<vmem>> -> memref<1x125xi32, #tpu.memory_space<vmem>>
      %dma_wait3A_52 = tpu.memref_squeeze %dma_wait3A_51 : memref<1x125xi32, #tpu.memory_space<vmem>> -> memref<125xi32, #tpu.memory_space<vmem>>
      %dma_wait3A_53 = arith.constant 0 : i32
      %dma_wait3A_54 = arith.constant 0 : i32
      %dma_wait3A_55 = tpu.memref_slice %arg2[%dma_wait3A_53, %dma_wait3A_54] : memref<10000x128xf32, #tpu.memory_space<hbm>> -> memref<10000x128xf32, #tpu.memory_space<hbm>>
      tpu.wait_indirect_dma semaphore(%arg12 : memref<!tpu.dma_semaphore, #tpu.memory_space<semaphore_mem>>) src(%dma_wait3A_55 : memref<10000x128xf32, #tpu.memory_space<hbm>>) dst(%arg9 : memref<125x128xf32, #tpu.memory_space<vmem>>)
      %dma_start3A_56 = arith.constant 0 : i32
      %dma_start3A_57 = tpu.memref_slice %arg7[%add3A_43, %dma_start3A_56] : memref<8x125xi32, #tpu.memory_space<vmem>> -> memref<1x125xi32, #tpu.memory_space<vmem>>
      %dma_start3A_58 = tpu.memref_squeeze %dma_start3A_57 : memref<1x125xi32, #tpu.memory_space<vmem>> -> memref<125xi32, #tpu.memory_space<vmem>>
      %dma_start3A_59 = arith.constant 0 : i32
      %dma_start3A_60 = arith.constant 0 : i32
      %dma_start3A_61 = tpu.memref_slice %arg2[%dma_start3A_59, %dma_start3A_60] : memref<10000x128xf32, #tpu.memory_space<hbm>> -> memref<10000x128xf32, #tpu.memory_space<hbm>>
      tpu.enqueue_indirect_dma source(%dma_start3A_61 : memref<10000x128xf32, #tpu.memory_space<hbm>>) target(%arg10 : memref<125x128xf32, #tpu.memory_space<vmem>>) offsets(%dma_start3A_58 : memref<125xi32, #tpu.memory_space<vmem>>) semaphore(%arg13 : memref<!tpu.dma_semaphore, #tpu.memory_space<semaphore_mem>>)
      "tpu.region"() ({
        %run_scoped3A = tpu.sem_alloc : memref<!tpu.dma_semaphore, #tpu.memory_space<semaphore_mem>>
        %dma_start3A_76 = arith.constant 0 : i32
        %dma_start3A_77 = tpu.memref_slice %arg8[%select_n3A_41, %dma_start3A_76] : memref<8x125xi32, #tpu.memory_space<vmem>> -> memref<1x125xi32, #tpu.memory_space<vmem>>
        %dma_start3A_78 = tpu.memref_squeeze %dma_start3A_77 : memref<1x125xi32, #tpu.memory_space<vmem>> -> memref<125xi32, #tpu.memory_space<vmem>>
        %dma_start3A_79 = arith.constant 0 : i32
        %dma_start3A_80 = arith.constant 0 : i32
        %dma_start3A_81 = tpu.memref_slice %arg11[%dma_start3A_79, %dma_start3A_80] : memref<10240x128xf32, #tpu.memory_space<vmem_shared>> -> memref<10240x128xf32, #tpu.memory_space<vmem_shared>>
        tpu.enqueue_indirect_dma source(%arg9 : memref<125x128xf32, #tpu.memory_space<vmem>>) target(%dma_start3A_81 : memref<10240x128xf32, #tpu.memory_space<vmem_shared>>) offsets(%dma_start3A_78 : memref<125xi32, #tpu.memory_space<vmem>>) semaphore(%run_scoped3A : memref<!tpu.dma_semaphore, #tpu.memory_space<semaphore_mem>>) {add = true}
        %dma_wait3A_82 = arith.constant 0 : i32
        %dma_wait3A_83 = tpu.memref_slice %arg8[%select_n3A_41, %dma_wait3A_82] : memref<8x125xi32, #tpu.memory_space<vmem>> -> memref<1x125xi32, #tpu.memory_space<vmem>>
        %dma_wait3A_84 = tpu.memref_squeeze %dma_wait3A_83 : memref<1x125xi32, #tpu.memory_space<vmem>> -> memref<125xi32, #tpu.memory_space<vmem>>
        %dma_wait3A_85 = arith.constant 0 : i32
        %dma_wait3A_86 = arith.constant 0 : i32
        %dma_wait3A_87 = tpu.memref_slice %arg11[%dma_wait3A_85, %dma_wait3A_86] : memref<10240x128xf32, #tpu.memory_space<vmem_shared>> -> memref<10240x128xf32, #tpu.memory_space<vmem_shared>>
        tpu.wait_indirect_dma semaphore(%run_scoped3A : memref<!tpu.dma_semaphore, #tpu.memory_space<semaphore_mem>>) src(%arg9 : memref<125x128xf32, #tpu.memory_space<vmem>>) dst(%dma_wait3A_87 : memref<10240x128xf32, #tpu.memory_space<vmem_shared>>)
        tpu.yield
      }) : () -> ()
      %dma_wait3A_62 = arith.constant 0 : i32
      %dma_wait3A_63 = tpu.memref_slice %arg7[%add3A_43, %dma_wait3A_62] : memref<8x125xi32, #tpu.memory_space<vmem>> -> memref<1x125xi32, #tpu.memory_space<vmem>>
      %dma_wait3A_64 = tpu.memref_squeeze %dma_wait3A_63 : memref<1x125xi32, #tpu.memory_space<vmem>> -> memref<125xi32, #tpu.memory_space<vmem>>
      %dma_wait3A_65 = arith.constant 0 : i32
      %dma_wait3A_66 = arith.constant 0 : i32
      %dma_wait3A_67 = tpu.memref_slice %arg2[%dma_wait3A_65, %dma_wait3A_66] : memref<10000x128xf32, #tpu.memory_space<hbm>> -> memref<10000x128xf32, #tpu.memory_space<hbm>>
      tpu.wait_indirect_dma semaphore(%arg13 : memref<!tpu.dma_semaphore, #tpu.memory_space<semaphore_mem>>) src(%dma_wait3A_67 : memref<10000x128xf32, #tpu.memory_space<hbm>>) dst(%arg10 : memref<125x128xf32, #tpu.memory_space<vmem>>)
      %convert_element_type3A = arith.extui %and3A_50 : i1 to i32
      %cond3A = arith.constant 0 : i32
      %cond3A_68 = arith.cmpi ne, %convert_element_type3A, %cond3A : i32
      scf.if %cond3A_68 {
        %mul3A_76 = arith.constant 80 : i32
        %mul3A_77 = arith.muli %add3A, %mul3A_76 : i32
        %add3A_78 = arith.addi %mul3A_77, %mul3A_32 : i32
        %add3A_79 = arith.constant 2 : i32
        %add3A_80 = arith.addi %add3A_78, %add3A_79 : i32
        %multiple_of3A = tpu.assume_multiple %add3A_80, 8 : i32
        "tpu.region"() ({
          %run_scoped3A = tpu.sem_alloc : memref<!tpu.dma_semaphore, #tpu.memory_space<semaphore_mem>>
          %dma_start3A_81 = arith.constant 0 : i32
          %dma_start3A_82 = tpu.memref_slice %arg3[%multiple_of3A, %dma_start3A_81] : memref<2560x125xi32, #tpu.memory_space<hbm>> -> memref<8x125xi32, #tpu.memory_space<hbm>>
          %dma_start3A_83 = arith.constant 0 : i32
          %dma_start3A_84 = tpu.memref_slice %arg3[%multiple_of3A, %dma_start3A_83] : memref<2560x125xi32, #tpu.memory_space<hbm>> -> memref<8x125xi32, #tpu.memory_space<hbm>>
          tpu.enqueue_dma source(%dma_start3A_84 : memref<8x125xi32, #tpu.memory_space<hbm>>) target(%arg7 : memref<8x125xi32, #tpu.memory_space<vmem>>) target_semaphore(%run_scoped3A : memref<!tpu.dma_semaphore, #tpu.memory_space<semaphore_mem>>)
          %dma_wait3A_85 = arith.constant 0 : i32
          %dma_wait3A_86 = tpu.memref_slice %arg3[%multiple_of3A, %dma_wait3A_85] : memref<2560x125xi32, #tpu.memory_space<hbm>> -> memref<8x125xi32, #tpu.memory_space<hbm>>
          %dma_wait3A_87 = arith.constant 0 : i32
          %dma_wait3A_88 = tpu.memref_slice %arg3[%multiple_of3A, %dma_wait3A_87] : memref<2560x125xi32, #tpu.memory_space<hbm>> -> memref<8x125xi32, #tpu.memory_space<hbm>>
          tpu.wait_dma2 semaphore(%run_scoped3A : memref<!tpu.dma_semaphore, #tpu.memory_space<semaphore_mem>>) src(%dma_wait3A_88 : memref<8x125xi32, #tpu.memory_space<hbm>>) dst(%arg7 : memref<8x125xi32, #tpu.memory_space<vmem>>)
          tpu.yield
        }) : () -> ()
      } else {
      }
      %convert_element_type3A_69 = arith.extui %lt3A_47 : i1 to i32
      %cond3A_70 = arith.constant 0 : i32
      %cond3A_71 = arith.cmpi ne, %convert_element_type3A_69, %cond3A_70 : i32
      scf.if %cond3A_71 {
        %add3A_76 = arith.constant 2 : i32
        %add3A_77 = arith.addi %mul3A_32, %add3A_76 : i32
        %jit3A_78 = arith.constant 8 : i32
        %eq3A_79 = arith.constant 0 : i32
        %eq3A_80 = arith.cmpi eq, %jit3A_78, %eq3A_79 : i32
        %jit3A_81 = arith.constant 1 : i32
        %select_n3A_82 = arith.select %eq3A_80, %jit3A_81, %jit3A_78 : i32
        %rem3A_83 = arith.remsi %add3A_77, %select_n3A_82 : i32
        %ne3A_84 = arith.constant 0 : i32
        %ne3A_85 = arith.cmpi ne, %rem3A_83, %ne3A_84 : i32
        %lt3A_86 = arith.constant 0 : i32
        %lt3A_87 = arith.cmpi slt, %rem3A_83, %lt3A_86 : i32
        %lt3A_88 = arith.constant 0 : i32
        %lt3A_89 = arith.cmpi slt, %select_n3A_82, %lt3A_88 : i32
        %ne3A_90 = arith.xori %lt3A_87, %lt3A_89 : i1
        %and3A_91 = arith.andi %ne3A_90, %ne3A_85 : i1
        %add3A_92 = arith.addi %rem3A_83, %select_n3A_82 : i32
        %select_n3A_93 = arith.select %and3A_91, %add3A_92, %rem3A_83 : i32
        %dma_start3A_94 = arith.constant 0 : i32
        %dma_start3A_95 = tpu.memref_slice %arg7[%select_n3A_93, %dma_start3A_94] : memref<8x125xi32, #tpu.memory_space<vmem>> -> memref<1x125xi32, #tpu.memory_space<vmem>>
        %dma_start3A_96 = tpu.memref_squeeze %dma_start3A_95 : memref<1x125xi32, #tpu.memory_space<vmem>> -> memref<125xi32, #tpu.memory_space<vmem>>
        %dma_start3A_97 = arith.constant 0 : i32
        %dma_start3A_98 = arith.constant 0 : i32
        %dma_start3A_99 = tpu.memref_slice %arg2[%dma_start3A_97, %dma_start3A_98] : memref<10000x128xf32, #tpu.memory_space<hbm>> -> memref<10000x128xf32, #tpu.memory_space<hbm>>
        tpu.enqueue_indirect_dma source(%dma_start3A_99 : memref<10000x128xf32, #tpu.memory_space<hbm>>) target(%arg9 : memref<125x128xf32, #tpu.memory_space<vmem>>) offsets(%dma_start3A_96 : memref<125xi32, #tpu.memory_space<vmem>>) semaphore(%arg12 : memref<!tpu.dma_semaphore, #tpu.memory_space<semaphore_mem>>)
      } else {
      }
      "tpu.region"() ({
        %run_scoped3A = tpu.sem_alloc : memref<!tpu.dma_semaphore, #tpu.memory_space<semaphore_mem>>
        %dma_start3A_76 = arith.constant 0 : i32
        %dma_start3A_77 = tpu.memref_slice %arg8[%add3A_43, %dma_start3A_76] : memref<8x125xi32, #tpu.memory_space<vmem>> -> memref<1x125xi32, #tpu.memory_space<vmem>>
        %dma_start3A_78 = tpu.memref_squeeze %dma_start3A_77 : memref<1x125xi32, #tpu.memory_space<vmem>> -> memref<125xi32, #tpu.memory_space<vmem>>
        %dma_start3A_79 = arith.constant 0 : i32
        %dma_start3A_80 = arith.constant 0 : i32
        %dma_start3A_81 = tpu.memref_slice %arg11[%dma_start3A_79, %dma_start3A_80] : memref<10240x128xf32, #tpu.memory_space<vmem_shared>> -> memref<10240x128xf32, #tpu.memory_space<vmem_shared>>
        tpu.enqueue_indirect_dma source(%arg10 : memref<125x128xf32, #tpu.memory_space<vmem>>) target(%dma_start3A_81 : memref<10240x128xf32, #tpu.memory_space<vmem_shared>>) offsets(%dma_start3A_78 : memref<125xi32, #tpu.memory_space<vmem>>) semaphore(%run_scoped3A : memref<!tpu.dma_semaphore, #tpu.memory_space<semaphore_mem>>) {add = true}
        %dma_wait3A_82 = arith.constant 0 : i32
        %dma_wait3A_83 = tpu.memref_slice %arg8[%add3A_43, %dma_wait3A_82] : memref<8x125xi32, #tpu.memory_space<vmem>> -> memref<1x125xi32, #tpu.memory_space<vmem>>
        %dma_wait3A_84 = tpu.memref_squeeze %dma_wait3A_83 : memref<1x125xi32, #tpu.memory_space<vmem>> -> memref<125xi32, #tpu.memory_space<vmem>>
        %dma_wait3A_85 = arith.constant 0 : i32
        %dma_wait3A_86 = arith.constant 0 : i32
        %dma_wait3A_87 = tpu.memref_slice %arg11[%dma_wait3A_85, %dma_wait3A_86] : memref<10240x128xf32, #tpu.memory_space<vmem_shared>> -> memref<10240x128xf32, #tpu.memory_space<vmem_shared>>
        tpu.wait_indirect_dma semaphore(%run_scoped3A : memref<!tpu.dma_semaphore, #tpu.memory_space<semaphore_mem>>) src(%arg10 : memref<125x128xf32, #tpu.memory_space<vmem>>) dst(%dma_wait3A_87 : memref<10240x128xf32, #tpu.memory_space<vmem_shared>>)
        tpu.yield
      }) : () -> ()
      %convert_element_type3A_72 = arith.extui %and3A_50 : i1 to i32
      %cond3A_73 = arith.constant 0 : i32
      %cond3A_74 = arith.cmpi ne, %convert_element_type3A_72, %cond3A_73 : i32
      scf.if %cond3A_74 {
        %mul3A_76 = arith.constant 80 : i32
        %mul3A_77 = arith.muli %add3A, %mul3A_76 : i32
        %add3A_78 = arith.addi %mul3A_77, %mul3A_32 : i32
        %add3A_79 = arith.constant 2 : i32
        %add3A_80 = arith.addi %add3A_78, %add3A_79 : i32
        %multiple_of3A = tpu.assume_multiple %add3A_80, 8 : i32
        "tpu.region"() ({
          %run_scoped3A = tpu.sem_alloc : memref<!tpu.dma_semaphore, #tpu.memory_space<semaphore_mem>>
          %dma_start3A_81 = arith.constant 0 : i32
          %dma_start3A_82 = tpu.memref_slice %arg4[%multiple_of3A, %dma_start3A_81] : memref<2560x125xi32, #tpu.memory_space<hbm>> -> memref<8x125xi32, #tpu.memory_space<hbm>>
          %dma_start3A_83 = arith.constant 0 : i32
          %dma_start3A_84 = tpu.memref_slice %arg4[%multiple_of3A, %dma_start3A_83] : memref<2560x125xi32, #tpu.memory_space<hbm>> -> memref<8x125xi32, #tpu.memory_space<hbm>>
          tpu.enqueue_dma source(%dma_start3A_84 : memref<8x125xi32, #tpu.memory_space<hbm>>) target(%arg8 : memref<8x125xi32, #tpu.memory_space<vmem>>) target_semaphore(%run_scoped3A : memref<!tpu.dma_semaphore, #tpu.memory_space<semaphore_mem>>)
          %dma_wait3A_85 = arith.constant 0 : i32
          %dma_wait3A_86 = tpu.memref_slice %arg4[%multiple_of3A, %dma_wait3A_85] : memref<2560x125xi32, #tpu.memory_space<hbm>> -> memref<8x125xi32, #tpu.memory_space<hbm>>
          %dma_wait3A_87 = arith.constant 0 : i32
          %dma_wait3A_88 = tpu.memref_slice %arg4[%multiple_of3A, %dma_wait3A_87] : memref<2560x125xi32, #tpu.memory_space<hbm>> -> memref<8x125xi32, #tpu.memory_space<hbm>>
          tpu.wait_dma2 semaphore(%run_scoped3A : memref<!tpu.dma_semaphore, #tpu.memory_space<semaphore_mem>>) src(%dma_wait3A_88 : memref<8x125xi32, #tpu.memory_space<hbm>>) dst(%arg8 : memref<8x125xi32, #tpu.memory_space<vmem>>)
          tpu.yield
        }) : () -> ()
      } else {
      }
      %scan3A_75 = arith.constant 0 : i32
      scf.yield %scan3A_75 : i32
    }
    %scan3A_23 = arith.constant 40 : i32
    %barrier3A_24 = arith.constant 0 : index
    tpu.barrier barrier_id(%barrier3A_24)
    %mul3A_25 = arith.constant 640 : i32
    %mul3A_26 = arith.muli %arg1, %mul3A_25 : i32
    %mul3A_27 = arith.constant 640 : i32
    %mul3A_28 = arith.muli %arg1, %mul3A_27 : i32
    "tpu.region"() ({
      %run_scoped3A = tpu.sem_alloc : memref<!tpu.dma_semaphore, #tpu.memory_space<semaphore_mem>>
      %dma_start3A_29 = arith.constant 0 : i32
      %dma_start3A_30 = tpu.memref_slice %arg6[%arg0, %mul3A_28, %dma_start3A_29] : memref<2x10240x128xf32, #tpu.memory_space<hbm>> -> memref<1x640x128xf32, #tpu.memory_space<hbm>>
      %dma_start3A_31 = tpu.memref_squeeze %dma_start3A_30 : memref<1x640x128xf32, #tpu.memory_space<hbm>> -> memref<640x128xf32, #tpu.memory_space<hbm>>
      %dma_start3A_32 = arith.constant 0 : i32
      %dma_start3A_33 = tpu.memref_slice %arg11[%mul3A_26, %dma_start3A_32] : memref<10240x128xf32, #tpu.memory_space<vmem_shared>> -> memref<640x128xf32, #tpu.memory_space<vmem_shared>>
      tpu.enqueue_dma source(%dma_start3A_33 : memref<640x128xf32, #tpu.memory_space<vmem_shared>>) target(%dma_start3A_31 : memref<640x128xf32, #tpu.memory_space<hbm>>) target_semaphore(%run_scoped3A : memref<!tpu.dma_semaphore, #tpu.memory_space<semaphore_mem>>)
      %dma_wait3A = arith.constant 0 : i32
      %dma_wait3A_34 = tpu.memref_slice %arg6[%arg0, %mul3A_28, %dma_wait3A] : memref<2x10240x128xf32, #tpu.memory_space<hbm>> -> memref<1x640x128xf32, #tpu.memory_space<hbm>>
      %dma_wait3A_35 = tpu.memref_squeeze %dma_wait3A_34 : memref<1x640x128xf32, #tpu.memory_space<hbm>> -> memref<640x128xf32, #tpu.memory_space<hbm>>
      %dma_wait3A_36 = arith.constant 0 : i32
      %dma_wait3A_37 = tpu.memref_slice %arg11[%mul3A_26, %dma_wait3A_36] : memref<10240x128xf32, #tpu.memory_space<vmem_shared>> -> memref<640x128xf32, #tpu.memory_space<vmem_shared>>
      tpu.wait_dma2 semaphore(%run_scoped3A : memref<!tpu.dma_semaphore, #tpu.memory_space<semaphore_mem>>) src(%dma_wait3A_37 : memref<640x128xf32, #tpu.memory_space<vmem_shared>>) dst(%dma_wait3A_35 : memref<640x128xf32, #tpu.memory_space<hbm>>)
      tpu.yield
    }) : () -> ()
    return
  }
}

module attributes {stable_mosaic.version = 14 : i64} {
  func.func @body(%arg0: memref<10000x128xf32, #tpu.memory_space<vmem>>, %arg1: memref<128x128xf32, #tpu.memory_space<vmem>>, %arg2: memref<2x10240x128xf32, #tpu.memory_space<vmem>>, %arg3: memref<2x10240x128xf32, #tpu.memory_space<vmem>>, %arg4: memref<10000x128xf32, #tpu.memory_space<vmem>>, %arg5: memref<10000x1xf32, #tpu.memory_space<vmem>>, %arg6: memref<10000x1xf32, #tpu.memory_space<vmem>>) attributes {dimension_semantics = [], scalar_prefetch = 0 : i64, scratch_operands = 0 : i64, tpu.core_type = #tpu.core_type<tc>} {
    %get3A = arith.constant 0 : index
    %get3A_0 = arith.constant 0 : index
    %get3A_1 = arith.constant 0 : index
    %get3A_2 = vector.load %arg2[%get3A, %get3A_0, %get3A_1] : memref<2x10240x128xf32, #tpu.memory_space<vmem>>, vector<1x10000x1xf32>
    %get3A_3 = vector.shape_cast %get3A_2 : vector<1x10000x1xf32> to vector<10000x1xf32>
    %get3A_4 = arith.constant 1 : index
    %get3A_5 = arith.constant 0 : index
    %get3A_6 = arith.constant 0 : index
    %get3A_7 = vector.load %arg2[%get3A_4, %get3A_5, %get3A_6] : memref<2x10240x128xf32, #tpu.memory_space<vmem>>, vector<1x10000x1xf32>
    %get3A_8 = vector.shape_cast %get3A_7 : vector<1x10000x1xf32> to vector<10000x1xf32>
    %add3A = arith.addf %get3A_3, %get3A_8 : vector<10000x1xf32>
    %get3A_9 = arith.constant 0 : index
    %get3A_10 = arith.constant 0 : index
    %get3A_11 = arith.constant 0 : index
    %get3A_12 = vector.load %arg3[%get3A_9, %get3A_10, %get3A_11] : memref<2x10240x128xf32, #tpu.memory_space<vmem>>, vector<1x10000x1xf32>
    %get3A_13 = vector.shape_cast %get3A_12 : vector<1x10000x1xf32> to vector<10000x1xf32>
    %get3A_14 = arith.constant 1 : index
    %get3A_15 = arith.constant 0 : index
    %get3A_16 = arith.constant 0 : index
    %get3A_17 = vector.load %arg3[%get3A_14, %get3A_15, %get3A_16] : memref<2x10240x128xf32, #tpu.memory_space<vmem>>, vector<1x10000x1xf32>
    %get3A_18 = vector.shape_cast %get3A_17 : vector<1x10000x1xf32> to vector<10000x1xf32>
    %add3A_19 = arith.addf %get3A_13, %get3A_18 : vector<10000x1xf32>
    %max3A = arith.constant 1.000000e+00 : f32
    %max3A_20 = vector.broadcast %max3A : f32 to vector<10000x1xf32>
    %max3A_21 = arith.maximumf %add3A, %max3A_20 : vector<10000x1xf32>
    %rsqrt3A = math.rsqrt %max3A_21 : vector<10000x1xf32>
    %max3A_22 = arith.constant 1.000000e+00 : f32
    %max3A_23 = vector.broadcast %max3A_22 : f32 to vector<10000x1xf32>
    %max3A_24 = arith.maximumf %add3A_19, %max3A_23 : vector<10000x1xf32>
    %rsqrt3A_25 = math.rsqrt %max3A_24 : vector<10000x1xf32>
    %get3A_26 = arith.constant 0 : index
    %get3A_27 = arith.constant 0 : index
    %get3A_28 = vector.load %arg0[%get3A_26, %get3A_27] : memref<10000x128xf32, #tpu.memory_space<vmem>>, vector<10000x128xf32>
    %get3A_29 = arith.constant 0 : index
    %get3A_30 = arith.constant 0 : index
    %get3A_31 = vector.load %arg1[%get3A_29, %get3A_30] : memref<128x128xf32, #tpu.memory_space<vmem>>, vector<128x128xf32>
    %dot_general3A = arith.constant dense<0.000000e+00> : vector<10000x128xf32>
    %dot_general3A_32 = tpu.matmul %get3A_28, %get3A_31, %dot_general3A {dimension_numbers = #tpu.dot_dimension_numbers<[1], [0], [0], [1], [0, 0, 1, 1], [], []>, transpose_lhs_hint = false} : vector<10000x128xf32>, vector<128x128xf32>, vector<10000x128xf32> -> vector<10000x128xf32>
    %mul3A = vector.broadcast %rsqrt3A : vector<10000x1xf32> to vector<10000x128xf32>
    %mul3A_33 = arith.mulf %dot_general3A_32, %mul3A : vector<10000x128xf32>
    %swap3A = arith.constant 0 : index
    %swap3A_34 = arith.constant 0 : index
    %swap3A_35 = vector.load %arg4[%swap3A, %swap3A_34] : memref<10000x128xf32, #tpu.memory_space<vmem>>, vector<10000x128xf32>
    tpu.vector_store %arg4[%swap3A, %swap3A_34], %mul3A_33 {strides = array<i32>} : memref<10000x128xf32, #tpu.memory_space<vmem>>, vector<10000x128xf32>,
    %swap3A_36 = arith.constant 0 : index
    %swap3A_37 = arith.constant 0 : index
    %swap3A_38 = vector.load %arg5[%swap3A_36, %swap3A_37] : memref<10000x1xf32, #tpu.memory_space<vmem>>, vector<10000x1xf32>
    tpu.vector_store %arg5[%swap3A_36, %swap3A_37], %rsqrt3A {strides = array<i32>} : memref<10000x1xf32, #tpu.memory_space<vmem>>, vector<10000x1xf32>,
    %swap3A_39 = arith.constant 0 : index
    %swap3A_40 = arith.constant 0 : index
    %swap3A_41 = vector.load %arg6[%swap3A_39, %swap3A_40] : memref<10000x1xf32, #tpu.memory_space<vmem>>, vector<10000x1xf32>
    tpu.vector_store %arg6[%swap3A_39, %swap3A_40], %rsqrt3A_25 {strides = array<i32>} : memref<10000x1xf32, #tpu.memory_space<vmem>>, vector<10000x1xf32>,
    return
  }
}

module attributes {stable_mosaic.version = 14 : i64} {
  func.func @body(%arg0: memref<2x10240x128xf32, #tpu.memory_space<vmem>>, %arg1: memref<10000x1xf32, #tpu.memory_space<vmem>>, %arg2: memref<1x128xf32, #tpu.memory_space<vmem>>, %arg3: memref<128x128xf32, #tpu.memory_space<vmem>>, %arg4: memref<10000x1xf32, #tpu.memory_space<vmem>>, %arg5: memref<10000x128xf32, #tpu.memory_space<vmem>>, %arg6: memref<10000x128xf32, #tpu.memory_space<vmem>>) attributes {dimension_semantics = [], scalar_prefetch = 0 : i64, scratch_operands = 0 : i64, tpu.core_type = #tpu.core_type<tc>} {
    %get3A = arith.constant 0 : index
    %get3A_0 = arith.constant 0 : index
    %get3A_1 = arith.constant 0 : index
    %get3A_2 = vector.load %arg0[%get3A, %get3A_0, %get3A_1] : memref<2x10240x128xf32, #tpu.memory_space<vmem>>, vector<1x10000x128xf32>
    %get3A_3 = vector.shape_cast %get3A_2 : vector<1x10000x128xf32> to vector<10000x128xf32>
    %get3A_4 = arith.constant 1 : index
    %get3A_5 = arith.constant 0 : index
    %get3A_6 = arith.constant 0 : index
    %get3A_7 = vector.load %arg0[%get3A_4, %get3A_5, %get3A_6] : memref<2x10240x128xf32, #tpu.memory_space<vmem>>, vector<1x10000x128xf32>
    %get3A_8 = vector.shape_cast %get3A_7 : vector<1x10000x128xf32> to vector<10000x128xf32>
    %add3A = arith.addf %get3A_3, %get3A_8 : vector<10000x128xf32>
    %get3A_9 = arith.constant 0 : index
    %get3A_10 = arith.constant 0 : index
    %get3A_11 = vector.load %arg1[%get3A_9, %get3A_10] : memref<10000x1xf32, #tpu.memory_space<vmem>>, vector<10000x1xf32>
    %mul3A = vector.broadcast %get3A_11 : vector<10000x1xf32> to vector<10000x128xf32>
    %mul3A_12 = arith.mulf %add3A, %mul3A : vector<10000x128xf32>
    %get3A_13 = arith.constant 0 : index
    %get3A_14 = arith.constant 0 : index
    %get3A_15 = vector.load %arg2[%get3A_13, %get3A_14] : memref<1x128xf32, #tpu.memory_space<vmem>>, vector<1x128xf32>
    %add3A_16 = vector.broadcast %get3A_15 : vector<1x128xf32> to vector<10000x128xf32>
    %add3A_17 = arith.addf %mul3A_12, %add3A_16 : vector<10000x128xf32>
    %max3A = arith.constant 0.000000e+00 : f32
    %max3A_18 = vector.broadcast %max3A : f32 to vector<10000x128xf32>
    %max3A_19 = arith.maximumf %add3A_17, %max3A_18 : vector<10000x128xf32>
    %swap3A = arith.constant 0 : index
    %swap3A_20 = arith.constant 0 : index
    %swap3A_21 = vector.load %arg5[%swap3A, %swap3A_20] : memref<10000x128xf32, #tpu.memory_space<vmem>>, vector<10000x128xf32>
    tpu.vector_store %arg5[%swap3A, %swap3A_20], %max3A_19 {strides = array<i32>} : memref<10000x128xf32, #tpu.memory_space<vmem>>, vector<10000x128xf32>,
    %get3A_22 = arith.constant 0 : index
    %get3A_23 = arith.constant 0 : index
    %get3A_24 = vector.load %arg3[%get3A_22, %get3A_23] : memref<128x128xf32, #tpu.memory_space<vmem>>, vector<128x128xf32>
    %dot_general3A = arith.constant dense<0.000000e+00> : vector<10000x128xf32>
    %dot_general3A_25 = tpu.matmul %max3A_19, %get3A_24, %dot_general3A {dimension_numbers = #tpu.dot_dimension_numbers<[1], [0], [0], [1], [0, 0, 1, 1], [], []>, transpose_lhs_hint = false} : vector<10000x128xf32>, vector<128x128xf32>, vector<10000x128xf32> -> vector<10000x128xf32>
    %get3A_26 = arith.constant 0 : index
    %get3A_27 = arith.constant 0 : index
    %get3A_28 = vector.load %arg4[%get3A_26, %get3A_27] : memref<10000x1xf32, #tpu.memory_space<vmem>>, vector<10000x1xf32>
    %mul3A_29 = vector.broadcast %get3A_28 : vector<10000x1xf32> to vector<10000x128xf32>
    %mul3A_30 = arith.mulf %dot_general3A_25, %mul3A_29 : vector<10000x128xf32>
    %swap3A_31 = arith.constant 0 : index
    %swap3A_32 = arith.constant 0 : index
    %swap3A_33 = vector.load %arg6[%swap3A_31, %swap3A_32] : memref<10000x128xf32, #tpu.memory_space<vmem>>, vector<10000x128xf32>
    tpu.vector_store %arg6[%swap3A_31, %swap3A_32], %mul3A_30 {strides = array<i32>} : memref<10000x128xf32, #tpu.memory_space<vmem>>, vector<10000x128xf32>,
    return
  }
}

module attributes {stable_mosaic.version = 14 : i64} {
  func.func @body(%arg0: memref<2x10240x128xf32, #tpu.memory_space<vmem>>, %arg1: memref<10000x1xf32, #tpu.memory_space<vmem>>, %arg2: memref<1x128xf32, #tpu.memory_space<vmem>>, %arg3: memref<10000x128xf32, #tpu.memory_space<vmem>>, %arg4: memref<128x128xf32, #tpu.memory_space<vmem>>, %arg5: memref<128x128xf32, #tpu.memory_space<vmem>>, %arg6: memref<10000x128xf32, #tpu.memory_space<vmem>>) attributes {dimension_semantics = [], scalar_prefetch = 0 : i64, scratch_operands = 0 : i64, tpu.core_type = #tpu.core_type<tc>} {
    %get3A = arith.constant 0 : index
    %get3A_0 = arith.constant 0 : index
    %get3A_1 = arith.constant 0 : index
    %get3A_2 = vector.load %arg0[%get3A, %get3A_0, %get3A_1] : memref<2x10240x128xf32, #tpu.memory_space<vmem>>, vector<1x10000x128xf32>
    %get3A_3 = vector.shape_cast %get3A_2 : vector<1x10000x128xf32> to vector<10000x128xf32>
    %get3A_4 = arith.constant 1 : index
    %get3A_5 = arith.constant 0 : index
    %get3A_6 = arith.constant 0 : index
    %get3A_7 = vector.load %arg0[%get3A_4, %get3A_5, %get3A_6] : memref<2x10240x128xf32, #tpu.memory_space<vmem>>, vector<1x10000x128xf32>
    %get3A_8 = vector.shape_cast %get3A_7 : vector<1x10000x128xf32> to vector<10000x128xf32>
    %add3A = arith.addf %get3A_3, %get3A_8 : vector<10000x128xf32>
    %get3A_9 = arith.constant 0 : index
    %get3A_10 = arith.constant 0 : index
    %get3A_11 = vector.load %arg1[%get3A_9, %get3A_10] : memref<10000x1xf32, #tpu.memory_space<vmem>>, vector<10000x1xf32>
    %mul3A = vector.broadcast %get3A_11 : vector<10000x1xf32> to vector<10000x128xf32>
    %mul3A_12 = arith.mulf %add3A, %mul3A : vector<10000x128xf32>
    %get3A_13 = arith.constant 0 : index
    %get3A_14 = arith.constant 0 : index
    %get3A_15 = vector.load %arg2[%get3A_13, %get3A_14] : memref<1x128xf32, #tpu.memory_space<vmem>>, vector<1x128xf32>
    %add3A_16 = vector.broadcast %get3A_15 : vector<1x128xf32> to vector<10000x128xf32>
    %add3A_17 = arith.addf %mul3A_12, %add3A_16 : vector<10000x128xf32>
    %max3A = arith.constant 0.000000e+00 : f32
    %max3A_18 = vector.broadcast %max3A : f32 to vector<10000x128xf32>
    %max3A_19 = arith.maximumf %add3A_17, %max3A_18 : vector<10000x128xf32>
    %get3A_20 = arith.constant 0 : index
    %get3A_21 = arith.constant 0 : index
    %get3A_22 = vector.load %arg3[%get3A_20, %get3A_21] : memref<10000x128xf32, #tpu.memory_space<vmem>>, vector<10000x128xf32>
    %get3A_23 = arith.constant 0 : index
    %get3A_24 = arith.constant 0 : index
    %get3A_25 = vector.load %arg4[%get3A_23, %get3A_24] : memref<128x128xf32, #tpu.memory_space<vmem>>, vector<128x128xf32>
    %dot_general3A = arith.constant dense<0.000000e+00> : vector<10000x128xf32>
    %dot_general3A_26 = tpu.matmul %get3A_22, %get3A_25, %dot_general3A {dimension_numbers = #tpu.dot_dimension_numbers<[1], [0], [0], [1], [0, 0, 1, 1], [], []>, transpose_lhs_hint = false} : vector<10000x128xf32>, vector<128x128xf32>, vector<10000x128xf32> -> vector<10000x128xf32>
    %get3A_27 = arith.constant 0 : index
    %get3A_28 = arith.constant 0 : index
    %get3A_29 = vector.load %arg5[%get3A_27, %get3A_28] : memref<128x128xf32, #tpu.memory_space<vmem>>, vector<128x128xf32>
    %dot_general3A_30 = arith.constant dense<0.000000e+00> : vector<10000x128xf32>
    %dot_general3A_31 = tpu.matmul %max3A_19, %get3A_29, %dot_general3A_30 {dimension_numbers = #tpu.dot_dimension_numbers<[1], [0], [0], [1], [0, 0, 1, 1], [], []>, transpose_lhs_hint = false} : vector<10000x128xf32>, vector<128x128xf32>, vector<10000x128xf32> -> vector<10000x128xf32>
    %add3A_32 = arith.addf %dot_general3A_26, %dot_general3A_31 : vector<10000x128xf32>
    %swap3A = arith.constant 0 : index
    %swap3A_33 = arith.constant 0 : index
    %swap3A_34 = vector.load %arg6[%swap3A, %swap3A_33] : memref<10000x128xf32, #tpu.memory_space<vmem>>, vector<10000x128xf32>
    tpu.vector_store %arg6[%swap3A, %swap3A_33], %add3A_32 {strides = array<i32>} : memref<10000x128xf32, #tpu.memory_space<vmem>>, vector<10000x128xf32>,
    return
  }
}

module attributes {stable_mosaic.version = 14 : i64} {
  func.func @body(%arg0: memref<2x10240x128xf32, #tpu.memory_space<vmem>>, %arg1: memref<1x128xf32, #tpu.memory_space<vmem>>, %arg2: memref<10000x128xf32, #tpu.memory_space<vmem>>) attributes {dimension_semantics = [], scalar_prefetch = 0 : i64, scratch_operands = 0 : i64, tpu.core_type = #tpu.core_type<tc>} {
    %get3A = arith.constant 0 : index
    %get3A_0 = arith.constant 0 : index
    %get3A_1 = arith.constant 0 : index
    %get3A_2 = vector.load %arg0[%get3A, %get3A_0, %get3A_1] : memref<2x10240x128xf32, #tpu.memory_space<vmem>>, vector<1x10000x128xf32>
    %get3A_3 = vector.shape_cast %get3A_2 : vector<1x10000x128xf32> to vector<10000x128xf32>
    %get3A_4 = arith.constant 1 : index
    %get3A_5 = arith.constant 0 : index
    %get3A_6 = arith.constant 0 : index
    %get3A_7 = vector.load %arg0[%get3A_4, %get3A_5, %get3A_6] : memref<2x10240x128xf32, #tpu.memory_space<vmem>>, vector<1x10000x128xf32>
    %get3A_8 = vector.shape_cast %get3A_7 : vector<1x10000x128xf32> to vector<10000x128xf32>
    %add3A = arith.addf %get3A_3, %get3A_8 : vector<10000x128xf32>
    %get3A_9 = arith.constant 0 : index
    %get3A_10 = arith.constant 0 : index
    %get3A_11 = vector.load %arg1[%get3A_9, %get3A_10] : memref<1x128xf32, #tpu.memory_space<vmem>>, vector<1x128xf32>
    %add3A_12 = vector.broadcast %get3A_11 : vector<1x128xf32> to vector<10000x128xf32>
    %add3A_13 = arith.addf %add3A, %add3A_12 : vector<10000x128xf32>
    %swap3A = arith.constant 0 : index
    %swap3A_14 = arith.constant 0 : index
    %swap3A_15 = vector.load %arg2[%swap3A, %swap3A_14] : memref<10000x128xf32, #tpu.memory_space<vmem>>, vector<10000x128xf32>
    tpu.vector_store %arg2[%swap3A, %swap3A_14], %add3A_13 {strides = array<i32>} : memref<10000x128xf32, #tpu.memory_space<vmem>>, vector<10000x128xf32>,
    return
  }
}

</mosaic_0001>

<sc_bundles>
// kernel: kernel.11.cloned.1.call-start
scs
__scs_entry_jumppad:
0x0: {  	(pc) =	sbr.rel $0x88, $3  }
0x1: {  	(tag) =	ssettag $0x0;
	lr =	simm.s32 $0x1  }
0x2: {  	[smem:$0x3F99] =	sst lr;
	_ =	strace $0xD0000000  }
0x3: {  	_ = 	snop  }
0x4: {  	_ = 	snop  }
0x5: {  	_ = 	snop  }
0x6: {  	_ = 	snop  }
0x7: {  	_ = 	snop  }
__scs_overlays_trampoline_lowered:
0x8: {  	[smem:$0x3FA8] =	sst s0  }
0x9: {  	[smem:$0x3FA9] =	sst s1  }
0xa: {  	[smem:$0x3FAA] =	sst s2  }
0xb: {  	[smem:$0x3FAB] =	sst s3  }
0xc: {  	[smem:$0x3FAC] =	sst s4  }
0xd: {  	[smem:$0x3FAD] =	sst s5  }
0xe: {  	[smem:$0x3FAE] =	sst s6  }
0xf: {  	[smem:$0x3FAF] =	sst s7  }
0x10: {  	[smem:$0x3FB0] =	sst s8  }
0x11: {  	[smem:$0x3FB1] =	sst s9;
	s0 =	simm.s32 @!p0 $0x0  }
0x12: {  	s1 =	sld [smem:$0x3F97];
	s0 =	simm.s32 @p0 $0x1  }
0x13: {  	[smem:$0x3FB2] =	sst s0;
	s0 =	simm.s32 @!p1 $0x0  }
0x14: {  	s2 =	sld [smem:$0x3F96];
	s0 =	simm.s32 @p1 $0x1  }
0x15: {  	[smem:$0x3FB3] =	sst s0;
	s0 =	simm.s32 @!p2 $0x0  }
0x16: {  	s3 =	sld [smem:$0x3FDB];
	s0 =	simm.s32 @p2 $0x1  }
0x17: {  	s4 =	simm.s32 $0x1BF5;
	[smem:$0x3FB5] =	sst s0  }
0x18: {  	s0 =	sld [smem:$0x3F98];
	_ =	swait.ge [sflag:s4], $0x0  }
0x19: {  	s7 =	sld [smem:$0x3F99]  }
0x1a: {  	s8 =	sadd.s32 $0xFFFFE003, lr  }
0x1b: {  	s9 =	sadd.s32 $0xFFFFFEF7, lr;
	s5 =	simm.s32 $0xFFFFFFFF;
	p2 =	slt.u32 s8, $0xFFFFF086  }
0x1c: {  	p1 =	slt.u32 s9, $0xF7A;
	s5 =	simm.s32 @!p2 $0x0  }
0x1d: {  	s5 =	simm.s32 @p1 $0x1;
	p0 =	seq.s32 s7, s2  }
0x1e: {  	s7 =	smul.u32 @!p0 $0xF7A, s2;
	p2 =	seq.s32 @!p0 s5, $0x0  }
0x1f: {  	s9 =	smul.u32 $0xF7A, s1;
	s8 =	simm.s32 @!p0 $0x1BF5;
	p2 =	por !p2, p0  }
0x20: {  	[sflag:s8] =	ssyncset.s32 @!p0 $0xFFFFF086;
	s6 =	sadd.s32 @!p0 s3, s7;
	s7 =	simm.s32 @!p0 $0x108  }
0x21: {  	s3 =	sadd.s32 s3, s9;
	s6 =	sadd.s32 @!p0 $0x88, s6;
	s7 =	simm.s32 @p2 $0x1082  }
0x22: {  	[simem:s7], [sflag:s8] =	dma.local @!p0 [hbm:s6], $0xF7A  }
0x23: {  	s9 =	sor.u32 $0xD0000000, s2;
	s6 =	simm.s32 $0x108;
	_ =	swait.ge @!p0 [sflag:s8], $0x0  }
0x24: {  	s3 =	sadd.s32 $0x88, s3;
	s6 =	simm.s32 @!p1 $0x1082;
	[sflag:s4] =	ssyncset.s32 $0xFFFFF086  }
0x25: {  	[simem:s6], [sflag:s4] =	dma.local [hbm:s3], $0xF7A  }
0x26: {  	[smem:$0x3F99] =	sst s1;
	(tag) =	ssettag s2;
	_ =	strace s9  }
0x27: {  	s1 =	sld [smem:$0x3FA9]  }
0x28: {  	s2 =	sld [smem:$0x3FAA]  }
0x29: {  	s4 =	sld [smem:$0x3FAC]  }
0x2a: {  	p0 =	seq.s32 s5, $0x0;
	s5 =	sld [smem:$0x3FAD]  }
0x2b: {  	s6 =	sld [smem:$0x3FAE]  }
0x2c: {  	s7 =	sld [smem:$0x3FAF]  }
0x2d: {  	s3 =	simm.s32 $0x108;
	s8 =	sld [smem:$0x3FB0]  }
0x2e: {  	s3 =	simm.s32 @!p0 $0x1082;
	s9 =	sld [smem:$0x3FB1]  }
0x2f: {  	lr =	sadd.s32 s0, s3;
	s0 =	sld [smem:$0x3FA8]  }
0x30: {  	s3 =	sld [smem:$0x3FAB]  }
0x31: {  	[smem:$0x3FB4] =	sst s10  }
0x32: {  	s10 =	sld [smem:$0x3FB2];
	_ =	sdelay $0x3  }
0x33: {  	p0 =	seq.s32 s10, $0x1;
	s10 =	sld [smem:$0x3FB4];
	_ =	sdelay $0x3  }
0x34: {  	[smem:$0x3FB4] =	sst s10  }
0x35: {  	s10 =	sld [smem:$0x3FB3];
	_ =	sdelay $0x3  }
0x36: {  	p1 =	seq.s32 s10, $0x1;
	s10 =	sld [smem:$0x3FB4];
	_ =	sdelay $0x3  }
0x37: {  	[smem:$0x3FB4] =	sst s10  }
0x38: {  	s10 =	sld [smem:$0x3FB5]  }
0x39: {  	_ = 	snop;
	(pc) =	sbr.ind lr, $3  }
0x3a: {  	_ = 	snop  }
0x3b: {  	_ = 	snop  }
0x3c: {  	p2 =	seq.s32 s10, $0x1;
	s10 =	sld [smem:$0x3FB4]  }
0x3d: {  	_ =	shalt  }
0x3e: {  	_ =	shalt  }
0x3f: {  	_ =	shalt  }
0x40: {  	_ =	shalt  }
0x41: {  	_ =	shalt  }
0x42: {  	_ =	shalt  }
0x43: {  	_ =	shalt  }
0x44: {  	_ =	shalt  }
0x45: {  	_ =	shalt  }
0x46: {  	_ =	shalt  }
0x47: {  	_ =	shalt  }
0x48: {  	_ =	shalt  }
0x49: {  	_ =	shalt  }
0x4a: {  	_ =	shalt  }
0x4b: {  	_ =	shalt  }
0x4c: {  	_ =	shalt  }
0x4d: {  	_ =	shalt  }
0x4e: {  	_ =	shalt  }
0x4f: {  	_ =	shalt  }
0x50: {  	_ =	shalt  }
0x51: {  	_ =	shalt  }
0x52: {  	_ =	shalt  }
0x53: {  	_ =	shalt  }
0x54: {  	_ =	shalt  }
0x55: {  	_ =	shalt  }
0x56: {  	_ =	shalt  }
0x57: {  	_ =	shalt  }
0x58: {  	_ =	shalt  }
0x59: {  	_ =	shalt  }
0x5a: {  	_ =	shalt  }
0x5b: {  	_ =	shalt  }
0x5c: {  	_ =	shalt  }
0x5d: {  	_ =	shalt  }
0x5e: {  	_ =	shalt  }
0x5f: {  	_ =	shalt  }
0x60: {  	_ =	shalt  }
0x61: {  	_ =	shalt  }
0x62: {  	_ =	shalt  }
0x63: {  	_ =	shalt  }
0x64: {  	_ =	shalt  }
0x65: {  	_ =	shalt  }
0x66: {  	_ =	shalt  }
0x67: {  	_ =	shalt  }
0x68: {  	_ =	shalt  }
0x69: {  	_ =	shalt  }
0x6a: {  	_ =	shalt  }
0x6b: {  	_ =	shalt  }
0x6c: {  	_ =	shalt  }
0x6d: {  	_ =	shalt  }
0x6e: {  	_ =	shalt  }
0x6f: {  	_ =	shalt  }
0x70: {  	_ =	shalt  }
0x71: {  	_ =	shalt  }
0x72: {  	_ =	shalt  }
0x73: {  	_ =	shalt  }
0x74: {  	_ =	shalt  }
0x75: {  	_ =	shalt  }
0x76: {  	_ =	shalt  }
0x77: {  	_ =	shalt  }
0x78: {  	_ =	shalt  }
0x79: {  	_ =	shalt  }
0x7a: {  	_ =	shalt  }
0x7b: {  	_ =	shalt  }
0x7c: {  	_ =	shalt  }
0x7d: {  	_ =	shalt  }
0x7e: {  	_ =	shalt  }
0x7f: {  	_ =	shalt  }
0x80: {  	_ =	shalt  }
0x81: {  	_ =	shalt  }
0x82: {  	_ =	shalt  }
0x83: {  	_ =	shalt  }
0x84: {  	_ =	shalt  }
0x85: {  	_ =	shalt  }
0x86: {  	_ =	shalt  }
0x87: {  	_ =	shalt  }
.Lfunc_end0:
.L_simem_size_0:
called_computation_lowered:
.L_overlay_start_0:
0x88: {  	s2 =	sld [smem:$0x3FD9]  }
0x89: {  	s3 =	sld [smem:$0x3FFE];
	_ =	sdelay $0x1  }
0x8a: {  	s1 =	srdreg.scid  }
0x8b: {  	s0 =	sand.u32 $0x1, s1  }
0x8c: {  	s17 =	sshll.u32 s0, $0xA;
	s2 =	sadd.s32 s3, s2  }
0x8d: {  	s2 =	sadd.s32 s2, s17  }
0x8e: {  	[smem:$0x3FC0] =	sst s2  }
0x8f: {  	_ = 	snop  }
0x90: {  	s2 =	sld [smem:$0x3FD0];
	(tm) =	ssettm $0x1  }
0x91: {  	s18 =	sld [smem:$0x3FFB];
	_ =	sdelay $0x3  }
0x92: {  	_ =	strace s18  }
0x93: {  	s3 =	sld [smem:$0x3FFC];
	_ =	sdelay $0x3  }
0x94: {  	_ =	strace s3  }
0x95: {  	s3 =	sld [smem:$0x3FFD];
	_ =	sdelay $0x3  }
0x96: {  	_ =	strace s3  }
0x97: {  	_ =	strace $0x8FFFFFFF  }
0x98: {  	s19 =	sld [smem:$0x3FDB];
	_ =	sdelay $0x1  }
0x99: {  	s4 =	simm.s32 $_scs_section_size  }
0x9a: {  	s5 =	simm.s32 $_size__tile_overlayer_lowered;
	s6 =	simm.s32 $_tile_overlayer_lowered  }
0x9b: {  	s22 =	simm.s32 $0x1BFF;
	s21 =	sshll.u32 s6, $0x1;
	s3 =	sadd.s32 s4, s19  }
0x9c: {  	s7 =	simm.s32 $0x0;
	s20 =	sshll.u32 s5, $0x1;
	s5 =	sadd.s32 s21, s3  }
0x9d: {  	[timem:s7], [sflag:s22] =	dma.local [hbm:s5], s20  }
0x9e: {  	_ =	swait.ge [sflag:s22], s20  }
0x9f: {  	s4 =	ssub.s32 $0x0, s20;
	[sflag:s22] =	ssyncset.done $0x0  }
0xa0: {  	[sflag:s22] =	ssyncadd.s32 s4;
	_ =	sdelay $0x1  }
0xa1: {  	s23 =	simm.s32 $0x1B8B  }
0xa2: {  	_ =	swait.ge [sflag:s23], $0x1  }
0xa3: {  	[sflag:s23] =	ssyncset.done $0x0  }
0xa4: {  	s25 =	simm.s32 $0x1B8E;
	s24 =	sld [smem:$0x3FFE];
	[sflag:s23] =	ssyncadd.s32 $0xFFFFFFFF  }
0xa5: {  	s26 =	simm.s32 $execute0_lowered;
	[smem:$0x3FD2] =	sst s25  }
0xa6: {  	s5 =	sshll.u32 s26, $0x1;
	_ =	strace $0x80000046;
	[dreg:$0x1] =	wrdreg $0xFFFFFFFF  }
0xa7: {  	s28 =	simm.s32 $_size_execute0_lowered;
	s3 =	sadd.s32 s3, s5;
	[dreg:$0x0] =	wrdreg $0x0  }
0xa8: {  	s5 =	sshll.u32 s28, $0x1;
	[dreg:$0x2] =	wrdreg s3  }
0xa9: {  	[dreg:$0x3] =	wrdreg s5  }
0xaa: {  	[dreg:$0x4] =	wrdreg $0xC0  }
0xab: {  	_ =	task [dreg:s7], $0x5FFFF  }
0xac: {  	[dreg:$0x1] =	wrdreg $0xFFFFFFFF  }
0xad: {  	[dreg:$0x0] =	wrdreg $0x60  }
0xae: {  	[dreg:$0x2] =	wrdreg s2  }
0xaf: {  	[dreg:$0x3] =	wrdreg s24  }
0xb0: {  	[dreg:$0x4] =	wrdreg $0x88000  }
0xb1: {  	[dreg:$0x5] =	wrdreg $0x9  }
0xb2: {  	_ =	task.clear_ibuf [dreg:s7], $0x6FFFF;
	_ =	strace $0x90000046  }
0xb3: {  	s29 =	simm.s32 $0x9;
	_ =	strace $0x80000048  }
0xb4: {  	_ =	swait.ge [sflag:s29], $0x1  }
0xb5: {  	[sflag:s29] =	ssyncadd.s32 $0xFFFFFFFF  }
0xb6: {  	_ =	strace $0x90000048  }
0xb7: {  	_ =	sfence  }
0xb8: {  	s30 =	sld [smem:$0x0];
	_ =	sdelay $0x2  }
0xb9: {  	s31 =	sshll.u32 s1, $0xD;
	s1 =	sshrl.u32 s1, $0x2  }
0xba: {  	s3 =	sand.u32 $0x4000, s31;
	s1 =	sadd.s32 s1, s30  }
0xbb: {  	s0 =	sor.u32 s3, s0;
	s1 =	sshll.u32 s1, $0x11  }
0xbc: {  	s0 =	sor.u32 s1, s0  }
0xbd: {  	s0 =	sadd.s32 $0x8F2B, s0  }
0xbe: {  	[sflag:s0] =	ssyncadd.remote.s32 $0x1  }
0xbf: {  	_ =	sfence.sel $0xFFFF  }
0xc0: {  	[dreg:$0x0] =	wrdreg $0xFFFFFFFF;
	(pc) =	sbr.abs _section_cstart, $3  }
0xc1: {  	[dreg:$0x1] =	wrdreg $0xFFFFFFFF  }
0xc2: {  	_ =	task.clear_ibuf [dreg:s7], $0x2FFFF;
	_ =	strace $0x9FFFFFFF  }
0xc3: {  	(tm) =	ssettm $0x7FFFFFFF  }
tec
execute0_lowered:
.L_overlay_start_1:
0x0: {  	(tag) =	ssettag $0x1  }
0x1: {  	s1 =	rddreg [dreg:$0x0]  }
0x2: {  	s0 =	srdreg.scid;
	s2 =	rddreg [dreg:$0x1]  }
0x3: {  	s16 =	stileid.u32;
	s3 =	rddreg [dreg:$0x2]  }
0x4: {  	s4 =	simm.s32 $0x0;
	s21 =	simm.s32 $0x7D;
	s6 =	smul.u32 $0x14000, s16  }
0x5: {  	s31 =	simm.s32 $0x0;
	s0 =	sand.u32 $0x1, s0;
	s8 =	smul.u32 $0x50000, s16  }
0x6: {  	[smem:$0x7FF] =	sst s4;
	s10 =	sadd.s32 $0x2E00, s2;
	s26 =	smul.u32 $0x500, s16  }
0x7: {  	s11 =	sshll.u32 s16, $0x6;
	s5 =	smul.u32 $0x140000, s0;
	_ =	strace $0x80000047  }
0x8: {  	s22 =	sshll.u32 s0, $0x4;
	s7 =	ssub.s32 $0x2, s0;
	s0 =	smul.u32 $0x5000, s0  }
0x9: {  	s9 =	sshrl.u32 s7, $0x1;
	s23 =	sshrl.u32 s8, $0x2;
	s5 =	sadd.s32 s6, s5  }
0xa: {  	s9 =	ssub.s32 s7, s9;
	s24 =	sadd.s32 s23, s3;
	s0 =	sadd.s32 s0, s10  }
0xb: {  	s23 =	simm.s32 $0x1;
	s6 =	sshrl.u32 s5, $0x3;
	s5 =	sadd.s32 $0xCE00, s2  }
0xc: {  	s25 =	smax.u32 s9, $0x1;
	s13 =	sadd.s32 $0x2800, s24;
	s14 =	sadd.s32 $0x5000, s24  }
0xd: {  	s15 =	sadd.s32 $0x7800, s24;
	s28 =	sadd.s32 $0xA000, s24;
	s17 =	sadd.s32 $0xC800, s24  }
0xe: {  	s18 =	sadd.s32 $0xF000, s24;
	s19 =	sadd.s32 $0x11800, s24;
	s0 =	sadd.s32 s26, s0  }
0xf: {  	s26 =	simm.s32 $0x2;
	s2 =	sadd.s32 s6, s2;
	s6 =	sor.u32 s16, s22  }
0x10: {  	[dreg:$0x5] =	wrdreg s25;
	s29 =	sshrl.u32 s13, $0x3;
	s30 =	sshrl.u32 s14, $0x3  }
0x11: {  	s15 =	sshrl.u32 s15, $0x3;
	s16 =	sshrl.u32 s28, $0x3;
	s17 =	sshrl.u32 s17, $0x3  }
0x12: {  	s18 =	sshrl.u32 s18, $0x3;
	s19 =	sshrl.u32 s19, $0x3;
	s22 =	simm.s32 $0x800  }
0x13: {  	s25 =	simm.s32 $0x4;
	s12 =	smul.u32 $0x500, s6;
	[dreg:$0x6] =	wrdreg s29  }
0x14: {  	s6 =	sor.u32 $0x1C03, s11;
	s2 =	sadd.s32 $0xD400, s2;
	[dreg:$0x7] =	wrdreg s30  }
0x15: {  	s11 =	sshrl.u32 s24, $0x3;
	s24 =	simm.s32 $0x4800;
	[dreg:$0x4] =	wrdreg s2  }
0x16: {  	s7 =	sadd.s32 s10, s12;
	s10 =	sadd.s32 $0x20, s0;
	s12 =	simm.s32 $0x3  }
.LBB2_1:
0x17: {  	[spmem:s11], [sflag:s6] =	dma.local [hbm:s5], $0x500  }
0x18: {  	_ =	swait.ge [sflag:s12], $0x500  }
0x19: {  	[sflag:s12] =	ssyncset.done $0x0  }
0x1a: {  	s0 =	rddreg [dreg:$0x6];
	[sflag:s12] =	ssyncadd.s32 $0xFFFFFB00  }
0x1b: {  	[spmem:s0], [sflag:s6] =	dma.local [hbm:s5], $0x500  }
0x1c: {  	_ =	swait.ge [sflag:s12], $0x500  }
0x1d: {  	[sflag:s12] =	ssyncset.done $0x0  }
0x1e: {  	s20 =	rddreg [dreg:$0x7];
	[sflag:s12] =	ssyncadd.s32 $0xFFFFFB00  }
0x1f: {  	[spmem:s20], [sflag:s6] =	dma.local [hbm:s5], $0x500  }
0x20: {  	_ =	swait.ge [sflag:s12], $0x500  }
0x21: {  	[sflag:s12] =	ssyncset.done $0x0  }
0x22: {  	[sflag:s12] =	ssyncadd.s32 $0xFFFFFB00  }
0x23: {  	[spmem:s15], [sflag:s6] =	dma.local [hbm:s5], $0x500  }
0x24: {  	_ =	swait.ge [sflag:s12], $0x500  }
0x25: {  	[sflag:s12] =	ssyncset.done $0x0  }
0x26: {  	[sflag:s12] =	ssyncadd.s32 $0xFFFFFB00  }
0x27: {  	[spmem:s16], [sflag:s6] =	dma.local [hbm:s5], $0x500  }
0x28: {  	_ =	swait.ge [sflag:s12], $0x500  }
0x29: {  	[sflag:s12] =	ssyncset.done $0x0  }
0x2a: {  	[sflag:s12] =	ssyncadd.s32 $0xFFFFFB00  }
0x2b: {  	[spmem:s17], [sflag:s6] =	dma.local [hbm:s5], $0x500  }
0x2c: {  	_ =	swait.ge [sflag:s12], $0x500  }
0x2d: {  	[sflag:s12] =	ssyncset.done $0x0  }
0x2e: {  	[sflag:s12] =	ssyncadd.s32 $0xFFFFFB00  }
0x2f: {  	[spmem:s18], [sflag:s6] =	dma.local [hbm:s5], $0x500  }
0x30: {  	_ =	swait.ge [sflag:s12], $0x500  }
0x31: {  	[sflag:s12] =	ssyncset.done $0x0  }
0x32: {  	[sflag:s12] =	ssyncadd.s32 $0xFFFFFB00  }
0x33: {  	[spmem:s19], [sflag:s6] =	dma.local [hbm:s5], $0x500  }
0x34: {  	_ =	swait.ge [sflag:s12], $0x500  }
0x35: {  	[sflag:s12] =	ssyncset.done $0x0  }
0x36: {  	[sflag:s12] =	ssyncadd.s32 $0xFFFFFB00  }
0x37: {  	[bflag:$0x0] =	sbarrier.arrive $0xFFFF  }
0x38: {  	[tilespmem:s4], [sflag:$0x3] =	stream.linear.gather [hbm4b:s7+s4], $0x400, $0x38;
	[tilespmem:$0x1C800] =	vst v63  }
0x39: {  	_ =	swait.ge [sflag:s12], $0x400  }
0x3a: {  	[sflag:s12] =	ssyncset.done $0x0  }
0x3b: {  	s29 =	simm.s32 $0x400;
	[sflag:s12] =	ssyncadd.s32 $0xFFFFFC00  }
0x3c: {  	[tilespmem:s29], [sflag:$0x3] =	stream.linear.gather [hbm4b:s7+s4], $0x400, $0x38;
	[tilespmem:$0x1C800] =	vst v63  }
0x3d: {  	_ =	swait.ge [sflag:s12], $0x400  }
0x3e: {  	[sflag:s12] =	ssyncset.done $0x0  }
0x3f: {  	[sflag:s12] =	ssyncadd.s32 $0xFFFFFC00  }
0x40: {  	[tilespmem:s22], [sflag:$0x1] =	stream.indirect.gather [hbm4b:s1+s21], $0x80, s4, s21, $0xb8;
	[tilespmem:$0x1C800] =	vst v63  }
0x41: {  	s30 =	sand.u32 $0x6, s4;
	_ =	swait.ge [sflag:s23], $0x3E80  }
0x42: {  	s2 =	sshll.u32 s30, $0x7;
	[sflag:s23] =	ssyncset.done $0x0  }
0x43: {  	s20 =	sor.u32 $0x80, s2;
	[sflag:s23] =	ssyncadd.s32 $0xFFFFC180  }
0x44: {  	[tilespmem:s24], [sflag:$0x2] =	stream.indirect.gather [hbm4b:s1+s21], $0x80, s20, s21, $0xb8;
	[tilespmem:$0x1C800] =	vst v63  }
0x45: {  	s2 =	sor.u32 $0x400, s2  }
0x46: {  	[spmem:s3] =	stream.indirect.scatter.add.f32 [tilespmem:s22], [sflag:$0x4], $0x80, s2, s21, $0xb8;
	[tilespmem:$0x1C800] =	vst v63  }
0x47: {  	_ =	swait.ge [sflag:s25], $0x3E80  }
0x48: {  	[sflag:s25] =	ssyncset.done $0x0  }
0x49: {  	[sflag:s25] =	ssyncadd.s32 $0xFFFFC180  }
0x4a: {  	p0 =	sne.s32 s30, $0x6;
	_ =	swait.ge [sflag:s26], $0x3E80  }
0x4b: {  	s28 =	simm.s32 @p0 $0x7D;
	s2 =	simm.s32 $0x100;
	[sflag:s26] =	ssyncset.done $0x0  }
0x4c: {  	s29 =	simm.s32 @p0 $0x800;
	s0 =	sand.u32 @p0 $0x300, s2;
	[sflag:s26] =	ssyncadd.s32 $0xFFFFC180  }
0x4d: {  	[tilespmem:s29], [sflag:$0x1] =	stream.indirect.gather @p0 [hbm4b:s1+s28], $0x80, s0, s28, $0xb8;
	[tilespmem:$0x1C800] =	vst v63  }
0x4e: {  	s30 =	simm.s32 @p0 $0x4;
	s0 =	sor.u32 @p0 $0x400, s20;
	s29 =	simm.s32 @p0 $0x4800  }
0x4f: {  	[spmem:s3] =	stream.indirect.scatter.add.f32 @p0 [tilespmem:s29], [sflag:$0x4], $0x80, s0, s28, $0xb8;
	[tilespmem:$0x1C800] =	vst v63  }
0x50: {  	_ =	swait.ge @p0 [sflag:s30], $0x3E80  }
0x51: {  	[sflag:s30] =	ssyncset.done @p0 $0x0  }
0x52: {  	s0 =	simm.s32 @!p0 $0x0;
	s28 =	simm.s32 @!p0 $0x4;
	[sflag:s30] =	ssyncadd.s32 @p0 $0xFFFFC180  }
0x53: {  	[tilespmem:s0], [sflag:$0x4] =	stream.linear.gather @!p0 [hbm4b:s10+s0], $0x400, $0x38;
	[tilespmem:$0x1C800] =	vst v63  }
0x54: {  	_ =	swait.ge @!p0 [sflag:s28], $0x400  }
0x55: {  	s2 =	sand.u32 @!p0 $0x300, s2;
	[sflag:s28] =	ssyncset.done @!p0 $0x0  }
0x56: {  	s29 =	simm.s32 @!p0 $0x800;
	s30 =	simm.s32 @!p0 $0x7D;
	[sflag:s28] =	ssyncadd.s32 @!p0 $0xFFFFFC00  }
0x57: {  	[tilespmem:s29], [sflag:$0x1] =	stream.indirect.gather @!p0 [hbm4b:s1+s30], $0x80, s2, s30, $0xb8;
	[tilespmem:$0x1C800] =	vst v63  }
0x58: {  	s2 =	sor.u32 @!p0 $0x400, s20;
	s20 =	simm.s32 @!p0 $0x4800  }
0x59: {  	[spmem:s3] =	stream.indirect.scatter.add.f32 @!p0 [tilespmem:s20], [sflag:$0x4], $0x80, s2, s30, $0xb8;
	[tilespmem:$0x1C800] =	vst v63  }
0x5a: {  	_ =	swait.ge @!p0 [sflag:s28], $0x3E80  }
0x5b: {  	s2 =	simm.s32 @!p0 $0x400;
	[sflag:s28] =	ssyncset.done @!p0 $0x0  }
0x5c: {  	s20 =	simm.s32 $0x0;
	[sflag:s28] =	ssyncadd.s32 @!p0 $0xFFFFC180;
	s28 =	simm.s32 @!p0 $0x3  }
0x5d: {  	[tilespmem:s2], [sflag:$0x3] =	stream.linear.gather @!p0 [hbm4b:s10+s0], $0x400, $0x38;
	[tilespmem:$0x1C800] =	vst v63  }
0x5e: {  	s2 =	simm.s32 $0x200;
	s0 =	sadd.s32 $0x20, s10;
	_ =	swait.ge @!p0 [sflag:s28], $0x400  }
.LBB2_2:
0x5f: {  	[sflag:s28] =	ssyncset.done @!p0 $0x0  }
0x60: {  	s20 =	sadd.s32 $0x2, s20;
	s29 =	smov.u32 s2;
	s2 =	sadd.s32 $0x100, s2  }
0x61: {  	s30 =	sand.u32 $0x6, s20;
	p1 =	sne.s32 s2, $0x2800;
	[sflag:s28] =	ssyncadd.s32 @!p0 $0xFFFFFC00  }
0x62: {  	_ =	swait.ge [sflag:s23], $0x3E80;
	s28 =	sshll.u32 s30, $0x7  }
0x63: {  	[sflag:s23] =	ssyncset.done $0x0;
	s8 =	sor.u32 $0x80, s28  }
0x64: {  	[sflag:s23] =	ssyncadd.s32 $0xFFFFC180  }
0x65: {  	[tilespmem:s24], [sflag:$0x2] =	stream.indirect.gather [hbm4b:s1+s21], $0x80, s8, s21, $0xb8;
	[tilespmem:$0x1C800] =	vst v63  }
0x66: {  	s28 =	sor.u32 $0x400, s28  }
0x67: {  	[spmem:s3] =	stream.indirect.scatter.add.f32 [tilespmem:s22], [sflag:$0x4], $0x80, s28, s21, $0xb8;
	[tilespmem:$0x1C800] =	vst v63  }
0x68: {  	_ =	swait.ge [sflag:s25], $0x3E80  }
0x69: {  	[sflag:s25] =	ssyncset.done $0x0  }
0x6a: {  	[sflag:s25] =	ssyncadd.s32 $0xFFFFC180  }
0x6b: {  	p0 =	sne.s32 s30, $0x6;
	_ =	swait.ge [sflag:s26], $0x3E80  }
0x6c: {  	s30 =	simm.s32 @p0 $0x7D;
	s28 =	sand.u32 @p0 $0x300, s29;
	[sflag:s26] =	ssyncset.done $0x0  }
0x6d: {  	s9 =	simm.s32 @p0 $0x800;
	s13 =	sor.u32 @p0 $0x400, s8;
	[sflag:s26] =	ssyncadd.s32 $0xFFFFC180  }
0x6e: {  	[tilespmem:s9], [sflag:$0x1] =	stream.indirect.gather @p0 [hbm4b:s1+s30], $0x80, s28, s30, $0xb8;
	[tilespmem:$0x1C800] =	vst v63  }
0x6f: {  	s8 =	sor.u32 @!p0 $0x400, s8;
	s9 =	simm.s32 @p0 $0x4800;
	s28 =	simm.s32 @p0 $0x4  }
0x70: {  	[spmem:s3] =	stream.indirect.scatter.add.f32 @p0 [tilespmem:s9], [sflag:$0x4], $0x80, s13, s30, $0xb8;
	[tilespmem:$0x1C800] =	vst v63  }
0x71: {  	_ =	swait.ge @p0 [sflag:s28], $0x3E80  }
0x72: {  	s9 =	simm.s32 @!p0 $0x0;
	[sflag:s28] =	ssyncset.done @p0 $0x0  }
0x73: {  	s13 =	simm.s32 @!p0 $0x4;
	[sflag:s28] =	ssyncadd.s32 @p0 $0xFFFFC180  }
0x74: {  	[tilespmem:s9], [sflag:$0x4] =	stream.linear.gather @!p0 [hbm4b:s0+s9], $0x400, $0x38;
	[tilespmem:$0x1C800] =	vst v63  }
0x75: {  	s28 =	simm.s32 @!p0 $0x800;
	_ =	swait.ge @!p0 [sflag:s13], $0x400  }
0x76: {  	s29 =	sand.u32 @!p0 $0x300, s29;
	s30 =	simm.s32 @!p0 $0x7D;
	[sflag:s13] =	ssyncset.done @!p0 $0x0  }
0x77: {  	s14 =	simm.s32 @!p0 $0x4800;
	[sflag:s13] =	ssyncadd.s32 @!p0 $0xFFFFFC00  }
0x78: {  	[tilespmem:s28], [sflag:$0x1] =	stream.indirect.gather @!p0 [hbm4b:s1+s30], $0x80, s29, s30, $0xb8;
	[tilespmem:$0x1C800] =	vst v63  }
0x79: {  	_ = 	snop  }
0x7a: {  	[spmem:s3] =	stream.indirect.scatter.add.f32 @!p0 [tilespmem:s14], [sflag:$0x4], $0x80, s8, s30, $0xb8;
	[tilespmem:$0x1C800] =	vst v63  }
.Ltmp0:
0x7b: {  	_ =	swait.ge @!p0 [sflag:s13], $0x3E80;
	(pc) =	sbr.rel @p1 .LBB2_2-.Ltmp0, $4  }
0x7c: {  	s8 =	simm.s32 @!p0 $0x400;
	[sflag:s13] =	ssyncset.done @!p0 $0x0  }
0x7d: {  	s28 =	simm.s32 @!p0 $0x3;
	[sflag:s13] =	ssyncadd.s32 @!p0 $0xFFFFC180  }
0x7e: {  	[tilespmem:s8], [sflag:$0x3] =	stream.linear.gather @!p0 [hbm4b:s0+s9], $0x400, $0x38;
	[tilespmem:$0x1C800] =	vst v63  }
0x7f: {  	s0 =	sadd.s32 $0x20, s0;
	_ =	swait.ge @!p0 [sflag:s28], $0x400  }
0x80: {  	[sflag:s28] =	ssyncset.done @!p0 $0x0  }
0x81: {  	[sflag:s28] =	ssyncadd.s32 @!p0 $0xFFFFFC00  }
0x82: {  	_ =	swait.ge [sflag:s23], $0x3E80  }
0x83: {  	[sflag:s23] =	ssyncset.done $0x0  }
0x84: {  	s0 =	simm.s32 $0x380;
	[sflag:s23] =	ssyncadd.s32 $0xFFFFC180  }
0x85: {  	[tilespmem:s24], [sflag:$0x2] =	stream.indirect.gather [hbm4b:s1+s21], $0x80, s0, s21, $0xb8;
	[tilespmem:$0x1C800] =	vst v63  }
0x86: {  	s20 =	simm.s32 $0x700  }
0x87: {  	[spmem:s3] =	stream.indirect.scatter.add.f32 [tilespmem:s22], [sflag:$0x4], $0x80, s20, s21, $0xb8;
	[tilespmem:$0x1C800] =	vst v63  }
0x88: {  	_ =	swait.ge [sflag:s25], $0x3E80  }
0x89: {  	[sflag:s25] =	ssyncset.done $0x0  }
0x8a: {  	[sflag:s25] =	ssyncadd.s32 $0xFFFFC180  }
0x8b: {  	_ =	swait.ge [sflag:s26], $0x3E80  }
0x8c: {  	[sflag:s26] =	ssyncset.done $0x0  }
0x8d: {  	s28 =	simm.s32 $0x780;
	[sflag:s26] =	ssyncadd.s32 $0xFFFFC180  }
0x8e: {  	[spmem:s3] =	stream.indirect.scatter.add.f32 [tilespmem:s24], [sflag:$0x4], $0x80, s28, s21, $0xb8;
	[tilespmem:$0x1C800] =	vst v63  }
0x8f: {  	_ =	swait.ge [sflag:s25], $0x3E80  }
0x90: {  	[sflag:s25] =	ssyncset.done $0x0  }
0x91: {  	[sflag:s25] =	ssyncadd.s32 $0xFFFFC180  }
0x92: {  	[bflag:$0x0] =	sbarrier.arrive $0xFFFF  }
0x93: {  	s29 =	rddreg [dreg:$0x4]  }
0x94: {  	[hbm:s29], [sflag:s6] =	dma.local [spmem:s11], $0x2800  }
0x95: {  	_ =	swait.ge [sflag:s12], $0x2800  }
0x96: {  	s31 =	sadd.s32 $0x1, s31;
	s30 =	rddreg [dreg:$0x5]  }
0x97: {  	p0 =	sne.s32 s31, s30  }
.Ltmp1:
0x98: {  	_ = 	snop;
	(pc) =	sbr.rel @p0 .LBB2_1-.Ltmp1, $3  }
0x99: {  	_ =	sdelay $0x1  }
0x9a: {  	[sflag:s12] =	ssyncset.done $0x0  }
0x9b: {  	[sflag:s12] =	ssyncadd.s32 $0xFFFFD800  }
0x9c: {  	_ =	sfence.sel $0x180000  }
0x9d: {  	[bflag:$0x0] =	sbarrier.arrive $0xFFFF  }
0x9e: {  	_ =	strace $0x90000047  }
0x9f: {  	s0 =	stileid.u32;
	[bflag:$0x2] =	sbarrier.arrive $0xFFFF  }
0xa0: {  	p0 =	sne.s32 s0, $0x0;
	s0 =	rddreg [dreg:$0x3]  }
0xa1: {  	s0 =	sadd.s32 @!p0 $0x100000, s0  }
0xa2: {  	[sflag:s0] =	ssyncadd.tile.s32 @!p0 $0x1;
	_ =	shalt  }
.Lfunc_end2:
_tile_overlayer_lowered:
.L_overlay_start_2:
0xa3: {  	(tag) =	ssettag $0x2  }
0xa4: {  	s0 =	rddreg [dreg:$0x0];
	s2 =	stileid.u32  }
0xa5: {  	s1 =	rddreg [dreg:$0x1];
	p0 =	sne.s32 s2, $0x0  }
0xa6: {  	s3 =	rddreg [dreg:$0x2];
	[bflag:$0x3] =	sbarrier.arrive $0xFFFF;
	s2 =	simm.s32 @!p0 $0x1C03  }
0xa7: {  	[timem:s3], [sflag:s2] =	dma.local @!p0 [hbm:s0], s1  }
0xa8: {  	s0 =	simm.s32 @!p0 $0x3  }
0xa9: {  	_ =	swait.ge @!p0 [sflag:s0], s1  }
0xaa: {  	s1 =	ssub.s32 @!p0 $0x0, s1;
	[sflag:s0] =	ssyncset.done @!p0 $0x0  }
0xab: {  	[sflag:s0] =	ssyncadd.s32 @!p0 s1  }
0xac: {  	[bflag:$0x3] =	sbarrier.arrive $0xFFFF  }
0xad: {  	_ =	shalt  }

// kernel: kernel.14.cloned.1.call-start
scs
__scs_entry_jumppad:
0x0: {  	(pc) =	sbr.rel $0x88, $3  }
0x1: {  	(tag) =	ssettag $0x0;
	lr =	simm.s32 $0x1  }
0x2: {  	[smem:$0x3F99] =	sst lr;
	_ =	strace $0xD0000000  }
0x3: {  	_ = 	snop  }
0x4: {  	_ = 	snop  }
0x5: {  	_ = 	snop  }
0x6: {  	_ = 	snop  }
0x7: {  	_ = 	snop  }
__scs_overlays_trampoline_lowered:
0x8: {  	[smem:$0x3FA8] =	sst s0  }
0x9: {  	[smem:$0x3FA9] =	sst s1  }
0xa: {  	[smem:$0x3FAA] =	sst s2  }
0xb: {  	[smem:$0x3FAB] =	sst s3  }
0xc: {  	[smem:$0x3FAC] =	sst s4  }
0xd: {  	[smem:$0x3FAD] =	sst s5  }
0xe: {  	[smem:$0x3FAE] =	sst s6  }
0xf: {  	[smem:$0x3FAF] =	sst s7  }
0x10: {  	[smem:$0x3FB0] =	sst s8  }
0x11: {  	[smem:$0x3FB1] =	sst s9;
	s0 =	simm.s32 @!p0 $0x0  }
0x12: {  	s1 =	sld [smem:$0x3F97];
	s0 =	simm.s32 @p0 $0x1  }
0x13: {  	[smem:$0x3FB2] =	sst s0;
	s0 =	simm.s32 @!p1 $0x0  }
0x14: {  	s2 =	sld [smem:$0x3F96];
	s0 =	simm.s32 @p1 $0x1  }
0x15: {  	[smem:$0x3FB3] =	sst s0;
	s0 =	simm.s32 @!p2 $0x0  }
0x16: {  	s3 =	sld [smem:$0x3FDB];
	s0 =	simm.s32 @p2 $0x1  }
0x17: {  	s4 =	simm.s32 $0x1BF5;
	[smem:$0x3FB5] =	sst s0  }
0x18: {  	s0 =	sld [smem:$0x3F98];
	_ =	swait.ge [sflag:s4], $0x0  }
0x19: {  	s7 =	sld [smem:$0x3F99]  }
0x1a: {  	s8 =	sadd.s32 $0xFFFFE003, lr  }
0x1b: {  	s9 =	sadd.s32 $0xFFFFFEF7, lr;
	s5 =	simm.s32 $0xFFFFFFFF;
	p2 =	slt.u32 s8, $0xFFFFF086  }
0x1c: {  	p1 =	slt.u32 s9, $0xF7A;
	s5 =	simm.s32 @!p2 $0x0  }
0x1d: {  	s5 =	simm.s32 @p1 $0x1;
	p0 =	seq.s32 s7, s2  }
0x1e: {  	s7 =	smul.u32 @!p0 $0xF7A, s2;
	p2 =	seq.s32 @!p0 s5, $0x0  }
0x1f: {  	s9 =	smul.u32 $0xF7A, s1;
	s8 =	simm.s32 @!p0 $0x1BF5;
	p2 =	por !p2, p0  }
0x20: {  	[sflag:s8] =	ssyncset.s32 @!p0 $0xFFFFF086;
	s6 =	sadd.s32 @!p0 s3, s7;
	s7 =	simm.s32 @!p0 $0x108  }
0x21: {  	s3 =	sadd.s32 s3, s9;
	s6 =	sadd.s32 @!p0 $0x88, s6;
	s7 =	simm.s32 @p2 $0x1082  }
0x22: {  	[simem:s7], [sflag:s8] =	dma.local @!p0 [hbm:s6], $0xF7A  }
0x23: {  	s9 =	sor.u32 $0xD0000000, s2;
	s6 =	simm.s32 $0x108;
	_ =	swait.ge @!p0 [sflag:s8], $0x0  }
0x24: {  	s3 =	sadd.s32 $0x88, s3;
	s6 =	simm.s32 @!p1 $0x1082;
	[sflag:s4] =	ssyncset.s32 $0xFFFFF086  }
0x25: {  	[simem:s6], [sflag:s4] =	dma.local [hbm:s3], $0xF7A  }
0x26: {  	[smem:$0x3F99] =	sst s1;
	(tag) =	ssettag s2;
	_ =	strace s9  }
0x27: {  	s1 =	sld [smem:$0x3FA9]  }
0x28: {  	s2 =	sld [smem:$0x3FAA]  }
0x29: {  	s4 =	sld [smem:$0x3FAC]  }
0x2a: {  	p0 =	seq.s32 s5, $0x0;
	s5 =	sld [smem:$0x3FAD]  }
0x2b: {  	s6 =	sld [smem:$0x3FAE]  }
0x2c: {  	s7 =	sld [smem:$0x3FAF]  }
0x2d: {  	s3 =	simm.s32 $0x108;
	s8 =	sld [smem:$0x3FB0]  }
0x2e: {  	s3 =	simm.s32 @!p0 $0x1082;
	s9 =	sld [smem:$0x3FB1]  }
0x2f: {  	lr =	sadd.s32 s0, s3;
	s0 =	sld [smem:$0x3FA8]  }
0x30: {  	s3 =	sld [smem:$0x3FAB]  }
0x31: {  	[smem:$0x3FB4] =	sst s10  }
0x32: {  	s10 =	sld [smem:$0x3FB2];
	_ =	sdelay $0x3  }
0x33: {  	p0 =	seq.s32 s10, $0x1;
	s10 =	sld [smem:$0x3FB4];
	_ =	sdelay $0x3  }
0x34: {  	[smem:$0x3FB4] =	sst s10  }
0x35: {  	s10 =	sld [smem:$0x3FB3];
	_ =	sdelay $0x3  }
0x36: {  	p1 =	seq.s32 s10, $0x1;
	s10 =	sld [smem:$0x3FB4];
	_ =	sdelay $0x3  }
0x37: {  	[smem:$0x3FB4] =	sst s10  }
0x38: {  	s10 =	sld [smem:$0x3FB5]  }
0x39: {  	_ = 	snop;
	(pc) =	sbr.ind lr, $3  }
0x3a: {  	_ = 	snop  }
0x3b: {  	_ = 	snop  }
0x3c: {  	p2 =	seq.s32 s10, $0x1;
	s10 =	sld [smem:$0x3FB4]  }
0x3d: {  	_ =	shalt  }
0x3e: {  	_ =	shalt  }
0x3f: {  	_ =	shalt  }
0x40: {  	_ =	shalt  }
0x41: {  	_ =	shalt  }
0x42: {  	_ =	shalt  }
0x43: {  	_ =	shalt  }
0x44: {  	_ =	shalt  }
0x45: {  	_ =	shalt  }
0x46: {  	_ =	shalt  }
0x47: {  	_ =	shalt  }
0x48: {  	_ =	shalt  }
0x49: {  	_ =	shalt  }
0x4a: {  	_ =	shalt  }
0x4b: {  	_ =	shalt  }
0x4c: {  	_ =	shalt  }
0x4d: {  	_ =	shalt  }
0x4e: {  	_ =	shalt  }
0x4f: {  	_ =	shalt  }
0x50: {  	_ =	shalt  }
0x51: {  	_ =	shalt  }
0x52: {  	_ =	shalt  }
0x53: {  	_ =	shalt  }
0x54: {  	_ =	shalt  }
0x55: {  	_ =	shalt  }
0x56: {  	_ =	shalt  }
0x57: {  	_ =	shalt  }
0x58: {  	_ =	shalt  }
0x59: {  	_ =	shalt  }
0x5a: {  	_ =	shalt  }
0x5b: {  	_ =	shalt  }
0x5c: {  	_ =	shalt  }
0x5d: {  	_ =	shalt  }
0x5e: {  	_ =	shalt  }
0x5f: {  	_ =	shalt  }
0x60: {  	_ =	shalt  }
0x61: {  	_ =	shalt  }
0x62: {  	_ =	shalt  }
0x63: {  	_ =	shalt  }
0x64: {  	_ =	shalt  }
0x65: {  	_ =	shalt  }
0x66: {  	_ =	shalt  }
0x67: {  	_ =	shalt  }
0x68: {  	_ =	shalt  }
0x69: {  	_ =	shalt  }
0x6a: {  	_ =	shalt  }
0x6b: {  	_ =	shalt  }
0x6c: {  	_ =	shalt  }
0x6d: {  	_ =	shalt  }
0x6e: {  	_ =	shalt  }
0x6f: {  	_ =	shalt  }
0x70: {  	_ =	shalt  }
0x71: {  	_ =	shalt  }
0x72: {  	_ =	shalt  }
0x73: {  	_ =	shalt  }
0x74: {  	_ =	shalt  }
0x75: {  	_ =	shalt  }
0x76: {  	_ =	shalt  }
0x77: {  	_ =	shalt  }
0x78: {  	_ =	shalt  }
0x79: {  	_ =	shalt  }
0x7a: {  	_ =	shalt  }
0x7b: {  	_ =	shalt  }
0x7c: {  	_ =	shalt  }
0x7d: {  	_ =	shalt  }
0x7e: {  	_ =	shalt  }
0x7f: {  	_ =	shalt  }
0x80: {  	_ =	shalt  }
0x81: {  	_ =	shalt  }
0x82: {  	_ =	shalt  }
0x83: {  	_ =	shalt  }
0x84: {  	_ =	shalt  }
0x85: {  	_ =	shalt  }
0x86: {  	_ =	shalt  }
0x87: {  	_ =	shalt  }
.Lfunc_end0:
.L_simem_size_0:
called_computation.1_lowered:
.L_overlay_start_0:
0x88: {  	s2 =	sld [smem:$0x3FD9]  }
0x89: {  	s3 =	sld [smem:$0x3FFE];
	_ =	sdelay $0x1  }
0x8a: {  	s1 =	srdreg.scid  }
0x8b: {  	s0 =	sand.u32 $0x1, s1  }
0x8c: {  	s17 =	sshll.u32 s0, $0xA;
	s2 =	sadd.s32 s3, s2  }
0x8d: {  	s2 =	sadd.s32 s2, s17  }
0x8e: {  	[smem:$0x3FC0] =	sst s2  }
0x8f: {  	_ = 	snop  }
0x90: {  	s18 =	sld [smem:$0x3FD0];
	(tm) =	ssettm $0x1  }
0x91: {  	s19 =	sld [smem:$0x3FFB];
	_ =	sdelay $0x3  }
0x92: {  	_ =	strace s19  }
0x93: {  	s2 =	sld [smem:$0x3FFC];
	_ =	sdelay $0x3  }
0x94: {  	_ =	strace s2  }
0x95: {  	s2 =	sld [smem:$0x3FFD];
	_ =	sdelay $0x3  }
0x96: {  	_ =	strace s2  }
0x97: {  	_ =	strace $0x8FFFFFFF  }
0x98: {  	s20 =	sld [smem:$0x3FDB];
	_ =	sdelay $0x1  }
0x99: {  	s4 =	simm.s32 $_scs_section_size  }
0x9a: {  	s5 =	simm.s32 $_size__tile_overlayer_lowered;
	s6 =	simm.s32 $_tile_overlayer_lowered  }
0x9b: {  	s7 =	simm.s32 $0x1BFF;
	s21 =	sshll.u32 s6, $0x1;
	s4 =	sadd.s32 s4, s20  }
0x9c: {  	s22 =	simm.s32 $0x0;
	s5 =	sshll.u32 s5, $0x1;
	s6 =	sadd.s32 s21, s4  }
0x9d: {  	[timem:s22], [sflag:s7] =	dma.local [hbm:s6], s5  }
0x9e: {  	_ =	swait.ge [sflag:s7], s5  }
0x9f: {  	s5 =	ssub.s32 $0x0, s5;
	[sflag:s7] =	ssyncset.done $0x0  }
0xa0: {  	[sflag:s7] =	ssyncadd.s32 s5;
	_ =	sdelay $0x1  }
0xa1: {  	s23 =	simm.s32 $0x1B8B  }
0xa2: {  	_ =	swait.ge [sflag:s23], $0x1  }
0xa3: {  	[sflag:s23] =	ssyncset.done $0x0  }
0xa4: {  	[sflag:s23] =	ssyncadd.s32 $0xFFFFFFFF  }
0xa5: {  	s5 =	sld [smem:$0x0]  }
0xa6: {  	s6 =	sand.u32 $0xFFFFFFFE, s1  }
0xa7: {  	p0 =	sne.s32 s1, s6  }
0xa8: {  	s6 =	sshll.u32 @p0 s6, $0xE  }
0xa9: {  	s6 =	sadd.s32 @p0 $0x11B8D, s6;
	s7 =	sshll.u32 @p0 s5, $0x11  }
0xaa: {  	s6 =	sor.u32 @p0 s7, s6  }
0xab: {  	[sflag:s6] =	ssyncadd.remote.s32 @p0 $0x1;
	_ =	sdelay $0x1  }
0xac: {  	s6 =	simm.s32 @p0 $0x1B8D  }
0xad: {  	_ =	swait.eq @p0 [sflag:s6], $0x1  }
0xae: {  	[sflag:s6] =	ssyncadd.s32 @p0 $0xFFFFFFFF  }
0xaf: {  	s7 =	sshll.u32 @!p0 s1, $0xE  }
0xb0: {  	s7 =	sor.u32 @!p0 $0x4000, s7;
	s6 =	simm.s32 @!p0 $0x1B8D  }
0xb1: {  	s5 =	sshll.u32 @!p0 s5, $0x11;
	s7 =	sadd.s32 @!p0 $0x11B8D, s7;
	_ =	swait.eq @!p0 [sflag:s6], $0x1  }
0xb2: {  	s5 =	sor.u32 @!p0 s5, s7;
	[sflag:s6] =	ssyncadd.s32 @!p0 $0xFFFFFFFF  }
0xb3: {  	s25 =	simm.s32 $0x1B8E;
	s24 =	sld [smem:$0x3FFE];
	[sflag:s5] =	ssyncadd.remote.s32 @!p0 $0x1  }
0xb4: {  	s26 =	simm.s32 $execute0_lowered;
	[smem:$0x3FD2] =	sst s25  }
0xb5: {  	s6 =	sshll.u32 s26, $0x1;
	_ =	strace $0x80000049;
	[dreg:$0x1] =	wrdreg $0xFFFFFFFF  }
0xb6: {  	s28 =	simm.s32 $_size_execute0_lowered;
	s4 =	sadd.s32 s4, s6;
	[dreg:$0x0] =	wrdreg $0x0  }
0xb7: {  	s6 =	sshll.u32 s28, $0x1;
	[dreg:$0x2] =	wrdreg s4  }
0xb8: {  	[dreg:$0x3] =	wrdreg s6  }
0xb9: {  	[dreg:$0x4] =	wrdreg $0xC0  }
0xba: {  	_ =	task [dreg:s22], $0x5FFFF  }
0xbb: {  	[dreg:$0x1] =	wrdreg $0xFFFFFFFF  }
0xbc: {  	[dreg:$0x0] =	wrdreg $0x60  }
0xbd: {  	[dreg:$0x2] =	wrdreg s18  }
0xbe: {  	[dreg:$0x3] =	wrdreg s24  }
0xbf: {  	[dreg:$0x4] =	wrdreg $0x88000  }
0xc0: {  	[dreg:$0x5] =	wrdreg $0xA  }
0xc1: {  	_ =	task.clear_ibuf [dreg:s22], $0x6FFFF;
	_ =	strace $0x90000049  }
0xc2: {  	s29 =	simm.s32 $0xA;
	_ =	strace $0x8000004B  }
0xc3: {  	_ =	swait.ge [sflag:s29], $0x1  }
0xc4: {  	[sflag:s29] =	ssyncadd.s32 $0xFFFFFFFF  }
0xc5: {  	_ =	strace $0x9000004B  }
0xc6: {  	_ =	sfence  }
0xc7: {  	s30 =	sld [smem:$0x0];
	_ =	sdelay $0x2  }
0xc8: {  	s31 =	sshll.u32 s1, $0xD;
	s1 =	sshrl.u32 s1, $0x2  }
0xc9: {  	s4 =	sand.u32 $0x4000, s31;
	s1 =	sadd.s32 s1, s30  }
0xca: {  	s0 =	sor.u32 s4, s0;
	s1 =	sshll.u32 s1, $0x11  }
0xcb: {  	s0 =	sor.u32 s1, s0  }
0xcc: {  	s0 =	sadd.s32 $0x8F2B, s0  }
0xcd: {  	[sflag:s0] =	ssyncadd.remote.s32 $0x1  }
0xce: {  	_ =	sfence.sel $0xFFFF  }
0xcf: {  	[dreg:$0x0] =	wrdreg $0xFFFFFFFF;
	(pc) =	sbr.abs _section_cstart, $3  }
0xd0: {  	[dreg:$0x1] =	wrdreg $0xFFFFFFFF  }
0xd1: {  	_ =	task.clear_ibuf [dreg:s22], $0x2FFFF;
	_ =	strace $0x9FFFFFFF  }
0xd2: {  	(tm) =	ssettm $0x7FFFFFFF  }
0xd3: {  	_ =	shalt  }
tec
execute0_lowered:
.L_overlay_start_1:
0x0: {  	(tag) =	ssettag $0x1  }
0x1: {  	s1 =	rddreg [dreg:$0x0]  }
0x2: {  	s0 =	srdreg.scid;
	s2 =	rddreg [dreg:$0x1]  }
0x3: {  	s16 =	stileid.u32;
	s3 =	rddreg [dreg:$0x2]  }
0x4: {  	s4 =	simm.s32 $0x0;
	s21 =	simm.s32 $0x7D;
	s6 =	smul.u32 $0x14000, s16  }
0x5: {  	s31 =	simm.s32 $0x0;
	s0 =	sand.u32 $0x1, s0;
	s8 =	smul.u32 $0x50000, s16  }
0x6: {  	[smem:$0x7FF] =	sst s4;
	s10 =	sadd.s32 $0x5D400, s2;
	s26 =	smul.u32 $0x500, s16  }
0x7: {  	s11 =	sshll.u32 s16, $0x6;
	s5 =	smul.u32 $0x140000, s0;
	_ =	strace $0x8000004A  }
0x8: {  	s22 =	sshll.u32 s0, $0x4;
	s7 =	ssub.s32 $0x2, s0;
	s0 =	smul.u32 $0x5000, s0  }
0x9: {  	s9 =	sshrl.u32 s7, $0x1;
	s23 =	sshrl.u32 s8, $0x2;
	s5 =	sadd.s32 s6, s5  }
0xa: {  	s9 =	ssub.s32 s7, s9;
	s24 =	sadd.s32 s23, s3;
	s0 =	sadd.s32 s0, s10  }
0xb: {  	s23 =	simm.s32 $0x1;
	s6 =	sshrl.u32 s5, $0x3;
	s5 =	sadd.s32 $0xCE00, s2  }
0xc: {  	s25 =	smax.u32 s9, $0x1;
	s13 =	sadd.s32 $0x2800, s24;
	s14 =	sadd.s32 $0x5000, s24  }
0xd: {  	s15 =	sadd.s32 $0x7800, s24;
	s28 =	sadd.s32 $0xA000, s24;
	s17 =	sadd.s32 $0xC800, s24  }
0xe: {  	s18 =	sadd.s32 $0xF000, s24;
	s19 =	sadd.s32 $0x11800, s24;
	s0 =	sadd.s32 s26, s0  }
0xf: {  	s26 =	simm.s32 $0x2;
	s2 =	sadd.s32 s6, s2;
	s6 =	sor.u32 s16, s22  }
0x10: {  	[dreg:$0x5] =	wrdreg s25;
	s29 =	sshrl.u32 s13, $0x3;
	s30 =	sshrl.u32 s14, $0x3  }
0x11: {  	s15 =	sshrl.u32 s15, $0x3;
	s16 =	sshrl.u32 s28, $0x3;
	s17 =	sshrl.u32 s17, $0x3  }
0x12: {  	s18 =	sshrl.u32 s18, $0x3;
	s19 =	sshrl.u32 s19, $0x3;
	s22 =	simm.s32 $0x800  }
0x13: {  	s25 =	simm.s32 $0x4;
	s12 =	smul.u32 $0x500, s6;
	[dreg:$0x6] =	wrdreg s29  }
0x14: {  	s6 =	sor.u32 $0x1C03, s11;
	s2 =	sadd.s32 $0x67400, s2;
	[dreg:$0x7] =	wrdreg s30  }
0x15: {  	s11 =	sshrl.u32 s24, $0x3;
	s24 =	simm.s32 $0x4800;
	[dreg:$0x4] =	wrdreg s2  }
0x16: {  	s7 =	sadd.s32 s10, s12;
	s10 =	sadd.s32 $0x20, s0;
	s12 =	simm.s32 $0x3  }
.LBB2_1:
0x17: {  	[spmem:s11], [sflag:s6] =	dma.local [hbm:s5], $0x500  }
0x18: {  	_ =	swait.ge [sflag:s12], $0x500  }
0x19: {  	[sflag:s12] =	ssyncset.done $0x0  }
0x1a: {  	s0 =	rddreg [dreg:$0x6];
	[sflag:s12] =	ssyncadd.s32 $0xFFFFFB00  }
0x1b: {  	[spmem:s0], [sflag:s6] =	dma.local [hbm:s5], $0x500  }
0x1c: {  	_ =	swait.ge [sflag:s12], $0x500  }
0x1d: {  	[sflag:s12] =	ssyncset.done $0x0  }
0x1e: {  	s20 =	rddreg [dreg:$0x7];
	[sflag:s12] =	ssyncadd.s32 $0xFFFFFB00  }
0x1f: {  	[spmem:s20], [sflag:s6] =	dma.local [hbm:s5], $0x500  }
0x20: {  	_ =	swait.ge [sflag:s12], $0x500  }
0x21: {  	[sflag:s12] =	ssyncset.done $0x0  }
0x22: {  	[sflag:s12] =	ssyncadd.s32 $0xFFFFFB00  }
0x23: {  	[spmem:s15], [sflag:s6] =	dma.local [hbm:s5], $0x500  }
0x24: {  	_ =	swait.ge [sflag:s12], $0x500  }
0x25: {  	[sflag:s12] =	ssyncset.done $0x0  }
0x26: {  	[sflag:s12] =	ssyncadd.s32 $0xFFFFFB00  }
0x27: {  	[spmem:s16], [sflag:s6] =	dma.local [hbm:s5], $0x500  }
0x28: {  	_ =	swait.ge [sflag:s12], $0x500  }
0x29: {  	[sflag:s12] =	ssyncset.done $0x0  }
0x2a: {  	[sflag:s12] =	ssyncadd.s32 $0xFFFFFB00  }
0x2b: {  	[spmem:s17], [sflag:s6] =	dma.local [hbm:s5], $0x500  }
0x2c: {  	_ =	swait.ge [sflag:s12], $0x500  }
0x2d: {  	[sflag:s12] =	ssyncset.done $0x0  }
0x2e: {  	[sflag:s12] =	ssyncadd.s32 $0xFFFFFB00  }
0x2f: {  	[spmem:s18], [sflag:s6] =	dma.local [hbm:s5], $0x500  }
0x30: {  	_ =	swait.ge [sflag:s12], $0x500  }
0x31: {  	[sflag:s12] =	ssyncset.done $0x0  }
0x32: {  	[sflag:s12] =	ssyncadd.s32 $0xFFFFFB00  }
0x33: {  	[spmem:s19], [sflag:s6] =	dma.local [hbm:s5], $0x500  }
0x34: {  	_ =	swait.ge [sflag:s12], $0x500  }
0x35: {  	[sflag:s12] =	ssyncset.done $0x0  }
0x36: {  	[sflag:s12] =	ssyncadd.s32 $0xFFFFFB00  }
0x37: {  	[bflag:$0x0] =	sbarrier.arrive $0xFFFF  }
0x38: {  	[tilespmem:s4], [sflag:$0x3] =	stream.linear.gather [hbm4b:s7+s4], $0x400, $0x38;
	[tilespmem:$0x1C800] =	vst v63  }
0x39: {  	_ =	swait.ge [sflag:s12], $0x400  }
0x3a: {  	[sflag:s12] =	ssyncset.done $0x0  }
0x3b: {  	s29 =	simm.s32 $0x400;
	[sflag:s12] =	ssyncadd.s32 $0xFFFFFC00  }
0x3c: {  	[tilespmem:s29], [sflag:$0x3] =	stream.linear.gather [hbm4b:s7+s4], $0x400, $0x38;
	[tilespmem:$0x1C800] =	vst v63  }
0x3d: {  	_ =	swait.ge [sflag:s12], $0x400  }
0x3e: {  	[sflag:s12] =	ssyncset.done $0x0  }
0x3f: {  	[sflag:s12] =	ssyncadd.s32 $0xFFFFFC00  }
0x40: {  	[tilespmem:s22], [sflag:$0x1] =	stream.indirect.gather [hbm4b:s1+s21], $0x80, s4, s21, $0xb8;
	[tilespmem:$0x1C800] =	vst v63  }
0x41: {  	s30 =	sand.u32 $0x6, s4;
	_ =	swait.ge [sflag:s23], $0x3E80  }
0x42: {  	s2 =	sshll.u32 s30, $0x7;
	[sflag:s23] =	ssyncset.done $0x0  }
0x43: {  	s20 =	sor.u32 $0x80, s2;
	[sflag:s23] =	ssyncadd.s32 $0xFFFFC180  }
0x44: {  	[tilespmem:s24], [sflag:$0x2] =	stream.indirect.gather [hbm4b:s1+s21], $0x80, s20, s21, $0xb8;
	[tilespmem:$0x1C800] =	vst v63  }
0x45: {  	s2 =	sor.u32 $0x400, s2  }
0x46: {  	[spmem:s3] =	stream.indirect.scatter.add.f32 [tilespmem:s22], [sflag:$0x4], $0x80, s2, s21, $0xb8;
	[tilespmem:$0x1C800] =	vst v63  }
0x47: {  	_ =	swait.ge [sflag:s25], $0x3E80  }
0x48: {  	[sflag:s25] =	ssyncset.done $0x0  }
0x49: {  	[sflag:s25] =	ssyncadd.s32 $0xFFFFC180  }
0x4a: {  	p0 =	sne.s32 s30, $0x6;
	_ =	swait.ge [sflag:s26], $0x3E80  }
0x4b: {  	s28 =	simm.s32 @p0 $0x7D;
	s2 =	simm.s32 $0x100;
	[sflag:s26] =	ssyncset.done $0x0  }
0x4c: {  	s29 =	simm.s32 @p0 $0x800;
	s0 =	sand.u32 @p0 $0x300, s2;
	[sflag:s26] =	ssyncadd.s32 $0xFFFFC180  }
0x4d: {  	[tilespmem:s29], [sflag:$0x1] =	stream.indirect.gather @p0 [hbm4b:s1+s28], $0x80, s0, s28, $0xb8;
	[tilespmem:$0x1C800] =	vst v63  }
0x4e: {  	s30 =	simm.s32 @p0 $0x4;
	s0 =	sor.u32 @p0 $0x400, s20;
	s29 =	simm.s32 @p0 $0x4800  }
0x4f: {  	[spmem:s3] =	stream.indirect.scatter.add.f32 @p0 [tilespmem:s29], [sflag:$0x4], $0x80, s0, s28, $0xb8;
	[tilespmem:$0x1C800] =	vst v63  }
0x50: {  	_ =	swait.ge @p0 [sflag:s30], $0x3E80  }
0x51: {  	[sflag:s30] =	ssyncset.done @p0 $0x0  }
0x52: {  	s0 =	simm.s32 @!p0 $0x0;
	s28 =	simm.s32 @!p0 $0x4;
	[sflag:s30] =	ssyncadd.s32 @p0 $0xFFFFC180  }
0x53: {  	[tilespmem:s0], [sflag:$0x4] =	stream.linear.gather @!p0 [hbm4b:s10+s0], $0x400, $0x38;
	[tilespmem:$0x1C800] =	vst v63  }
0x54: {  	_ =	swait.ge @!p0 [sflag:s28], $0x400  }
0x55: {  	s2 =	sand.u32 @!p0 $0x300, s2;
	[sflag:s28] =	ssyncset.done @!p0 $0x0  }
0x56: {  	s29 =	simm.s32 @!p0 $0x800;
	s30 =	simm.s32 @!p0 $0x7D;
	[sflag:s28] =	ssyncadd.s32 @!p0 $0xFFFFFC00  }
0x57: {  	[tilespmem:s29], [sflag:$0x1] =	stream.indirect.gather @!p0 [hbm4b:s1+s30], $0x80, s2, s30, $0xb8;
	[tilespmem:$0x1C800] =	vst v63  }
0x58: {  	s2 =	sor.u32 @!p0 $0x400, s20;
	s20 =	simm.s32 @!p0 $0x4800  }
0x59: {  	[spmem:s3] =	stream.indirect.scatter.add.f32 @!p0 [tilespmem:s20], [sflag:$0x4], $0x80, s2, s30, $0xb8;
	[tilespmem:$0x1C800] =	vst v63  }
0x5a: {  	_ =	swait.ge @!p0 [sflag:s28], $0x3E80  }
0x5b: {  	s2 =	simm.s32 @!p0 $0x400;
	[sflag:s28] =	ssyncset.done @!p0 $0x0  }
0x5c: {  	s20 =	simm.s32 $0x0;
	[sflag:s28] =	ssyncadd.s32 @!p0 $0xFFFFC180;
	s28 =	simm.s32 @!p0 $0x3  }
0x5d: {  	[tilespmem:s2], [sflag:$0x3] =	stream.linear.gather @!p0 [hbm4b:s10+s0], $0x400, $0x38;
	[tilespmem:$0x1C800] =	vst v63  }
0x5e: {  	s2 =	simm.s32 $0x200;
	s0 =	sadd.s32 $0x20, s10;
	_ =	swait.ge @!p0 [sflag:s28], $0x400  }
.LBB2_2:
0x5f: {  	[sflag:s28] =	ssyncset.done @!p0 $0x0  }
0x60: {  	s20 =	sadd.s32 $0x2, s20;
	s29 =	smov.u32 s2;
	s2 =	sadd.s32 $0x100, s2  }
0x61: {  	s30 =	sand.u32 $0x6, s20;
	p1 =	sne.s32 s2, $0x2800;
	[sflag:s28] =	ssyncadd.s32 @!p0 $0xFFFFFC00  }
0x62: {  	_ =	swait.ge [sflag:s23], $0x3E80;
	s28 =	sshll.u32 s30, $0x7  }
0x63: {  	[sflag:s23] =	ssyncset.done $0x0;
	s8 =	sor.u32 $0x80, s28  }
0x64: {  	[sflag:s23] =	ssyncadd.s32 $0xFFFFC180  }
0x65: {  	[tilespmem:s24], [sflag:$0x2] =	stream.indirect.gather [hbm4b:s1+s21], $0x80, s8, s21, $0xb8;
	[tilespmem:$0x1C800] =	vst v63  }
0x66: {  	s28 =	sor.u32 $0x400, s28  }
0x67: {  	[spmem:s3] =	stream.indirect.scatter.add.f32 [tilespmem:s22], [sflag:$0x4], $0x80, s28, s21, $0xb8;
	[tilespmem:$0x1C800] =	vst v63  }
0x68: {  	_ =	swait.ge [sflag:s25], $0x3E80  }
0x69: {  	[sflag:s25] =	ssyncset.done $0x0  }
0x6a: {  	[sflag:s25] =	ssyncadd.s32 $0xFFFFC180  }
0x6b: {  	p0 =	sne.s32 s30, $0x6;
	_ =	swait.ge [sflag:s26], $0x3E80  }
0x6c: {  	s30 =	simm.s32 @p0 $0x7D;
	s28 =	sand.u32 @p0 $0x300, s29;
	[sflag:s26] =	ssyncset.done $0x0  }
0x6d: {  	s9 =	simm.s32 @p0 $0x800;
	s13 =	sor.u32 @p0 $0x400, s8;
	[sflag:s26] =	ssyncadd.s32 $0xFFFFC180  }
0x6e: {  	[tilespmem:s9], [sflag:$0x1] =	stream.indirect.gather @p0 [hbm4b:s1+s30], $0x80, s28, s30, $0xb8;
	[tilespmem:$0x1C800] =	vst v63  }
0x6f: {  	s8 =	sor.u32 @!p0 $0x400, s8;
	s9 =	simm.s32 @p0 $0x4800;
	s28 =	simm.s32 @p0 $0x4  }
0x70: {  	[spmem:s3] =	stream.indirect.scatter.add.f32 @p0 [tilespmem:s9], [sflag:$0x4], $0x80, s13, s30, $0xb8;
	[tilespmem:$0x1C800] =	vst v63  }
0x71: {  	_ =	swait.ge @p0 [sflag:s28], $0x3E80  }
0x72: {  	s9 =	simm.s32 @!p0 $0x0;
	[sflag:s28] =	ssyncset.done @p0 $0x0  }
0x73: {  	s13 =	simm.s32 @!p0 $0x4;
	[sflag:s28] =	ssyncadd.s32 @p0 $0xFFFFC180  }
0x74: {  	[tilespmem:s9], [sflag:$0x4] =	stream.linear.gather @!p0 [hbm4b:s0+s9], $0x400, $0x38;
	[tilespmem:$0x1C800] =	vst v63  }
0x75: {  	s28 =	simm.s32 @!p0 $0x800;
	_ =	swait.ge @!p0 [sflag:s13], $0x400  }
0x76: {  	s29 =	sand.u32 @!p0 $0x300, s29;
	s30 =	simm.s32 @!p0 $0x7D;
	[sflag:s13] =	ssyncset.done @!p0 $0x0  }
0x77: {  	s14 =	simm.s32 @!p0 $0x4800;
	[sflag:s13] =	ssyncadd.s32 @!p0 $0xFFFFFC00  }
0x78: {  	[tilespmem:s28], [sflag:$0x1] =	stream.indirect.gather @!p0 [hbm4b:s1+s30], $0x80, s29, s30, $0xb8;
	[tilespmem:$0x1C800] =	vst v63  }
0x79: {  	_ = 	snop  }
0x7a: {  	[spmem:s3] =	stream.indirect.scatter.add.f32 @!p0 [tilespmem:s14], [sflag:$0x4], $0x80, s8, s30, $0xb8;
	[tilespmem:$0x1C800] =	vst v63  }
.Ltmp0:
0x7b: {  	_ =	swait.ge @!p0 [sflag:s13], $0x3E80;
	(pc) =	sbr.rel @p1 .LBB2_2-.Ltmp0, $4  }
0x7c: {  	s8 =	simm.s32 @!p0 $0x400;
	[sflag:s13] =	ssyncset.done @!p0 $0x0  }
0x7d: {  	s28 =	simm.s32 @!p0 $0x3;
	[sflag:s13] =	ssyncadd.s32 @!p0 $0xFFFFC180  }
0x7e: {  	[tilespmem:s8], [sflag:$0x3] =	stream.linear.gather @!p0 [hbm4b:s0+s9], $0x400, $0x38;
	[tilespmem:$0x1C800] =	vst v63  }
0x7f: {  	s0 =	sadd.s32 $0x20, s0;
	_ =	swait.ge @!p0 [sflag:s28], $0x400  }
0x80: {  	[sflag:s28] =	ssyncset.done @!p0 $0x0  }
0x81: {  	[sflag:s28] =	ssyncadd.s32 @!p0 $0xFFFFFC00  }
0x82: {  	_ =	swait.ge [sflag:s23], $0x3E80  }
0x83: {  	[sflag:s23] =	ssyncset.done $0x0  }
0x84: {  	s0 =	simm.s32 $0x380;
	[sflag:s23] =	ssyncadd.s32 $0xFFFFC180  }
0x85: {  	[tilespmem:s24], [sflag:$0x2] =	stream.indirect.gather [hbm4b:s1+s21], $0x80, s0, s21, $0xb8;
	[tilespmem:$0x1C800] =	vst v63  }
0x86: {  	s20 =	simm.s32 $0x700  }
0x87: {  	[spmem:s3] =	stream.indirect.scatter.add.f32 [tilespmem:s22], [sflag:$0x4], $0x80, s20, s21, $0xb8;
	[tilespmem:$0x1C800] =	vst v63  }
0x88: {  	_ =	swait.ge [sflag:s25], $0x3E80  }
0x89: {  	[sflag:s25] =	ssyncset.done $0x0  }
0x8a: {  	[sflag:s25] =	ssyncadd.s32 $0xFFFFC180  }
0x8b: {  	_ =	swait.ge [sflag:s26], $0x3E80  }
0x8c: {  	[sflag:s26] =	ssyncset.done $0x0  }
0x8d: {  	s28 =	simm.s32 $0x780;
	[sflag:s26] =	ssyncadd.s32 $0xFFFFC180  }
0x8e: {  	[spmem:s3] =	stream.indirect.scatter.add.f32 [tilespmem:s24], [sflag:$0x4], $0x80, s28, s21, $0xb8;
	[tilespmem:$0x1C800] =	vst v63  }
0x8f: {  	_ =	swait.ge [sflag:s25], $0x3E80  }
0x90: {  	[sflag:s25] =	ssyncset.done $0x0  }
0x91: {  	[sflag:s25] =	ssyncadd.s32 $0xFFFFC180  }
0x92: {  	[bflag:$0x0] =	sbarrier.arrive $0xFFFF  }
0x93: {  	s29 =	rddreg [dreg:$0x4]  }
0x94: {  	[hbm:s29], [sflag:s6] =	dma.local [spmem:s11], $0x2800  }
0x95: {  	_ =	swait.ge [sflag:s12], $0x2800  }
0x96: {  	s31 =	sadd.s32 $0x1, s31;
	s30 =	rddreg [dreg:$0x5]  }
0x97: {  	p0 =	sne.s32 s31, s30  }
.Ltmp1:
0x98: {  	_ = 	snop;
	(pc) =	sbr.rel @p0 .LBB2_1-.Ltmp1, $3  }
0x99: {  	_ =	sdelay $0x1  }
0x9a: {  	[sflag:s12] =	ssyncset.done $0x0  }
0x9b: {  	[sflag:s12] =	ssyncadd.s32 $0xFFFFD800  }
0x9c: {  	_ =	sfence.sel $0x180000  }
0x9d: {  	[bflag:$0x0] =	sbarrier.arrive $0xFFFF  }
0x9e: {  	_ =	strace $0x9000004A  }
0x9f: {  	s0 =	stileid.u32;
	[bflag:$0x2] =	sbarrier.arrive $0xFFFF  }
0xa0: {  	p0 =	sne.s32 s0, $0x0;
	s0 =	rddreg [dreg:$0x3]  }
0xa1: {  	s0 =	sadd.s32 @!p0 $0x100000, s0  }
0xa2: {  	[sflag:s0] =	ssyncadd.tile.s32 @!p0 $0x1;
	_ =	shalt  }
.Lfunc_end2:
_tile_overlayer_lowered:
.L_overlay_start_2:
0xa3: {  	(tag) =	ssettag $0x2  }
0xa4: {  	s0 =	rddreg [dreg:$0x0];
	s2 =	stileid.u32  }
0xa5: {  	s1 =	rddreg [dreg:$0x1];
	p0 =	sne.s32 s2, $0x0  }
0xa6: {  	s3 =	rddreg [dreg:$0x2];
	[bflag:$0x3] =	sbarrier.arrive $0xFFFF;
	s2 =	simm.s32 @!p0 $0x1C03  }
0xa7: {  	[timem:s3], [sflag:s2] =	dma.local @!p0 [hbm:s0], s1  }
0xa8: {  	s0 =	simm.s32 @!p0 $0x3  }
0xa9: {  	_ =	swait.ge @!p0 [sflag:s0], s1  }
0xaa: {  	s1 =	ssub.s32 @!p0 $0x0, s1;
	[sflag:s0] =	ssyncset.done @!p0 $0x0  }
0xab: {  	[sflag:s0] =	ssyncadd.s32 @!p0 s1  }
0xac: {  	[bflag:$0x3] =	sbarrier.arrive $0xFFFF  }
0xad: {  	_ =	shalt  }

// kernel: kernel.17.cloned.1.call-start
scs
__scs_entry_jumppad:
0x0: {  	(pc) =	sbr.rel $0x88, $3  }
0x1: {  	(tag) =	ssettag $0x0;
	lr =	simm.s32 $0x1  }
0x2: {  	[smem:$0x3F99] =	sst lr;
	_ =	strace $0xD0000000  }
0x3: {  	_ = 	snop  }
0x4: {  	_ = 	snop  }
0x5: {  	_ = 	snop  }
0x6: {  	_ = 	snop  }
0x7: {  	_ = 	snop  }
__scs_overlays_trampoline_lowered:
0x8: {  	[smem:$0x3FA8] =	sst s0  }
0x9: {  	[smem:$0x3FA9] =	sst s1  }
0xa: {  	[smem:$0x3FAA] =	sst s2  }
0xb: {  	[smem:$0x3FAB] =	sst s3  }
0xc: {  	[smem:$0x3FAC] =	sst s4  }
0xd: {  	[smem:$0x3FAD] =	sst s5  }
0xe: {  	[smem:$0x3FAE] =	sst s6  }
0xf: {  	[smem:$0x3FAF] =	sst s7  }
0x10: {  	[smem:$0x3FB0] =	sst s8  }
0x11: {  	[smem:$0x3FB1] =	sst s9;
	s0 =	simm.s32 @!p0 $0x0  }
0x12: {  	s1 =	sld [smem:$0x3F97];
	s0 =	simm.s32 @p0 $0x1  }
0x13: {  	[smem:$0x3FB2] =	sst s0;
	s0 =	simm.s32 @!p1 $0x0  }
0x14: {  	s2 =	sld [smem:$0x3F96];
	s0 =	simm.s32 @p1 $0x1  }
0x15: {  	[smem:$0x3FB3] =	sst s0;
	s0 =	simm.s32 @!p2 $0x0  }
0x16: {  	s3 =	sld [smem:$0x3FDB];
	s0 =	simm.s32 @p2 $0x1  }
0x17: {  	s4 =	simm.s32 $0x1BF5;
	[smem:$0x3FB5] =	sst s0  }
0x18: {  	s0 =	sld [smem:$0x3F98];
	_ =	swait.ge [sflag:s4], $0x0  }
0x19: {  	s7 =	sld [smem:$0x3F99]  }
0x1a: {  	s8 =	sadd.s32 $0xFFFFE003, lr  }
0x1b: {  	s9 =	sadd.s32 $0xFFFFFEF7, lr;
	s5 =	simm.s32 $0xFFFFFFFF;
	p2 =	slt.u32 s8, $0xFFFFF086  }
0x1c: {  	p1 =	slt.u32 s9, $0xF7A;
	s5 =	simm.s32 @!p2 $0x0  }
0x1d: {  	s5 =	simm.s32 @p1 $0x1;
	p0 =	seq.s32 s7, s2  }
0x1e: {  	s7 =	smul.u32 @!p0 $0xF7A, s2;
	p2 =	seq.s32 @!p0 s5, $0x0  }
0x1f: {  	s9 =	smul.u32 $0xF7A, s1;
	s8 =	simm.s32 @!p0 $0x1BF5;
	p2 =	por !p2, p0  }
0x20: {  	[sflag:s8] =	ssyncset.s32 @!p0 $0xFFFFF086;
	s6 =	sadd.s32 @!p0 s3, s7;
	s7 =	simm.s32 @!p0 $0x108  }
0x21: {  	s3 =	sadd.s32 s3, s9;
	s6 =	sadd.s32 @!p0 $0x88, s6;
	s7 =	simm.s32 @p2 $0x1082  }
0x22: {  	[simem:s7], [sflag:s8] =	dma.local @!p0 [hbm:s6], $0xF7A  }
0x23: {  	s9 =	sor.u32 $0xD0000000, s2;
	s6 =	simm.s32 $0x108;
	_ =	swait.ge @!p0 [sflag:s8], $0x0  }
0x24: {  	s3 =	sadd.s32 $0x88, s3;
	s6 =	simm.s32 @!p1 $0x1082;
	[sflag:s4] =	ssyncset.s32 $0xFFFFF086  }
0x25: {  	[simem:s6], [sflag:s4] =	dma.local [hbm:s3], $0xF7A  }
0x26: {  	[smem:$0x3F99] =	sst s1;
	(tag) =	ssettag s2;
	_ =	strace s9  }
0x27: {  	s1 =	sld [smem:$0x3FA9]  }
0x28: {  	s2 =	sld [smem:$0x3FAA]  }
0x29: {  	s4 =	sld [smem:$0x3FAC]  }
0x2a: {  	p0 =	seq.s32 s5, $0x0;
	s5 =	sld [smem:$0x3FAD]  }
0x2b: {  	s6 =	sld [smem:$0x3FAE]  }
0x2c: {  	s7 =	sld [smem:$0x3FAF]  }
0x2d: {  	s3 =	simm.s32 $0x108;
	s8 =	sld [smem:$0x3FB0]  }
0x2e: {  	s3 =	simm.s32 @!p0 $0x1082;
	s9 =	sld [smem:$0x3FB1]  }
0x2f: {  	lr =	sadd.s32 s0, s3;
	s0 =	sld [smem:$0x3FA8]  }
0x30: {  	s3 =	sld [smem:$0x3FAB]  }
0x31: {  	[smem:$0x3FB4] =	sst s10  }
0x32: {  	s10 =	sld [smem:$0x3FB2];
	_ =	sdelay $0x3  }
0x33: {  	p0 =	seq.s32 s10, $0x1;
	s10 =	sld [smem:$0x3FB4];
	_ =	sdelay $0x3  }
0x34: {  	[smem:$0x3FB4] =	sst s10  }
0x35: {  	s10 =	sld [smem:$0x3FB3];
	_ =	sdelay $0x3  }
0x36: {  	p1 =	seq.s32 s10, $0x1;
	s10 =	sld [smem:$0x3FB4];
	_ =	sdelay $0x3  }
0x37: {  	[smem:$0x3FB4] =	sst s10  }
0x38: {  	s10 =	sld [smem:$0x3FB5]  }
0x39: {  	_ = 	snop;
	(pc) =	sbr.ind lr, $3  }
0x3a: {  	_ = 	snop  }
0x3b: {  	_ = 	snop  }
0x3c: {  	p2 =	seq.s32 s10, $0x1;
	s10 =	sld [smem:$0x3FB4]  }
0x3d: {  	_ =	shalt  }
0x3e: {  	_ =	shalt  }
0x3f: {  	_ =	shalt  }
0x40: {  	_ =	shalt  }
0x41: {  	_ =	shalt  }
0x42: {  	_ =	shalt  }
0x43: {  	_ =	shalt  }
0x44: {  	_ =	shalt  }
0x45: {  	_ =	shalt  }
0x46: {  	_ =	shalt  }
0x47: {  	_ =	shalt  }
0x48: {  	_ =	shalt  }
0x49: {  	_ =	shalt  }
0x4a: {  	_ =	shalt  }
0x4b: {  	_ =	shalt  }
0x4c: {  	_ =	shalt  }
0x4d: {  	_ =	shalt  }
0x4e: {  	_ =	shalt  }
0x4f: {  	_ =	shalt  }
0x50: {  	_ =	shalt  }
0x51: {  	_ =	shalt  }
0x52: {  	_ =	shalt  }
0x53: {  	_ =	shalt  }
0x54: {  	_ =	shalt  }
0x55: {  	_ =	shalt  }
0x56: {  	_ =	shalt  }
0x57: {  	_ =	shalt  }
0x58: {  	_ =	shalt  }
0x59: {  	_ =	shalt  }
0x5a: {  	_ =	shalt  }
0x5b: {  	_ =	shalt  }
0x5c: {  	_ =	shalt  }
0x5d: {  	_ =	shalt  }
0x5e: {  	_ =	shalt  }
0x5f: {  	_ =	shalt  }
0x60: {  	_ =	shalt  }
0x61: {  	_ =	shalt  }
0x62: {  	_ =	shalt  }
0x63: {  	_ =	shalt  }
0x64: {  	_ =	shalt  }
0x65: {  	_ =	shalt  }
0x66: {  	_ =	shalt  }
0x67: {  	_ =	shalt  }
0x68: {  	_ =	shalt  }
0x69: {  	_ =	shalt  }
0x6a: {  	_ =	shalt  }
0x6b: {  	_ =	shalt  }
0x6c: {  	_ =	shalt  }
0x6d: {  	_ =	shalt  }
0x6e: {  	_ =	shalt  }
0x6f: {  	_ =	shalt  }
0x70: {  	_ =	shalt  }
0x71: {  	_ =	shalt  }
0x72: {  	_ =	shalt  }
0x73: {  	_ =	shalt  }
0x74: {  	_ =	shalt  }
0x75: {  	_ =	shalt  }
0x76: {  	_ =	shalt  }
0x77: {  	_ =	shalt  }
0x78: {  	_ =	shalt  }
0x79: {  	_ =	shalt  }
0x7a: {  	_ =	shalt  }
0x7b: {  	_ =	shalt  }
0x7c: {  	_ =	shalt  }
0x7d: {  	_ =	shalt  }
0x7e: {  	_ =	shalt  }
0x7f: {  	_ =	shalt  }
0x80: {  	_ =	shalt  }
0x81: {  	_ =	shalt  }
0x82: {  	_ =	shalt  }
0x83: {  	_ =	shalt  }
0x84: {  	_ =	shalt  }
0x85: {  	_ =	shalt  }
0x86: {  	_ =	shalt  }
0x87: {  	_ =	shalt  }
.Lfunc_end0:
.L_simem_size_0:
called_computation.2_lowered:
.L_overlay_start_0:
0x88: {  	s2 =	sld [smem:$0x3FD9]  }
0x89: {  	s3 =	sld [smem:$0x3FFE];
	_ =	sdelay $0x1  }
0x8a: {  	s1 =	srdreg.scid  }
0x8b: {  	s0 =	sand.u32 $0x1, s1  }
0x8c: {  	s17 =	sshll.u32 s0, $0xA;
	s2 =	sadd.s32 s3, s2  }
0x8d: {  	s2 =	sadd.s32 s2, s17  }
0x8e: {  	[smem:$0x3FC0] =	sst s2  }
0x8f: {  	_ = 	snop  }
0x90: {  	s2 =	sld [smem:$0x3FD0];
	(tm) =	ssettm $0x1  }
0x91: {  	s18 =	sld [smem:$0x3FFB];
	_ =	sdelay $0x3  }
0x92: {  	_ =	strace s18  }
0x93: {  	s3 =	sld [smem:$0x3FFC];
	_ =	sdelay $0x3  }
0x94: {  	_ =	strace s3  }
0x95: {  	s3 =	sld [smem:$0x3FFD];
	_ =	sdelay $0x3  }
0x96: {  	_ =	strace s3  }
0x97: {  	_ =	strace $0x8FFFFFFF  }
0x98: {  	s19 =	sld [smem:$0x3FDB];
	_ =	sdelay $0x1  }
0x99: {  	s4 =	simm.s32 $_scs_section_size  }
0x9a: {  	s5 =	simm.s32 $_size__tile_overlayer_lowered;
	s6 =	simm.s32 $_tile_overlayer_lowered  }
0x9b: {  	s22 =	simm.s32 $0x1BFF;
	s21 =	sshll.u32 s6, $0x1;
	s3 =	sadd.s32 s4, s19  }
0x9c: {  	s7 =	simm.s32 $0x0;
	s20 =	sshll.u32 s5, $0x1;
	s5 =	sadd.s32 s21, s3  }
0x9d: {  	[timem:s7], [sflag:s22] =	dma.local [hbm:s5], s20  }
0x9e: {  	_ =	swait.ge [sflag:s22], s20  }
0x9f: {  	s4 =	ssub.s32 $0x0, s20;
	[sflag:s22] =	ssyncset.done $0x0  }
0xa0: {  	[sflag:s22] =	ssyncadd.s32 s4;
	_ =	sdelay $0x1  }
0xa1: {  	s23 =	simm.s32 $0x1B8B  }
0xa2: {  	_ =	swait.ge [sflag:s23], $0x1  }
0xa3: {  	[sflag:s23] =	ssyncset.done $0x0  }
0xa4: {  	s25 =	simm.s32 $0x1B8E;
	s24 =	sld [smem:$0x3FFE];
	[sflag:s23] =	ssyncadd.s32 $0xFFFFFFFF  }
0xa5: {  	s26 =	simm.s32 $execute0_lowered;
	[smem:$0x3FD2] =	sst s25  }
0xa6: {  	s5 =	sshll.u32 s26, $0x1;
	_ =	strace $0x8000004C;
	[dreg:$0x1] =	wrdreg $0xFFFFFFFF  }
0xa7: {  	s28 =	simm.s32 $_size_execute0_lowered;
	s3 =	sadd.s32 s3, s5;
	[dreg:$0x0] =	wrdreg $0x0  }
0xa8: {  	s5 =	sshll.u32 s28, $0x1;
	[dreg:$0x2] =	wrdreg s3  }
0xa9: {  	[dreg:$0x3] =	wrdreg s5  }
0xaa: {  	[dreg:$0x4] =	wrdreg $0xC0  }
0xab: {  	_ =	task [dreg:s7], $0x5FFFF  }
0xac: {  	[dreg:$0x1] =	wrdreg $0xFFFFFFFF  }
0xad: {  	[dreg:$0x0] =	wrdreg $0x60  }
0xae: {  	[dreg:$0x2] =	wrdreg s2  }
0xaf: {  	[dreg:$0x3] =	wrdreg s24  }
0xb0: {  	[dreg:$0x4] =	wrdreg $0x88000  }
0xb1: {  	[dreg:$0x5] =	wrdreg $0x9  }
0xb2: {  	_ =	task.clear_ibuf [dreg:s7], $0x6FFFF;
	_ =	strace $0x9000004C  }
0xb3: {  	s29 =	simm.s32 $0x9;
	_ =	strace $0x8000004E  }
0xb4: {  	_ =	swait.ge [sflag:s29], $0x1  }
0xb5: {  	[sflag:s29] =	ssyncadd.s32 $0xFFFFFFFF  }
0xb6: {  	_ =	strace $0x9000004E  }
0xb7: {  	_ =	sfence  }
0xb8: {  	s30 =	sld [smem:$0x0];
	_ =	sdelay $0x2  }
0xb9: {  	s31 =	sshll.u32 s1, $0xD;
	s1 =	sshrl.u32 s1, $0x2  }
0xba: {  	s3 =	sand.u32 $0x4000, s31;
	s1 =	sadd.s32 s1, s30  }
0xbb: {  	s0 =	sor.u32 s3, s0;
	s1 =	sshll.u32 s1, $0x11  }
0xbc: {  	s0 =	sor.u32 s1, s0  }
0xbd: {  	s0 =	sadd.s32 $0x8F2B, s0  }
0xbe: {  	[sflag:s0] =	ssyncadd.remote.s32 $0x1  }
0xbf: {  	_ =	sfence.sel $0xFFFF  }
0xc0: {  	[dreg:$0x0] =	wrdreg $0xFFFFFFFF;
	(pc) =	sbr.abs _section_cstart, $3  }
0xc1: {  	[dreg:$0x1] =	wrdreg $0xFFFFFFFF  }
0xc2: {  	_ =	task.clear_ibuf [dreg:s7], $0x2FFFF;
	_ =	strace $0x9FFFFFFF  }
0xc3: {  	(tm) =	ssettm $0x7FFFFFFF  }
tec
execute0_lowered:
.L_overlay_start_1:
0x0: {  	(tag) =	ssettag $0x1  }
0x1: {  	s1 =	rddreg [dreg:$0x0]  }
0x2: {  	s0 =	rddreg [dreg:$0x1]  }
0x3: {  	s2 =	rddreg [dreg:$0x2];
	s3 =	simm.s32 $0x0  }
0x4: {  	s4 =	srdreg.scid;
	s13 =	stileid.u32;
	s14 =	simm.s32 $0x3  }
0x5: {  	s28 =	simm.s32 $0x4;
	s29 =	simm.s32 $0x2;
	[smem:$0x7FF] =	sst s3  }
0x6: {  	s4 =	sand.u32 $0x1, s4;
	s7 =	sadd.s32 $0x2E00, s0;
	s8 =	smul.u32 $0x14000, s13  }
0x7: {  	s11 =	sadd.s32 $0x5D400, s0;
	s5 =	sadd.s32 $0xCE00, s0;
	s12 =	smul.u32 $0x50000, s13  }
0x8: {  	s19 =	sshll.u32 s13, $0x6;
	s24 =	smul.u32 $0x500, s13;
	_ =	strace $0x8000004D  }
0x9: {  	s6 =	smul.u32 $0x140000, s4;
	s9 =	sshll.u32 s4, $0x4;
	s18 =	ssub.s32 $0x2, s4  }
0xa: {  	s4 =	smul.u32 $0x5000, s4;
	s9 =	sor.u32 s13, s9;
	s10 =	sshrl.u32 s18, $0x1  }
0xb: {  	s12 =	sshrl.u32 s12, $0x2;
	s6 =	sadd.s32 s8, s6;
	s9 =	smul.u32 $0x500, s9  }
0xc: {  	s10 =	ssub.s32 s18, s10;
	s22 =	sadd.s32 s12, s2;
	s6 =	sshrl.u32 s6, $0x3  }
0xd: {  	s23 =	smax.u32 s10, $0x1;
	s15 =	sadd.s32 $0x2800, s22;
	s16 =	sadd.s32 $0x5000, s22  }
0xe: {  	s17 =	sadd.s32 $0x7800, s22;
	s18 =	sadd.s32 $0xA000, s22;
	s25 =	sadd.s32 $0x11800, s22  }
0xf: {  	s13 =	sshrl.u32 s22, $0x3;
	s0 =	sadd.s32 s6, s0;
	s6 =	sor.u32 $0x1C03, s19  }
0x10: {  	s20 =	sadd.s32 s7, s9;
	s21 =	sadd.s32 s11, s9;
	[dreg:$0x7] =	wrdreg s23  }
0x11: {  	s19 =	sadd.s32 $0xC800, s22;
	s11 =	sadd.s32 s4, s11;
	s4 =	sadd.s32 s4, s7  }
0x12: {  	s26 =	sshrl.u32 s15, $0x3;
	s30 =	sshrl.u32 s16, $0x3;
	[dreg:$0x4] =	wrdreg s20  }
0x13: {  	s31 =	sshrl.u32 s17, $0x3;
	s18 =	sshrl.u32 s18, $0x3;
	[dreg:$0x5] =	wrdreg s21  }
0x14: {  	s23 =	simm.s32 $0x7D;
	s0 =	sadd.s32 $0xD400, s0;
	[dreg:$0x8] =	wrdreg s26  }
0x15: {  	s20 =	sadd.s32 $0xF000, s22;
	s11 =	sadd.s32 s24, s11;
	[dreg:$0x9] =	wrdreg s30  }
0x16: {  	s4 =	sadd.s32 s24, s4;
	[dreg:$0xa] =	wrdreg s31;
	s19 =	sshrl.u32 s19, $0x3  }
0x17: {  	s21 =	sshrl.u32 s25, $0x3;
	s24 =	simm.s32 $0x800;
	s25 =	simm.s32 $0x1  }
0x18: {  	s26 =	simm.s32 $0x4800;
	[dreg:$0x6] =	wrdreg s0;
	s11 =	sadd.s32 $0x20, s11  }
0x19: {  	s12 =	sadd.s32 $0x20, s4;
	s20 =	sshrl.u32 s20, $0x3;
	s4 =	simm.s32 $0x0  }
.LBB2_1:
0x1a: {  	[spmem:s13], [sflag:s6] =	dma.local [hbm:s5], $0x500  }
0x1b: {  	_ =	swait.ge [sflag:s14], $0x500  }
0x1c: {  	[sflag:s14] =	ssyncset.done $0x0  }
0x1d: {  	s0 =	rddreg [dreg:$0x8];
	[sflag:s14] =	ssyncadd.s32 $0xFFFFFB00  }
0x1e: {  	[spmem:s0], [sflag:s6] =	dma.local [hbm:s5], $0x500  }
0x1f: {  	_ =	swait.ge [sflag:s14], $0x500  }
0x20: {  	[sflag:s14] =	ssyncset.done $0x0  }
0x21: {  	s8 =	rddreg [dreg:$0x9];
	[sflag:s14] =	ssyncadd.s32 $0xFFFFFB00  }
0x22: {  	[spmem:s8], [sflag:s6] =	dma.local [hbm:s5], $0x500  }
0x23: {  	_ =	swait.ge [sflag:s14], $0x500  }
0x24: {  	[sflag:s14] =	ssyncset.done $0x0  }
0x25: {  	s9 =	rddreg [dreg:$0xa];
	[sflag:s14] =	ssyncadd.s32 $0xFFFFFB00  }
0x26: {  	[spmem:s9], [sflag:s6] =	dma.local [hbm:s5], $0x500  }
0x27: {  	_ =	swait.ge [sflag:s14], $0x500  }
0x28: {  	[sflag:s14] =	ssyncset.done $0x0  }
0x29: {  	[sflag:s14] =	ssyncadd.s32 $0xFFFFFB00  }
0x2a: {  	[spmem:s18], [sflag:s6] =	dma.local [hbm:s5], $0x500  }
0x2b: {  	_ =	swait.ge [sflag:s14], $0x500  }
0x2c: {  	[sflag:s14] =	ssyncset.done $0x0  }
0x2d: {  	[sflag:s14] =	ssyncadd.s32 $0xFFFFFB00  }
0x2e: {  	[spmem:s19], [sflag:s6] =	dma.local [hbm:s5], $0x500  }
0x2f: {  	_ =	swait.ge [sflag:s14], $0x500  }
0x30: {  	[sflag:s14] =	ssyncset.done $0x0  }
0x31: {  	[sflag:s14] =	ssyncadd.s32 $0xFFFFFB00  }
0x32: {  	[spmem:s20], [sflag:s6] =	dma.local [hbm:s5], $0x500  }
0x33: {  	_ =	swait.ge [sflag:s14], $0x500  }
0x34: {  	[sflag:s14] =	ssyncset.done $0x0  }
0x35: {  	[sflag:s14] =	ssyncadd.s32 $0xFFFFFB00  }
0x36: {  	[spmem:s21], [sflag:s6] =	dma.local [hbm:s5], $0x500  }
0x37: {  	_ =	swait.ge [sflag:s14], $0x500  }
0x38: {  	[sflag:s14] =	ssyncset.done $0x0  }
0x39: {  	[sflag:s14] =	ssyncadd.s32 $0xFFFFFB00  }
0x3a: {  	[bflag:$0x0] =	sbarrier.arrive $0xFFFF  }
0x3b: {  	s10 =	rddreg [dreg:$0x4]  }
0x3c: {  	[tilespmem:s3], [sflag:$0x3] =	stream.linear.gather [hbm4b:s10+s3], $0x400, $0x38;
	[tilespmem:$0x1C800] =	vst v63  }
0x3d: {  	_ =	swait.ge [sflag:s14], $0x400  }
0x3e: {  	[sflag:s14] =	ssyncset.done $0x0  }
0x3f: {  	s7 =	simm.s32 $0x400;
	s15 =	rddreg [dreg:$0x5];
	[sflag:s14] =	ssyncadd.s32 $0xFFFFFC00  }
0x40: {  	[tilespmem:s7], [sflag:$0x3] =	stream.linear.gather [hbm4b:s15+s3], $0x400, $0x38;
	[tilespmem:$0x1C800] =	vst v63  }
0x41: {  	_ =	swait.ge [sflag:s14], $0x400  }
0x42: {  	[sflag:s14] =	ssyncset.done $0x0  }
0x43: {  	[sflag:s14] =	ssyncadd.s32 $0xFFFFFC00  }
0x44: {  	[tilespmem:s24], [sflag:$0x1] =	stream.indirect.gather [hbm4b:s1+s23], $0x80, s3, s23, $0xb8;
	[tilespmem:$0x1C800] =	vst v63  }
0x45: {  	s16 =	sand.u32 $0x6, s3;
	_ =	swait.ge [sflag:s25], $0x3E80  }
0x46: {  	s17 =	sshll.u32 s16, $0x7;
	[sflag:s25] =	ssyncset.done $0x0  }
0x47: {  	s22 =	sor.u32 $0x80, s17;
	[sflag:s25] =	ssyncadd.s32 $0xFFFFC180  }
0x48: {  	[tilespmem:s26], [sflag:$0x2] =	stream.indirect.gather [hbm4b:s1+s23], $0x80, s22, s23, $0xb8;
	[tilespmem:$0x1C800] =	vst v63  }
0x49: {  	s7 =	sor.u32 $0x400, s17  }
0x4a: {  	[spmem:s2] =	stream.indirect.scatter.add.f32 [tilespmem:s24], [sflag:$0x4], $0x80, s7, s23, $0xb8;
	[tilespmem:$0x1C800] =	vst v63  }
0x4b: {  	_ =	swait.ge [sflag:s28], $0x3E80  }
0x4c: {  	[sflag:s28] =	ssyncset.done $0x0  }
0x4d: {  	[sflag:s28] =	ssyncadd.s32 $0xFFFFC180  }
0x4e: {  	p0 =	sne.s32 s16, $0x6;
	_ =	swait.ge [sflag:s29], $0x3E80  }
0x4f: {  	s30 =	simm.s32 @p0 $0x7D;
	s7 =	simm.s32 $0x100;
	[sflag:s29] =	ssyncset.done $0x0  }
0x50: {  	s31 =	simm.s32 @p0 $0x800;
	s0 =	sand.u32 @p0 $0x300, s7;
	[sflag:s29] =	ssyncadd.s32 $0xFFFFC180  }
0x51: {  	[tilespmem:s31], [sflag:$0x1] =	stream.indirect.gather @p0 [hbm4b:s1+s30], $0x80, s0, s30, $0xb8;
	[tilespmem:$0x1C800] =	vst v63  }
0x52: {  	s8 =	simm.s32 @p0 $0x4;
	s0 =	sor.u32 @p0 $0x400, s22;
	s31 =	simm.s32 @p0 $0x4800  }
0x53: {  	[spmem:s2] =	stream.indirect.scatter.add.f32 @p0 [tilespmem:s31], [sflag:$0x4], $0x80, s0, s30, $0xb8;
	[tilespmem:$0x1C800] =	vst v63  }
0x54: {  	_ =	swait.ge @p0 [sflag:s8], $0x3E80  }
0x55: {  	[sflag:s8] =	ssyncset.done @p0 $0x0  }
0x56: {  	s0 =	simm.s32 @!p0 $0x0;
	[sflag:s8] =	ssyncadd.s32 @p0 $0xFFFFC180;
	s8 =	simm.s32 @!p0 $0x4  }
0x57: {  	[tilespmem:s0], [sflag:$0x4] =	stream.linear.gather @!p0 [hbm4b:s12+s0], $0x400, $0x38;
	[tilespmem:$0x1C800] =	vst v63  }
0x58: {  	_ =	swait.ge @!p0 [sflag:s8], $0x400  }
0x59: {  	s7 =	sand.u32 @!p0 $0x300, s7;
	[sflag:s8] =	ssyncset.done @!p0 $0x0  }
0x5a: {  	s30 =	simm.s32 @!p0 $0x800;
	s31 =	simm.s32 @!p0 $0x7D;
	[sflag:s8] =	ssyncadd.s32 @!p0 $0xFFFFFC00  }
0x5b: {  	[tilespmem:s30], [sflag:$0x1] =	stream.indirect.gather @!p0 [hbm4b:s1+s31], $0x80, s7, s31, $0xb8;
	[tilespmem:$0x1C800] =	vst v63  }
0x5c: {  	s7 =	sor.u32 @!p0 $0x400, s22;
	s22 =	simm.s32 @!p0 $0x4800  }
0x5d: {  	[spmem:s2] =	stream.indirect.scatter.add.f32 @!p0 [tilespmem:s22], [sflag:$0x4], $0x80, s7, s31, $0xb8;
	[tilespmem:$0x1C800] =	vst v63  }
0x5e: {  	_ =	swait.ge @!p0 [sflag:s8], $0x3E80  }
0x5f: {  	s30 =	sadd.s32 $0x20, s11;
	s22 =	simm.s32 @!p0 $0x400;
	[sflag:s8] =	ssyncset.done @!p0 $0x0  }
0x60: {  	s7 =	simm.s32 @!p0 $0x3;
	s31 =	sadd.s32 $0x20, s12;
	[sflag:s8] =	ssyncadd.s32 @!p0 $0xFFFFC180  }
0x61: {  	[tilespmem:s22], [sflag:$0x3] =	stream.linear.gather @!p0 [hbm4b:s11+s0], $0x400, $0x38;
	[tilespmem:$0x1C800] =	vst v63  }
0x62: {  	s22 =	simm.s32 $0x200;
	s0 =	simm.s32 $0x0;
	_ =	swait.ge @!p0 [sflag:s7], $0x400  }
.LBB2_2:
0x63: {  	[sflag:s7] =	ssyncset.done @!p0 $0x0  }
0x64: {  	s0 =	sadd.s32 $0x2, s0;
	s8 =	smov.u32 s22;
	s22 =	sadd.s32 $0x100, s22  }
0x65: {  	s9 =	sand.u32 $0x6, s0;
	p1 =	sne.s32 s22, $0x2800;
	[sflag:s7] =	ssyncadd.s32 @!p0 $0xFFFFFC00  }
0x66: {  	_ =	swait.ge [sflag:s25], $0x3E80;
	s7 =	sshll.u32 s9, $0x7  }
0x67: {  	[sflag:s25] =	ssyncset.done $0x0;
	s10 =	sor.u32 $0x80, s7  }
0x68: {  	[sflag:s25] =	ssyncadd.s32 $0xFFFFC180  }
0x69: {  	[tilespmem:s26], [sflag:$0x2] =	stream.indirect.gather [hbm4b:s1+s23], $0x80, s10, s23, $0xb8;
	[tilespmem:$0x1C800] =	vst v63  }
0x6a: {  	s7 =	sor.u32 $0x400, s7  }
0x6b: {  	[spmem:s2] =	stream.indirect.scatter.add.f32 [tilespmem:s24], [sflag:$0x4], $0x80, s7, s23, $0xb8;
	[tilespmem:$0x1C800] =	vst v63  }
0x6c: {  	_ =	swait.ge [sflag:s28], $0x3E80  }
0x6d: {  	[sflag:s28] =	ssyncset.done $0x0  }
0x6e: {  	[sflag:s28] =	ssyncadd.s32 $0xFFFFC180  }
0x6f: {  	p0 =	sne.s32 s9, $0x6;
	_ =	swait.ge [sflag:s29], $0x3E80  }
0x70: {  	s9 =	simm.s32 @p0 $0x7D;
	s7 =	sand.u32 @p0 $0x300, s8;
	[sflag:s29] =	ssyncset.done $0x0  }
0x71: {  	s15 =	simm.s32 @p0 $0x800;
	s16 =	sor.u32 @p0 $0x400, s10;
	[sflag:s29] =	ssyncadd.s32 $0xFFFFC180  }
0x72: {  	[tilespmem:s15], [sflag:$0x1] =	stream.indirect.gather @p0 [hbm4b:s1+s9], $0x80, s7, s9, $0xb8;
	[tilespmem:$0x1C800] =	vst v63  }
0x73: {  	s10 =	sor.u32 @!p0 $0x400, s10;
	s7 =	simm.s32 @p0 $0x4800;
	s15 =	simm.s32 @p0 $0x4  }
0x74: {  	[spmem:s2] =	stream.indirect.scatter.add.f32 @p0 [tilespmem:s7], [sflag:$0x4], $0x80, s16, s9, $0xb8;
	[tilespmem:$0x1C800] =	vst v63  }
0x75: {  	_ =	swait.ge @p0 [sflag:s15], $0x3E80  }
0x76: {  	s9 =	simm.s32 @!p0 $0x0;
	[sflag:s15] =	ssyncset.done @p0 $0x0  }
0x77: {  	s7 =	simm.s32 @!p0 $0x4;
	[sflag:s15] =	ssyncadd.s32 @p0 $0xFFFFC180  }
0x78: {  	[tilespmem:s9], [sflag:$0x4] =	stream.linear.gather @!p0 [hbm4b:s31+s9], $0x400, $0x38;
	[tilespmem:$0x1C800] =	vst v63  }
0x79: {  	s15 =	simm.s32 @!p0 $0x800;
	_ =	swait.ge @!p0 [sflag:s7], $0x400  }
0x7a: {  	s8 =	sand.u32 @!p0 $0x300, s8;
	s16 =	simm.s32 @!p0 $0x7D;
	[sflag:s7] =	ssyncset.done @!p0 $0x0  }
0x7b: {  	s17 =	simm.s32 @!p0 $0x4800;
	[sflag:s7] =	ssyncadd.s32 @!p0 $0xFFFFFC00  }
0x7c: {  	[tilespmem:s15], [sflag:$0x1] =	stream.indirect.gather @!p0 [hbm4b:s1+s16], $0x80, s8, s16, $0xb8;
	[tilespmem:$0x1C800] =	vst v63  }
0x7d: {  	_ = 	snop  }
0x7e: {  	[spmem:s2] =	stream.indirect.scatter.add.f32 @!p0 [tilespmem:s17], [sflag:$0x4], $0x80, s10, s16, $0xb8;
	[tilespmem:$0x1C800] =	vst v63  }
.Ltmp0:
0x7f: {  	_ =	swait.ge @!p0 [sflag:s7], $0x3E80;
	(pc) =	sbr.rel @p1 .LBB2_2-.Ltmp0, $4  }
0x80: {  	s8 =	simm.s32 @!p0 $0x400;
	[sflag:s7] =	ssyncset.done @!p0 $0x0  }
0x81: {  	[sflag:s7] =	ssyncadd.s32 @!p0 $0xFFFFC180;
	s7 =	simm.s32 @!p0 $0x3  }
0x82: {  	[tilespmem:s8], [sflag:$0x3] =	stream.linear.gather @!p0 [hbm4b:s30+s9], $0x400, $0x38;
	[tilespmem:$0x1C800] =	vst v63  }
0x83: {  	s31 =	sadd.s32 $0x20, s31;
	s30 =	sadd.s32 $0x20, s30;
	_ =	swait.ge @!p0 [sflag:s7], $0x400  }
0x84: {  	[sflag:s7] =	ssyncset.done @!p0 $0x0  }
0x85: {  	[sflag:s7] =	ssyncadd.s32 @!p0 $0xFFFFFC00  }
0x86: {  	_ =	swait.ge [sflag:s25], $0x3E80  }
0x87: {  	[sflag:s25] =	ssyncset.done $0x0  }
0x88: {  	s0 =	simm.s32 $0x380;
	[sflag:s25] =	ssyncadd.s32 $0xFFFFC180  }
0x89: {  	[tilespmem:s26], [sflag:$0x2] =	stream.indirect.gather [hbm4b:s1+s23], $0x80, s0, s23, $0xb8;
	[tilespmem:$0x1C800] =	vst v63  }
0x8a: {  	s17 =	simm.s32 $0x700  }
0x8b: {  	[spmem:s2] =	stream.indirect.scatter.add.f32 [tilespmem:s24], [sflag:$0x4], $0x80, s17, s23, $0xb8;
	[tilespmem:$0x1C800] =	vst v63  }
0x8c: {  	_ =	swait.ge [sflag:s28], $0x3E80  }
0x8d: {  	[sflag:s28] =	ssyncset.done $0x0  }
0x8e: {  	[sflag:s28] =	ssyncadd.s32 $0xFFFFC180  }
0x8f: {  	_ =	swait.ge [sflag:s29], $0x3E80  }
0x90: {  	[sflag:s29] =	ssyncset.done $0x0  }
0x91: {  	s22 =	simm.s32 $0x780;
	[sflag:s29] =	ssyncadd.s32 $0xFFFFC180  }
0x92: {  	[spmem:s2] =	stream.indirect.scatter.add.f32 [tilespmem:s26], [sflag:$0x4], $0x80, s22, s23, $0xb8;
	[tilespmem:$0x1C800] =	vst v63  }
0x93: {  	_ =	swait.ge [sflag:s28], $0x3E80  }
0x94: {  	[sflag:s28] =	ssyncset.done $0x0  }
0x95: {  	[sflag:s28] =	ssyncadd.s32 $0xFFFFC180  }
0x96: {  	[bflag:$0x0] =	sbarrier.arrive $0xFFFF  }
0x97: {  	s30 =	rddreg [dreg:$0x6]  }
0x98: {  	[hbm:s30], [sflag:s6] =	dma.local [spmem:s13], $0x2800  }
0x99: {  	_ =	swait.ge [sflag:s14], $0x2800  }
0x9a: {  	s4 =	sadd.s32 $0x1, s4;
	s31 =	rddreg [dreg:$0x7]  }
0x9b: {  	p0 =	sne.s32 s4, s31  }
.Ltmp1:
0x9c: {  	_ = 	snop;
	(pc) =	sbr.rel @p0 .LBB2_1-.Ltmp1, $3  }
0x9d: {  	_ =	sdelay $0x1  }
0x9e: {  	[sflag:s14] =	ssyncset.done $0x0  }
0x9f: {  	[sflag:s14] =	ssyncadd.s32 $0xFFFFD800  }
0xa0: {  	_ =	sfence.sel $0x180000  }
0xa1: {  	[bflag:$0x0] =	sbarrier.arrive $0xFFFF  }
0xa2: {  	_ =	strace $0x9000004D  }
0xa3: {  	s0 =	stileid.u32;
	[bflag:$0x2] =	sbarrier.arrive $0xFFFF  }
0xa4: {  	p0 =	sne.s32 s0, $0x0;
	s0 =	rddreg [dreg:$0x3]  }
0xa5: {  	s0 =	sadd.s32 @!p0 $0x100000, s0  }
0xa6: {  	[sflag:s0] =	ssyncadd.tile.s32 @!p0 $0x1;
	_ =	shalt  }
.Lfunc_end2:
_tile_overlayer_lowered:
.L_overlay_start_2:
0xa7: {  	(tag) =	ssettag $0x2  }
0xa8: {  	s0 =	rddreg [dreg:$0x0];
	s2 =	stileid.u32  }
0xa9: {  	s1 =	rddreg [dreg:$0x1];
	p0 =	sne.s32 s2, $0x0  }
0xaa: {  	s3 =	rddreg [dreg:$0x2];
	[bflag:$0x3] =	sbarrier.arrive $0xFFFF;
	s2 =	simm.s32 @!p0 $0x1C03  }
0xab: {  	[timem:s3], [sflag:s2] =	dma.local @!p0 [hbm:s0], s1  }
0xac: {  	s0 =	simm.s32 @!p0 $0x3  }
0xad: {  	_ =	swait.ge @!p0 [sflag:s0], s1  }
0xae: {  	s1 =	ssub.s32 @!p0 $0x0, s1;
	[sflag:s0] =	ssyncset.done @!p0 $0x0  }
0xaf: {  	[sflag:s0] =	ssyncadd.s32 @!p0 s1  }
0xb0: {  	[bflag:$0x3] =	sbarrier.arrive $0xFFFF  }
0xb1: {  	_ =	shalt  }

// kernel: kernel.20.cloned.1.call-start
scs
__scs_entry_jumppad:
0x0: {  	(pc) =	sbr.rel $0x88, $3  }
0x1: {  	(tag) =	ssettag $0x0;
	lr =	simm.s32 $0x1  }
0x2: {  	[smem:$0x3F99] =	sst lr;
	_ =	strace $0xD0000000  }
0x3: {  	_ = 	snop  }
0x4: {  	_ = 	snop  }
0x5: {  	_ = 	snop  }
0x6: {  	_ = 	snop  }
0x7: {  	_ = 	snop  }
__scs_overlays_trampoline_lowered:
0x8: {  	[smem:$0x3FA8] =	sst s0  }
0x9: {  	[smem:$0x3FA9] =	sst s1  }
0xa: {  	[smem:$0x3FAA] =	sst s2  }
0xb: {  	[smem:$0x3FAB] =	sst s3  }
0xc: {  	[smem:$0x3FAC] =	sst s4  }
0xd: {  	[smem:$0x3FAD] =	sst s5  }
0xe: {  	[smem:$0x3FAE] =	sst s6  }
0xf: {  	[smem:$0x3FAF] =	sst s7  }
0x10: {  	[smem:$0x3FB0] =	sst s8  }
0x11: {  	[smem:$0x3FB1] =	sst s9;
	s0 =	simm.s32 @!p0 $0x0  }
0x12: {  	s1 =	sld [smem:$0x3F97];
	s0 =	simm.s32 @p0 $0x1  }
0x13: {  	[smem:$0x3FB2] =	sst s0;
	s0 =	simm.s32 @!p1 $0x0  }
0x14: {  	s2 =	sld [smem:$0x3F96];
	s0 =	simm.s32 @p1 $0x1  }
0x15: {  	[smem:$0x3FB3] =	sst s0;
	s0 =	simm.s32 @!p2 $0x0  }
0x16: {  	s3 =	sld [smem:$0x3FDB];
	s0 =	simm.s32 @p2 $0x1  }
0x17: {  	s4 =	simm.s32 $0x1BF5;
	[smem:$0x3FB5] =	sst s0  }
0x18: {  	s0 =	sld [smem:$0x3F98];
	_ =	swait.ge [sflag:s4], $0x0  }
0x19: {  	s7 =	sld [smem:$0x3F99]  }
0x1a: {  	s8 =	sadd.s32 $0xFFFFE003, lr  }
0x1b: {  	s9 =	sadd.s32 $0xFFFFFEF7, lr;
	s5 =	simm.s32 $0xFFFFFFFF;
	p2 =	slt.u32 s8, $0xFFFFF086  }
0x1c: {  	p1 =	slt.u32 s9, $0xF7A;
	s5 =	simm.s32 @!p2 $0x0  }
0x1d: {  	s5 =	simm.s32 @p1 $0x1;
	p0 =	seq.s32 s7, s2  }
0x1e: {  	s7 =	smul.u32 @!p0 $0xF7A, s2;
	p2 =	seq.s32 @!p0 s5, $0x0  }
0x1f: {  	s9 =	smul.u32 $0xF7A, s1;
	s8 =	simm.s32 @!p0 $0x1BF5;
	p2 =	por !p2, p0  }
0x20: {  	[sflag:s8] =	ssyncset.s32 @!p0 $0xFFFFF086;
	s6 =	sadd.s32 @!p0 s3, s7;
	s7 =	simm.s32 @!p0 $0x108  }
0x21: {  	s3 =	sadd.s32 s3, s9;
	s6 =	sadd.s32 @!p0 $0x88, s6;
	s7 =	simm.s32 @p2 $0x1082  }
0x22: {  	[simem:s7], [sflag:s8] =	dma.local @!p0 [hbm:s6], $0xF7A  }
0x23: {  	s9 =	sor.u32 $0xD0000000, s2;
	s6 =	simm.s32 $0x108;
	_ =	swait.ge @!p0 [sflag:s8], $0x0  }
0x24: {  	s3 =	sadd.s32 $0x88, s3;
	s6 =	simm.s32 @!p1 $0x1082;
	[sflag:s4] =	ssyncset.s32 $0xFFFFF086  }
0x25: {  	[simem:s6], [sflag:s4] =	dma.local [hbm:s3], $0xF7A  }
0x26: {  	[smem:$0x3F99] =	sst s1;
	(tag) =	ssettag s2;
	_ =	strace s9  }
0x27: {  	s1 =	sld [smem:$0x3FA9]  }
0x28: {  	s2 =	sld [smem:$0x3FAA]  }
0x29: {  	s4 =	sld [smem:$0x3FAC]  }
0x2a: {  	p0 =	seq.s32 s5, $0x0;
	s5 =	sld [smem:$0x3FAD]  }
0x2b: {  	s6 =	sld [smem:$0x3FAE]  }
0x2c: {  	s7 =	sld [smem:$0x3FAF]  }
0x2d: {  	s3 =	simm.s32 $0x108;
	s8 =	sld [smem:$0x3FB0]  }
0x2e: {  	s3 =	simm.s32 @!p0 $0x1082;
	s9 =	sld [smem:$0x3FB1]  }
0x2f: {  	lr =	sadd.s32 s0, s3;
	s0 =	sld [smem:$0x3FA8]  }
0x30: {  	s3 =	sld [smem:$0x3FAB]  }
0x31: {  	[smem:$0x3FB4] =	sst s10  }
0x32: {  	s10 =	sld [smem:$0x3FB2];
	_ =	sdelay $0x3  }
0x33: {  	p0 =	seq.s32 s10, $0x1;
	s10 =	sld [smem:$0x3FB4];
	_ =	sdelay $0x3  }
0x34: {  	[smem:$0x3FB4] =	sst s10  }
0x35: {  	s10 =	sld [smem:$0x3FB3];
	_ =	sdelay $0x3  }
0x36: {  	p1 =	seq.s32 s10, $0x1;
	s10 =	sld [smem:$0x3FB4];
	_ =	sdelay $0x3  }
0x37: {  	[smem:$0x3FB4] =	sst s10  }
0x38: {  	s10 =	sld [smem:$0x3FB5]  }
0x39: {  	_ = 	snop;
	(pc) =	sbr.ind lr, $3  }
0x3a: {  	_ = 	snop  }
0x3b: {  	_ = 	snop  }
0x3c: {  	p2 =	seq.s32 s10, $0x1;
	s10 =	sld [smem:$0x3FB4]  }
0x3d: {  	_ =	shalt  }
0x3e: {  	_ =	shalt  }
0x3f: {  	_ =	shalt  }
0x40: {  	_ =	shalt  }
0x41: {  	_ =	shalt  }
0x42: {  	_ =	shalt  }
0x43: {  	_ =	shalt  }
0x44: {  	_ =	shalt  }
0x45: {  	_ =	shalt  }
0x46: {  	_ =	shalt  }
0x47: {  	_ =	shalt  }
0x48: {  	_ =	shalt  }
0x49: {  	_ =	shalt  }
0x4a: {  	_ =	shalt  }
0x4b: {  	_ =	shalt  }
0x4c: {  	_ =	shalt  }
0x4d: {  	_ =	shalt  }
0x4e: {  	_ =	shalt  }
0x4f: {  	_ =	shalt  }
0x50: {  	_ =	shalt  }
0x51: {  	_ =	shalt  }
0x52: {  	_ =	shalt  }
0x53: {  	_ =	shalt  }
0x54: {  	_ =	shalt  }
0x55: {  	_ =	shalt  }
0x56: {  	_ =	shalt  }
0x57: {  	_ =	shalt  }
0x58: {  	_ =	shalt  }
0x59: {  	_ =	shalt  }
0x5a: {  	_ =	shalt  }
0x5b: {  	_ =	shalt  }
0x5c: {  	_ =	shalt  }
0x5d: {  	_ =	shalt  }
0x5e: {  	_ =	shalt  }
0x5f: {  	_ =	shalt  }
0x60: {  	_ =	shalt  }
0x61: {  	_ =	shalt  }
0x62: {  	_ =	shalt  }
0x63: {  	_ =	shalt  }
0x64: {  	_ =	shalt  }
0x65: {  	_ =	shalt  }
0x66: {  	_ =	shalt  }
0x67: {  	_ =	shalt  }
0x68: {  	_ =	shalt  }
0x69: {  	_ =	shalt  }
0x6a: {  	_ =	shalt  }
0x6b: {  	_ =	shalt  }
0x6c: {  	_ =	shalt  }
0x6d: {  	_ =	shalt  }
0x6e: {  	_ =	shalt  }
0x6f: {  	_ =	shalt  }
0x70: {  	_ =	shalt  }
0x71: {  	_ =	shalt  }
0x72: {  	_ =	shalt  }
0x73: {  	_ =	shalt  }
0x74: {  	_ =	shalt  }
0x75: {  	_ =	shalt  }
0x76: {  	_ =	shalt  }
0x77: {  	_ =	shalt  }
0x78: {  	_ =	shalt  }
0x79: {  	_ =	shalt  }
0x7a: {  	_ =	shalt  }
0x7b: {  	_ =	shalt  }
0x7c: {  	_ =	shalt  }
0x7d: {  	_ =	shalt  }
0x7e: {  	_ =	shalt  }
0x7f: {  	_ =	shalt  }
0x80: {  	_ =	shalt  }
0x81: {  	_ =	shalt  }
0x82: {  	_ =	shalt  }
0x83: {  	_ =	shalt  }
0x84: {  	_ =	shalt  }
0x85: {  	_ =	shalt  }
0x86: {  	_ =	shalt  }
0x87: {  	_ =	shalt  }
.Lfunc_end0:
.L_simem_size_0:
called_computation.3_lowered:
.L_overlay_start_0:
0x88: {  	s2 =	sld [smem:$0x3FD9]  }
0x89: {  	s3 =	sld [smem:$0x3FFE];
	_ =	sdelay $0x1  }
0x8a: {  	s1 =	srdreg.scid  }
0x8b: {  	s0 =	sand.u32 $0x1, s1  }
0x8c: {  	s17 =	sshll.u32 s0, $0xA;
	s2 =	sadd.s32 s3, s2  }
0x8d: {  	s2 =	sadd.s32 s2, s17  }
0x8e: {  	[smem:$0x3FC0] =	sst s2  }
0x8f: {  	_ = 	snop  }
0x90: {  	s2 =	sld [smem:$0x3FD0];
	(tm) =	ssettm $0x1  }
0x91: {  	s18 =	sld [smem:$0x3FFB];
	_ =	sdelay $0x3  }
0x92: {  	_ =	strace s18  }
0x93: {  	s3 =	sld [smem:$0x3FFC];
	_ =	sdelay $0x3  }
0x94: {  	_ =	strace s3  }
0x95: {  	s3 =	sld [smem:$0x3FFD];
	_ =	sdelay $0x3  }
0x96: {  	_ =	strace s3  }
0x97: {  	_ =	strace $0x8FFFFFFF  }
0x98: {  	s19 =	sld [smem:$0x3FDB];
	_ =	sdelay $0x1  }
0x99: {  	s4 =	simm.s32 $_scs_section_size  }
0x9a: {  	s5 =	simm.s32 $_size__tile_overlayer_lowered;
	s6 =	simm.s32 $_tile_overlayer_lowered  }
0x9b: {  	s22 =	simm.s32 $0x1BFF;
	s21 =	sshll.u32 s6, $0x1;
	s3 =	sadd.s32 s4, s19  }
0x9c: {  	s7 =	simm.s32 $0x0;
	s20 =	sshll.u32 s5, $0x1;
	s5 =	sadd.s32 s21, s3  }
0x9d: {  	[timem:s7], [sflag:s22] =	dma.local [hbm:s5], s20  }
0x9e: {  	_ =	swait.ge [sflag:s22], s20  }
0x9f: {  	s4 =	ssub.s32 $0x0, s20;
	[sflag:s22] =	ssyncset.done $0x0  }
0xa0: {  	[sflag:s22] =	ssyncadd.s32 s4;
	_ =	sdelay $0x1  }
0xa1: {  	s23 =	simm.s32 $0x1B8B  }
0xa2: {  	_ =	swait.ge [sflag:s23], $0x1  }
0xa3: {  	[sflag:s23] =	ssyncset.done $0x0  }
0xa4: {  	s25 =	simm.s32 $0x1B8E;
	s24 =	sld [smem:$0x3FFE];
	[sflag:s23] =	ssyncadd.s32 $0xFFFFFFFF  }
0xa5: {  	s26 =	simm.s32 $execute0_lowered;
	[smem:$0x3FD2] =	sst s25  }
0xa6: {  	s5 =	sshll.u32 s26, $0x1;
	_ =	strace $0x8000004F;
	[dreg:$0x1] =	wrdreg $0xFFFFFFFF  }
0xa7: {  	s28 =	simm.s32 $_size_execute0_lowered;
	s3 =	sadd.s32 s3, s5;
	[dreg:$0x0] =	wrdreg $0x0  }
0xa8: {  	s5 =	sshll.u32 s28, $0x1;
	[dreg:$0x2] =	wrdreg s3  }
0xa9: {  	[dreg:$0x3] =	wrdreg s5  }
0xaa: {  	[dreg:$0x4] =	wrdreg $0xC0  }
0xab: {  	_ =	task [dreg:s7], $0x5FFFF  }
0xac: {  	[dreg:$0x1] =	wrdreg $0xFFFFFFFF  }
0xad: {  	[dreg:$0x0] =	wrdreg $0x60  }
0xae: {  	[dreg:$0x2] =	wrdreg s2  }
0xaf: {  	[dreg:$0x3] =	wrdreg s24  }
0xb0: {  	[dreg:$0x4] =	wrdreg $0x88000  }
0xb1: {  	[dreg:$0x5] =	wrdreg $0x9  }
0xb2: {  	_ =	task.clear_ibuf [dreg:s7], $0x6FFFF;
	_ =	strace $0x9000004F  }
0xb3: {  	s29 =	simm.s32 $0x9;
	_ =	strace $0x80000051  }
0xb4: {  	_ =	swait.ge [sflag:s29], $0x1  }
0xb5: {  	[sflag:s29] =	ssyncadd.s32 $0xFFFFFFFF  }
0xb6: {  	_ =	strace $0x90000051  }
0xb7: {  	_ =	sfence  }
0xb8: {  	s30 =	sld [smem:$0x0];
	_ =	sdelay $0x2  }
0xb9: {  	s31 =	sshll.u32 s1, $0xD;
	s1 =	sshrl.u32 s1, $0x2  }
0xba: {  	s3 =	sand.u32 $0x4000, s31;
	s1 =	sadd.s32 s1, s30  }
0xbb: {  	s0 =	sor.u32 s3, s0;
	s1 =	sshll.u32 s1, $0x11  }
0xbc: {  	s0 =	sor.u32 s1, s0  }
0xbd: {  	s0 =	sadd.s32 $0x8F2B, s0  }
0xbe: {  	[sflag:s0] =	ssyncadd.remote.s32 $0x1  }
0xbf: {  	_ =	sfence.sel $0xFFFF  }
0xc0: {  	[dreg:$0x0] =	wrdreg $0xFFFFFFFF;
	(pc) =	sbr.abs _section_cstart, $3  }
0xc1: {  	[dreg:$0x1] =	wrdreg $0xFFFFFFFF  }
0xc2: {  	_ =	task.clear_ibuf [dreg:s7], $0x2FFFF;
	_ =	strace $0x9FFFFFFF  }
0xc3: {  	(tm) =	ssettm $0x7FFFFFFF  }
tec
execute0_lowered:
.L_overlay_start_1:
0x0: {  	(tag) =	ssettag $0x1  }
0x1: {  	s1 =	rddreg [dreg:$0x0]  }
0x2: {  	s0 =	rddreg [dreg:$0x1]  }
0x3: {  	s2 =	rddreg [dreg:$0x2];
	s3 =	simm.s32 $0x0  }
0x4: {  	s4 =	srdreg.scid;
	s13 =	stileid.u32;
	s14 =	simm.s32 $0x3  }
0x5: {  	s28 =	simm.s32 $0x4;
	s29 =	simm.s32 $0x2;
	[smem:$0x7FF] =	sst s3  }
0x6: {  	s4 =	sand.u32 $0x1, s4;
	s7 =	sadd.s32 $0x2E00, s0;
	s8 =	smul.u32 $0x14000, s13  }
0x7: {  	s11 =	sadd.s32 $0x5D400, s0;
	s5 =	sadd.s32 $0xCE00, s0;
	s12 =	smul.u32 $0x50000, s13  }
0x8: {  	s19 =	sshll.u32 s13, $0x6;
	s24 =	smul.u32 $0x500, s13;
	_ =	strace $0x80000050  }
0x9: {  	s6 =	smul.u32 $0x140000, s4;
	s9 =	sshll.u32 s4, $0x4;
	s18 =	ssub.s32 $0x2, s4  }
0xa: {  	s4 =	smul.u32 $0x5000, s4;
	s9 =	sor.u32 s13, s9;
	s10 =	sshrl.u32 s18, $0x1  }
0xb: {  	s12 =	sshrl.u32 s12, $0x2;
	s6 =	sadd.s32 s8, s6;
	s9 =	smul.u32 $0x500, s9  }
0xc: {  	s10 =	ssub.s32 s18, s10;
	s22 =	sadd.s32 s12, s2;
	s6 =	sshrl.u32 s6, $0x3  }
0xd: {  	s23 =	smax.u32 s10, $0x1;
	s15 =	sadd.s32 $0x2800, s22;
	s16 =	sadd.s32 $0x5000, s22  }
0xe: {  	s17 =	sadd.s32 $0x7800, s22;
	s18 =	sadd.s32 $0xA000, s22;
	s25 =	sadd.s32 $0x11800, s22  }
0xf: {  	s13 =	sshrl.u32 s22, $0x3;
	s0 =	sadd.s32 s6, s0;
	s6 =	sor.u32 $0x1C03, s19  }
0x10: {  	s20 =	sadd.s32 s7, s9;
	s21 =	sadd.s32 s11, s9;
	[dreg:$0x7] =	wrdreg s23  }
0x11: {  	s19 =	sadd.s32 $0xC800, s22;
	s11 =	sadd.s32 s4, s11;
	s4 =	sadd.s32 s4, s7  }
0x12: {  	s26 =	sshrl.u32 s15, $0x3;
	s30 =	sshrl.u32 s16, $0x3;
	[dreg:$0x4] =	wrdreg s20  }
0x13: {  	s31 =	sshrl.u32 s17, $0x3;
	s18 =	sshrl.u32 s18, $0x3;
	[dreg:$0x5] =	wrdreg s21  }
0x14: {  	s23 =	simm.s32 $0x7D;
	s0 =	sadd.s32 $0xD400, s0;
	[dreg:$0x8] =	wrdreg s26  }
0x15: {  	s20 =	sadd.s32 $0xF000, s22;
	s11 =	sadd.s32 s24, s11;
	[dreg:$0x9] =	wrdreg s30  }
0x16: {  	s4 =	sadd.s32 s24, s4;
	[dreg:$0xa] =	wrdreg s31;
	s19 =	sshrl.u32 s19, $0x3  }
0x17: {  	s21 =	sshrl.u32 s25, $0x3;
	s24 =	simm.s32 $0x800;
	s25 =	simm.s32 $0x1  }
0x18: {  	s26 =	simm.s32 $0x4800;
	[dreg:$0x6] =	wrdreg s0;
	s11 =	sadd.s32 $0x20, s11  }
0x19: {  	s12 =	sadd.s32 $0x20, s4;
	s20 =	sshrl.u32 s20, $0x3;
	s4 =	simm.s32 $0x0  }
.LBB2_1:
0x1a: {  	[spmem:s13], [sflag:s6] =	dma.local [hbm:s5], $0x500  }
0x1b: {  	_ =	swait.ge [sflag:s14], $0x500  }
0x1c: {  	[sflag:s14] =	ssyncset.done $0x0  }
0x1d: {  	s0 =	rddreg [dreg:$0x8];
	[sflag:s14] =	ssyncadd.s32 $0xFFFFFB00  }
0x1e: {  	[spmem:s0], [sflag:s6] =	dma.local [hbm:s5], $0x500  }
0x1f: {  	_ =	swait.ge [sflag:s14], $0x500  }
0x20: {  	[sflag:s14] =	ssyncset.done $0x0  }
0x21: {  	s8 =	rddreg [dreg:$0x9];
	[sflag:s14] =	ssyncadd.s32 $0xFFFFFB00  }
0x22: {  	[spmem:s8], [sflag:s6] =	dma.local [hbm:s5], $0x500  }
0x23: {  	_ =	swait.ge [sflag:s14], $0x500  }
0x24: {  	[sflag:s14] =	ssyncset.done $0x0  }
0x25: {  	s9 =	rddreg [dreg:$0xa];
	[sflag:s14] =	ssyncadd.s32 $0xFFFFFB00  }
0x26: {  	[spmem:s9], [sflag:s6] =	dma.local [hbm:s5], $0x500  }
0x27: {  	_ =	swait.ge [sflag:s14], $0x500  }
0x28: {  	[sflag:s14] =	ssyncset.done $0x0  }
0x29: {  	[sflag:s14] =	ssyncadd.s32 $0xFFFFFB00  }
0x2a: {  	[spmem:s18], [sflag:s6] =	dma.local [hbm:s5], $0x500  }
0x2b: {  	_ =	swait.ge [sflag:s14], $0x500  }
0x2c: {  	[sflag:s14] =	ssyncset.done $0x0  }
0x2d: {  	[sflag:s14] =	ssyncadd.s32 $0xFFFFFB00  }
0x2e: {  	[spmem:s19], [sflag:s6] =	dma.local [hbm:s5], $0x500  }
0x2f: {  	_ =	swait.ge [sflag:s14], $0x500  }
0x30: {  	[sflag:s14] =	ssyncset.done $0x0  }
0x31: {  	[sflag:s14] =	ssyncadd.s32 $0xFFFFFB00  }
0x32: {  	[spmem:s20], [sflag:s6] =	dma.local [hbm:s5], $0x500  }
0x33: {  	_ =	swait.ge [sflag:s14], $0x500  }
0x34: {  	[sflag:s14] =	ssyncset.done $0x0  }
0x35: {  	[sflag:s14] =	ssyncadd.s32 $0xFFFFFB00  }
0x36: {  	[spmem:s21], [sflag:s6] =	dma.local [hbm:s5], $0x500  }
0x37: {  	_ =	swait.ge [sflag:s14], $0x500  }
0x38: {  	[sflag:s14] =	ssyncset.done $0x0  }
0x39: {  	[sflag:s14] =	ssyncadd.s32 $0xFFFFFB00  }
0x3a: {  	[bflag:$0x0] =	sbarrier.arrive $0xFFFF  }
0x3b: {  	s10 =	rddreg [dreg:$0x4]  }
0x3c: {  	[tilespmem:s3], [sflag:$0x3] =	stream.linear.gather [hbm4b:s10+s3], $0x400, $0x38;
	[tilespmem:$0x1C800] =	vst v63  }
0x3d: {  	_ =	swait.ge [sflag:s14], $0x400  }
0x3e: {  	[sflag:s14] =	ssyncset.done $0x0  }
0x3f: {  	s7 =	simm.s32 $0x400;
	s15 =	rddreg [dreg:$0x5];
	[sflag:s14] =	ssyncadd.s32 $0xFFFFFC00  }
0x40: {  	[tilespmem:s7], [sflag:$0x3] =	stream.linear.gather [hbm4b:s15+s3], $0x400, $0x38;
	[tilespmem:$0x1C800] =	vst v63  }
0x41: {  	_ =	swait.ge [sflag:s14], $0x400  }
0x42: {  	[sflag:s14] =	ssyncset.done $0x0  }
0x43: {  	[sflag:s14] =	ssyncadd.s32 $0xFFFFFC00  }
0x44: {  	[tilespmem:s24], [sflag:$0x1] =	stream.indirect.gather [hbm4b:s1+s23], $0x80, s3, s23, $0xb8;
	[tilespmem:$0x1C800] =	vst v63  }
0x45: {  	s16 =	sand.u32 $0x6, s3;
	_ =	swait.ge [sflag:s25], $0x3E80  }
0x46: {  	s17 =	sshll.u32 s16, $0x7;
	[sflag:s25] =	ssyncset.done $0x0  }
0x47: {  	s22 =	sor.u32 $0x80, s17;
	[sflag:s25] =	ssyncadd.s32 $0xFFFFC180  }
0x48: {  	[tilespmem:s26], [sflag:$0x2] =	stream.indirect.gather [hbm4b:s1+s23], $0x80, s22, s23, $0xb8;
	[tilespmem:$0x1C800] =	vst v63  }
0x49: {  	s7 =	sor.u32 $0x400, s17  }
0x4a: {  	[spmem:s2] =	stream.indirect.scatter.add.f32 [tilespmem:s24], [sflag:$0x4], $0x80, s7, s23, $0xb8;
	[tilespmem:$0x1C800] =	vst v63  }
0x4b: {  	_ =	swait.ge [sflag:s28], $0x3E80  }
0x4c: {  	[sflag:s28] =	ssyncset.done $0x0  }
0x4d: {  	[sflag:s28] =	ssyncadd.s32 $0xFFFFC180  }
0x4e: {  	p0 =	sne.s32 s16, $0x6;
	_ =	swait.ge [sflag:s29], $0x3E80  }
0x4f: {  	s30 =	simm.s32 @p0 $0x7D;
	s7 =	simm.s32 $0x100;
	[sflag:s29] =	ssyncset.done $0x0  }
0x50: {  	s31 =	simm.s32 @p0 $0x800;
	s0 =	sand.u32 @p0 $0x300, s7;
	[sflag:s29] =	ssyncadd.s32 $0xFFFFC180  }
0x51: {  	[tilespmem:s31], [sflag:$0x1] =	stream.indirect.gather @p0 [hbm4b:s1+s30], $0x80, s0, s30, $0xb8;
	[tilespmem:$0x1C800] =	vst v63  }
0x52: {  	s8 =	simm.s32 @p0 $0x4;
	s0 =	sor.u32 @p0 $0x400, s22;
	s31 =	simm.s32 @p0 $0x4800  }
0x53: {  	[spmem:s2] =	stream.indirect.scatter.add.f32 @p0 [tilespmem:s31], [sflag:$0x4], $0x80, s0, s30, $0xb8;
	[tilespmem:$0x1C800] =	vst v63  }
0x54: {  	_ =	swait.ge @p0 [sflag:s8], $0x3E80  }
0x55: {  	[sflag:s8] =	ssyncset.done @p0 $0x0  }
0x56: {  	s0 =	simm.s32 @!p0 $0x0;
	[sflag:s8] =	ssyncadd.s32 @p0 $0xFFFFC180;
	s8 =	simm.s32 @!p0 $0x4  }
0x57: {  	[tilespmem:s0], [sflag:$0x4] =	stream.linear.gather @!p0 [hbm4b:s12+s0], $0x400, $0x38;
	[tilespmem:$0x1C800] =	vst v63  }
0x58: {  	_ =	swait.ge @!p0 [sflag:s8], $0x400  }
0x59: {  	s7 =	sand.u32 @!p0 $0x300, s7;
	[sflag:s8] =	ssyncset.done @!p0 $0x0  }
0x5a: {  	s30 =	simm.s32 @!p0 $0x800;
	s31 =	simm.s32 @!p0 $0x7D;
	[sflag:s8] =	ssyncadd.s32 @!p0 $0xFFFFFC00  }
0x5b: {  	[tilespmem:s30], [sflag:$0x1] =	stream.indirect.gather @!p0 [hbm4b:s1+s31], $0x80, s7, s31, $0xb8;
	[tilespmem:$0x1C800] =	vst v63  }
0x5c: {  	s7 =	sor.u32 @!p0 $0x400, s22;
	s22 =	simm.s32 @!p0 $0x4800  }
0x5d: {  	[spmem:s2] =	stream.indirect.scatter.add.f32 @!p0 [tilespmem:s22], [sflag:$0x4], $0x80, s7, s31, $0xb8;
	[tilespmem:$0x1C800] =	vst v63  }
0x5e: {  	_ =	swait.ge @!p0 [sflag:s8], $0x3E80  }
0x5f: {  	s30 =	sadd.s32 $0x20, s11;
	s22 =	simm.s32 @!p0 $0x400;
	[sflag:s8] =	ssyncset.done @!p0 $0x0  }
0x60: {  	s7 =	simm.s32 @!p0 $0x3;
	s31 =	sadd.s32 $0x20, s12;
	[sflag:s8] =	ssyncadd.s32 @!p0 $0xFFFFC180  }
0x61: {  	[tilespmem:s22], [sflag:$0x3] =	stream.linear.gather @!p0 [hbm4b:s11+s0], $0x400, $0x38;
	[tilespmem:$0x1C800] =	vst v63  }
0x62: {  	s22 =	simm.s32 $0x200;
	s0 =	simm.s32 $0x0;
	_ =	swait.ge @!p0 [sflag:s7], $0x400  }
.LBB2_2:
0x63: {  	[sflag:s7] =	ssyncset.done @!p0 $0x0  }
0x64: {  	s0 =	sadd.s32 $0x2, s0;
	s8 =	smov.u32 s22;
	s22 =	sadd.s32 $0x100, s22  }
0x65: {  	s9 =	sand.u32 $0x6, s0;
	p1 =	sne.s32 s22, $0x2800;
	[sflag:s7] =	ssyncadd.s32 @!p0 $0xFFFFFC00  }
0x66: {  	_ =	swait.ge [sflag:s25], $0x3E80;
	s7 =	sshll.u32 s9, $0x7  }
0x67: {  	[sflag:s25] =	ssyncset.done $0x0;
	s10 =	sor.u32 $0x80, s7  }
0x68: {  	[sflag:s25] =	ssyncadd.s32 $0xFFFFC180  }
0x69: {  	[tilespmem:s26], [sflag:$0x2] =	stream.indirect.gather [hbm4b:s1+s23], $0x80, s10, s23, $0xb8;
	[tilespmem:$0x1C800] =	vst v63  }
0x6a: {  	s7 =	sor.u32 $0x400, s7  }
0x6b: {  	[spmem:s2] =	stream.indirect.scatter.add.f32 [tilespmem:s24], [sflag:$0x4], $0x80, s7, s23, $0xb8;
	[tilespmem:$0x1C800] =	vst v63  }
0x6c: {  	_ =	swait.ge [sflag:s28], $0x3E80  }
0x6d: {  	[sflag:s28] =	ssyncset.done $0x0  }
0x6e: {  	[sflag:s28] =	ssyncadd.s32 $0xFFFFC180  }
0x6f: {  	p0 =	sne.s32 s9, $0x6;
	_ =	swait.ge [sflag:s29], $0x3E80  }
0x70: {  	s9 =	simm.s32 @p0 $0x7D;
	s7 =	sand.u32 @p0 $0x300, s8;
	[sflag:s29] =	ssyncset.done $0x0  }
0x71: {  	s15 =	simm.s32 @p0 $0x800;
	s16 =	sor.u32 @p0 $0x400, s10;
	[sflag:s29] =	ssyncadd.s32 $0xFFFFC180  }
0x72: {  	[tilespmem:s15], [sflag:$0x1] =	stream.indirect.gather @p0 [hbm4b:s1+s9], $0x80, s7, s9, $0xb8;
	[tilespmem:$0x1C800] =	vst v63  }
0x73: {  	s10 =	sor.u32 @!p0 $0x400, s10;
	s7 =	simm.s32 @p0 $0x4800;
	s15 =	simm.s32 @p0 $0x4  }
0x74: {  	[spmem:s2] =	stream.indirect.scatter.add.f32 @p0 [tilespmem:s7], [sflag:$0x4], $0x80, s16, s9, $0xb8;
	[tilespmem:$0x1C800] =	vst v63  }
0x75: {  	_ =	swait.ge @p0 [sflag:s15], $0x3E80  }
0x76: {  	s9 =	simm.s32 @!p0 $0x0;
	[sflag:s15] =	ssyncset.done @p0 $0x0  }
0x77: {  	s7 =	simm.s32 @!p0 $0x4;
	[sflag:s15] =	ssyncadd.s32 @p0 $0xFFFFC180  }
0x78: {  	[tilespmem:s9], [sflag:$0x4] =	stream.linear.gather @!p0 [hbm4b:s31+s9], $0x400, $0x38;
	[tilespmem:$0x1C800] =	vst v63  }
0x79: {  	s15 =	simm.s32 @!p0 $0x800;
	_ =	swait.ge @!p0 [sflag:s7], $0x400  }
0x7a: {  	s8 =	sand.u32 @!p0 $0x300, s8;
	s16 =	simm.s32 @!p0 $0x7D;
	[sflag:s7] =	ssyncset.done @!p0 $0x0  }
0x7b: {  	s17 =	simm.s32 @!p0 $0x4800;
	[sflag:s7] =	ssyncadd.s32 @!p0 $0xFFFFFC00  }
0x7c: {  	[tilespmem:s15], [sflag:$0x1] =	stream.indirect.gather @!p0 [hbm4b:s1+s16], $0x80, s8, s16, $0xb8;
	[tilespmem:$0x1C800] =	vst v63  }
0x7d: {  	_ = 	snop  }
0x7e: {  	[spmem:s2] =	stream.indirect.scatter.add.f32 @!p0 [tilespmem:s17], [sflag:$0x4], $0x80, s10, s16, $0xb8;
	[tilespmem:$0x1C800] =	vst v63  }
.Ltmp0:
0x7f: {  	_ =	swait.ge @!p0 [sflag:s7], $0x3E80;
	(pc) =	sbr.rel @p1 .LBB2_2-.Ltmp0, $4  }
0x80: {  	s8 =	simm.s32 @!p0 $0x400;
	[sflag:s7] =	ssyncset.done @!p0 $0x0  }
0x81: {  	[sflag:s7] =	ssyncadd.s32 @!p0 $0xFFFFC180;
	s7 =	simm.s32 @!p0 $0x3  }
0x82: {  	[tilespmem:s8], [sflag:$0x3] =	stream.linear.gather @!p0 [hbm4b:s30+s9], $0x400, $0x38;
	[tilespmem:$0x1C800] =	vst v63  }
0x83: {  	s31 =	sadd.s32 $0x20, s31;
	s30 =	sadd.s32 $0x20, s30;
	_ =	swait.ge @!p0 [sflag:s7], $0x400  }
0x84: {  	[sflag:s7] =	ssyncset.done @!p0 $0x0  }
0x85: {  	[sflag:s7] =	ssyncadd.s32 @!p0 $0xFFFFFC00  }
0x86: {  	_ =	swait.ge [sflag:s25], $0x3E80  }
0x87: {  	[sflag:s25] =	ssyncset.done $0x0  }
0x88: {  	s0 =	simm.s32 $0x380;
	[sflag:s25] =	ssyncadd.s32 $0xFFFFC180  }
0x89: {  	[tilespmem:s26], [sflag:$0x2] =	stream.indirect.gather [hbm4b:s1+s23], $0x80, s0, s23, $0xb8;
	[tilespmem:$0x1C800] =	vst v63  }
0x8a: {  	s17 =	simm.s32 $0x700  }
0x8b: {  	[spmem:s2] =	stream.indirect.scatter.add.f32 [tilespmem:s24], [sflag:$0x4], $0x80, s17, s23, $0xb8;
	[tilespmem:$0x1C800] =	vst v63  }
0x8c: {  	_ =	swait.ge [sflag:s28], $0x3E80  }
0x8d: {  	[sflag:s28] =	ssyncset.done $0x0  }
0x8e: {  	[sflag:s28] =	ssyncadd.s32 $0xFFFFC180  }
0x8f: {  	_ =	swait.ge [sflag:s29], $0x3E80  }
0x90: {  	[sflag:s29] =	ssyncset.done $0x0  }
0x91: {  	s22 =	simm.s32 $0x780;
	[sflag:s29] =	ssyncadd.s32 $0xFFFFC180  }
0x92: {  	[spmem:s2] =	stream.indirect.scatter.add.f32 [tilespmem:s26], [sflag:$0x4], $0x80, s22, s23, $0xb8;
	[tilespmem:$0x1C800] =	vst v63  }
0x93: {  	_ =	swait.ge [sflag:s28], $0x3E80  }
0x94: {  	[sflag:s28] =	ssyncset.done $0x0  }
0x95: {  	[sflag:s28] =	ssyncadd.s32 $0xFFFFC180  }
0x96: {  	[bflag:$0x0] =	sbarrier.arrive $0xFFFF  }
0x97: {  	s30 =	rddreg [dreg:$0x6]  }
0x98: {  	[hbm:s30], [sflag:s6] =	dma.local [spmem:s13], $0x2800  }
0x99: {  	_ =	swait.ge [sflag:s14], $0x2800  }
0x9a: {  	s4 =	sadd.s32 $0x1, s4;
	s31 =	rddreg [dreg:$0x7]  }
0x9b: {  	p0 =	sne.s32 s4, s31  }
.Ltmp1:
0x9c: {  	_ = 	snop;
	(pc) =	sbr.rel @p0 .LBB2_1-.Ltmp1, $3  }
0x9d: {  	_ =	sdelay $0x1  }
0x9e: {  	[sflag:s14] =	ssyncset.done $0x0  }
0x9f: {  	[sflag:s14] =	ssyncadd.s32 $0xFFFFD800  }
0xa0: {  	_ =	sfence.sel $0x180000  }
0xa1: {  	[bflag:$0x0] =	sbarrier.arrive $0xFFFF  }
0xa2: {  	_ =	strace $0x90000050  }
0xa3: {  	s0 =	stileid.u32;
	[bflag:$0x2] =	sbarrier.arrive $0xFFFF  }
0xa4: {  	p0 =	sne.s32 s0, $0x0;
	s0 =	rddreg [dreg:$0x3]  }
0xa5: {  	s0 =	sadd.s32 @!p0 $0x100000, s0  }
0xa6: {  	[sflag:s0] =	ssyncadd.tile.s32 @!p0 $0x1;
	_ =	shalt  }
.Lfunc_end2:
_tile_overlayer_lowered:
.L_overlay_start_2:
0xa7: {  	(tag) =	ssettag $0x2  }
0xa8: {  	s0 =	rddreg [dreg:$0x0];
	s2 =	stileid.u32  }
0xa9: {  	s1 =	rddreg [dreg:$0x1];
	p0 =	sne.s32 s2, $0x0  }
0xaa: {  	s3 =	rddreg [dreg:$0x2];
	[bflag:$0x3] =	sbarrier.arrive $0xFFFF;
	s2 =	simm.s32 @!p0 $0x1C03  }
0xab: {  	[timem:s3], [sflag:s2] =	dma.local @!p0 [hbm:s0], s1  }
0xac: {  	s0 =	simm.s32 @!p0 $0x3  }
0xad: {  	_ =	swait.ge @!p0 [sflag:s0], s1  }
0xae: {  	s1 =	ssub.s32 @!p0 $0x0, s1;
	[sflag:s0] =	ssyncset.done @!p0 $0x0  }
0xaf: {  	[sflag:s0] =	ssyncadd.s32 @!p0 s1  }
0xb0: {  	[bflag:$0x3] =	sbarrier.arrive $0xFFFF  }
0xb1: {  	_ =	shalt  }

// kernel: kernel.23.cloned.1.call-start
scs
__scs_entry_jumppad:
0x0: {  	(pc) =	sbr.rel $0x88, $3  }
0x1: {  	(tag) =	ssettag $0x0;
	lr =	simm.s32 $0x1  }
0x2: {  	[smem:$0x3F99] =	sst lr;
	_ =	strace $0xD0000000  }
0x3: {  	_ = 	snop  }
0x4: {  	_ = 	snop  }
0x5: {  	_ = 	snop  }
0x6: {  	_ = 	snop  }
0x7: {  	_ = 	snop  }
__scs_overlays_trampoline_lowered:
0x8: {  	[smem:$0x3FA8] =	sst s0  }
0x9: {  	[smem:$0x3FA9] =	sst s1  }
0xa: {  	[smem:$0x3FAA] =	sst s2  }
0xb: {  	[smem:$0x3FAB] =	sst s3  }
0xc: {  	[smem:$0x3FAC] =	sst s4  }
0xd: {  	[smem:$0x3FAD] =	sst s5  }
0xe: {  	[smem:$0x3FAE] =	sst s6  }
0xf: {  	[smem:$0x3FAF] =	sst s7  }
0x10: {  	[smem:$0x3FB0] =	sst s8  }
0x11: {  	[smem:$0x3FB1] =	sst s9;
	s0 =	simm.s32 @!p0 $0x0  }
0x12: {  	s1 =	sld [smem:$0x3F97];
	s0 =	simm.s32 @p0 $0x1  }
0x13: {  	[smem:$0x3FB2] =	sst s0;
	s0 =	simm.s32 @!p1 $0x0  }
0x14: {  	s2 =	sld [smem:$0x3F96];
	s0 =	simm.s32 @p1 $0x1  }
0x15: {  	[smem:$0x3FB3] =	sst s0;
	s0 =	simm.s32 @!p2 $0x0  }
0x16: {  	s3 =	sld [smem:$0x3FDB];
	s0 =	simm.s32 @p2 $0x1  }
0x17: {  	s4 =	simm.s32 $0x1BF5;
	[smem:$0x3FB5] =	sst s0  }
0x18: {  	s0 =	sld [smem:$0x3F98];
	_ =	swait.ge [sflag:s4], $0x0  }
0x19: {  	s7 =	sld [smem:$0x3F99]  }
0x1a: {  	s8 =	sadd.s32 $0xFFFFE003, lr  }
0x1b: {  	s9 =	sadd.s32 $0xFFFFFEF7, lr;
	s5 =	simm.s32 $0xFFFFFFFF;
	p2 =	slt.u32 s8, $0xFFFFF086  }
0x1c: {  	p1 =	slt.u32 s9, $0xF7A;
	s5 =	simm.s32 @!p2 $0x0  }
0x1d: {  	s5 =	simm.s32 @p1 $0x1;
	p0 =	seq.s32 s7, s2  }
0x1e: {  	s7 =	smul.u32 @!p0 $0xF7A, s2;
	p2 =	seq.s32 @!p0 s5, $0x0  }
0x1f: {  	s9 =	smul.u32 $0xF7A, s1;
	s8 =	simm.s32 @!p0 $0x1BF5;
	p2 =	por !p2, p0  }
0x20: {  	[sflag:s8] =	ssyncset.s32 @!p0 $0xFFFFF086;
	s6 =	sadd.s32 @!p0 s3, s7;
	s7 =	simm.s32 @!p0 $0x108  }
0x21: {  	s3 =	sadd.s32 s3, s9;
	s6 =	sadd.s32 @!p0 $0x88, s6;
	s7 =	simm.s32 @p2 $0x1082  }
0x22: {  	[simem:s7], [sflag:s8] =	dma.local @!p0 [hbm:s6], $0xF7A  }
0x23: {  	s9 =	sor.u32 $0xD0000000, s2;
	s6 =	simm.s32 $0x108;
	_ =	swait.ge @!p0 [sflag:s8], $0x0  }
0x24: {  	s3 =	sadd.s32 $0x88, s3;
	s6 =	simm.s32 @!p1 $0x1082;
	[sflag:s4] =	ssyncset.s32 $0xFFFFF086  }
0x25: {  	[simem:s6], [sflag:s4] =	dma.local [hbm:s3], $0xF7A  }
0x26: {  	[smem:$0x3F99] =	sst s1;
	(tag) =	ssettag s2;
	_ =	strace s9  }
0x27: {  	s1 =	sld [smem:$0x3FA9]  }
0x28: {  	s2 =	sld [smem:$0x3FAA]  }
0x29: {  	s4 =	sld [smem:$0x3FAC]  }
0x2a: {  	p0 =	seq.s32 s5, $0x0;
	s5 =	sld [smem:$0x3FAD]  }
0x2b: {  	s6 =	sld [smem:$0x3FAE]  }
0x2c: {  	s7 =	sld [smem:$0x3FAF]  }
0x2d: {  	s3 =	simm.s32 $0x108;
	s8 =	sld [smem:$0x3FB0]  }
0x2e: {  	s3 =	simm.s32 @!p0 $0x1082;
	s9 =	sld [smem:$0x3FB1]  }
0x2f: {  	lr =	sadd.s32 s0, s3;
	s0 =	sld [smem:$0x3FA8]  }
0x30: {  	s3 =	sld [smem:$0x3FAB]  }
0x31: {  	[smem:$0x3FB4] =	sst s10  }
0x32: {  	s10 =	sld [smem:$0x3FB2];
	_ =	sdelay $0x3  }
0x33: {  	p0 =	seq.s32 s10, $0x1;
	s10 =	sld [smem:$0x3FB4];
	_ =	sdelay $0x3  }
0x34: {  	[smem:$0x3FB4] =	sst s10  }
0x35: {  	s10 =	sld [smem:$0x3FB3];
	_ =	sdelay $0x3  }
0x36: {  	p1 =	seq.s32 s10, $0x1;
	s10 =	sld [smem:$0x3FB4];
	_ =	sdelay $0x3  }
0x37: {  	[smem:$0x3FB4] =	sst s10  }
0x38: {  	s10 =	sld [smem:$0x3FB5]  }
0x39: {  	_ = 	snop;
	(pc) =	sbr.ind lr, $3  }
0x3a: {  	_ = 	snop  }
0x3b: {  	_ = 	snop  }
0x3c: {  	p2 =	seq.s32 s10, $0x1;
	s10 =	sld [smem:$0x3FB4]  }
0x3d: {  	_ =	shalt  }
0x3e: {  	_ =	shalt  }
0x3f: {  	_ =	shalt  }
0x40: {  	_ =	shalt  }
0x41: {  	_ =	shalt  }
0x42: {  	_ =	shalt  }
0x43: {  	_ =	shalt  }
0x44: {  	_ =	shalt  }
0x45: {  	_ =	shalt  }
0x46: {  	_ =	shalt  }
0x47: {  	_ =	shalt  }
0x48: {  	_ =	shalt  }
0x49: {  	_ =	shalt  }
0x4a: {  	_ =	shalt  }
0x4b: {  	_ =	shalt  }
0x4c: {  	_ =	shalt  }
0x4d: {  	_ =	shalt  }
0x4e: {  	_ =	shalt  }
0x4f: {  	_ =	shalt  }
0x50: {  	_ =	shalt  }
0x51: {  	_ =	shalt  }
0x52: {  	_ =	shalt  }
0x53: {  	_ =	shalt  }
0x54: {  	_ =	shalt  }
0x55: {  	_ =	shalt  }
0x56: {  	_ =	shalt  }
0x57: {  	_ =	shalt  }
0x58: {  	_ =	shalt  }
0x59: {  	_ =	shalt  }
0x5a: {  	_ =	shalt  }
0x5b: {  	_ =	shalt  }
0x5c: {  	_ =	shalt  }
0x5d: {  	_ =	shalt  }
0x5e: {  	_ =	shalt  }
0x5f: {  	_ =	shalt  }
0x60: {  	_ =	shalt  }
0x61: {  	_ =	shalt  }
0x62: {  	_ =	shalt  }
0x63: {  	_ =	shalt  }
0x64: {  	_ =	shalt  }
0x65: {  	_ =	shalt  }
0x66: {  	_ =	shalt  }
0x67: {  	_ =	shalt  }
0x68: {  	_ =	shalt  }
0x69: {  	_ =	shalt  }
0x6a: {  	_ =	shalt  }
0x6b: {  	_ =	shalt  }
0x6c: {  	_ =	shalt  }
0x6d: {  	_ =	shalt  }
0x6e: {  	_ =	shalt  }
0x6f: {  	_ =	shalt  }
0x70: {  	_ =	shalt  }
0x71: {  	_ =	shalt  }
0x72: {  	_ =	shalt  }
0x73: {  	_ =	shalt  }
0x74: {  	_ =	shalt  }
0x75: {  	_ =	shalt  }
0x76: {  	_ =	shalt  }
0x77: {  	_ =	shalt  }
0x78: {  	_ =	shalt  }
0x79: {  	_ =	shalt  }
0x7a: {  	_ =	shalt  }
0x7b: {  	_ =	shalt  }
0x7c: {  	_ =	shalt  }
0x7d: {  	_ =	shalt  }
0x7e: {  	_ =	shalt  }
0x7f: {  	_ =	shalt  }
0x80: {  	_ =	shalt  }
0x81: {  	_ =	shalt  }
0x82: {  	_ =	shalt  }
0x83: {  	_ =	shalt  }
0x84: {  	_ =	shalt  }
0x85: {  	_ =	shalt  }
0x86: {  	_ =	shalt  }
0x87: {  	_ =	shalt  }
.Lfunc_end0:
.L_simem_size_0:
called_computation.4_lowered:
.L_overlay_start_0:
0x88: {  	s2 =	sld [smem:$0x3FD9]  }
0x89: {  	s3 =	sld [smem:$0x3FFE];
	_ =	sdelay $0x1  }
0x8a: {  	s1 =	srdreg.scid  }
0x8b: {  	s0 =	sand.u32 $0x1, s1  }
0x8c: {  	s17 =	sshll.u32 s0, $0xA;
	s2 =	sadd.s32 s3, s2  }
0x8d: {  	s2 =	sadd.s32 s2, s17  }
0x8e: {  	[smem:$0x3FC0] =	sst s2  }
0x8f: {  	_ = 	snop  }
0x90: {  	s2 =	sld [smem:$0x3FD0];
	(tm) =	ssettm $0x1  }
0x91: {  	s18 =	sld [smem:$0x3FFB];
	_ =	sdelay $0x3  }
0x92: {  	_ =	strace s18  }
0x93: {  	s3 =	sld [smem:$0x3FFC];
	_ =	sdelay $0x3  }
0x94: {  	_ =	strace s3  }
0x95: {  	s3 =	sld [smem:$0x3FFD];
	_ =	sdelay $0x3  }
0x96: {  	_ =	strace s3  }
0x97: {  	_ =	strace $0x8FFFFFFF  }
0x98: {  	s19 =	sld [smem:$0x3FDB];
	_ =	sdelay $0x1  }
0x99: {  	s4 =	simm.s32 $_scs_section_size  }
0x9a: {  	s5 =	simm.s32 $_size__tile_overlayer_lowered;
	s6 =	simm.s32 $_tile_overlayer_lowered  }
0x9b: {  	s22 =	simm.s32 $0x1BFF;
	s21 =	sshll.u32 s6, $0x1;
	s3 =	sadd.s32 s4, s19  }
0x9c: {  	s7 =	simm.s32 $0x0;
	s20 =	sshll.u32 s5, $0x1;
	s5 =	sadd.s32 s21, s3  }
0x9d: {  	[timem:s7], [sflag:s22] =	dma.local [hbm:s5], s20  }
0x9e: {  	_ =	swait.ge [sflag:s22], s20  }
0x9f: {  	s4 =	ssub.s32 $0x0, s20;
	[sflag:s22] =	ssyncset.done $0x0  }
0xa0: {  	[sflag:s22] =	ssyncadd.s32 s4;
	_ =	sdelay $0x1  }
0xa1: {  	s23 =	simm.s32 $0x1B8B  }
0xa2: {  	_ =	swait.ge [sflag:s23], $0x1  }
0xa3: {  	[sflag:s23] =	ssyncset.done $0x0  }
0xa4: {  	s25 =	simm.s32 $0x1B8E;
	s24 =	sld [smem:$0x3FFE];
	[sflag:s23] =	ssyncadd.s32 $0xFFFFFFFF  }
0xa5: {  	s26 =	simm.s32 $execute0_lowered;
	[smem:$0x3FD2] =	sst s25  }
0xa6: {  	s5 =	sshll.u32 s26, $0x1;
	_ =	strace $0x80000052;
	[dreg:$0x1] =	wrdreg $0xFFFFFFFF  }
0xa7: {  	s28 =	simm.s32 $_size_execute0_lowered;
	s3 =	sadd.s32 s3, s5;
	[dreg:$0x0] =	wrdreg $0x0  }
0xa8: {  	s5 =	sshll.u32 s28, $0x1;
	[dreg:$0x2] =	wrdreg s3  }
0xa9: {  	[dreg:$0x3] =	wrdreg s5  }
0xaa: {  	[dreg:$0x4] =	wrdreg $0xC0  }
0xab: {  	_ =	task [dreg:s7], $0x5FFFF  }
0xac: {  	[dreg:$0x1] =	wrdreg $0xFFFFFFFF  }
0xad: {  	[dreg:$0x0] =	wrdreg $0x60  }
0xae: {  	[dreg:$0x2] =	wrdreg s2  }
0xaf: {  	[dreg:$0x3] =	wrdreg s24  }
0xb0: {  	[dreg:$0x4] =	wrdreg $0x88000  }
0xb1: {  	[dreg:$0x5] =	wrdreg $0x9  }
0xb2: {  	_ =	task.clear_ibuf [dreg:s7], $0x6FFFF;
	_ =	strace $0x90000052  }
0xb3: {  	s29 =	simm.s32 $0x9;
	_ =	strace $0x80000054  }
0xb4: {  	_ =	swait.ge [sflag:s29], $0x1  }
0xb5: {  	[sflag:s29] =	ssyncadd.s32 $0xFFFFFFFF  }
0xb6: {  	_ =	strace $0x90000054  }
0xb7: {  	_ =	sfence  }
0xb8: {  	s30 =	sld [smem:$0x0];
	_ =	sdelay $0x2  }
0xb9: {  	s31 =	sshll.u32 s1, $0xD;
	s1 =	sshrl.u32 s1, $0x2  }
0xba: {  	s3 =	sand.u32 $0x4000, s31;
	s1 =	sadd.s32 s1, s30  }
0xbb: {  	s0 =	sor.u32 s3, s0;
	s1 =	sshll.u32 s1, $0x11  }
0xbc: {  	s0 =	sor.u32 s1, s0  }
0xbd: {  	s0 =	sadd.s32 $0x8F2B, s0  }
0xbe: {  	[sflag:s0] =	ssyncadd.remote.s32 $0x1  }
0xbf: {  	_ =	sfence.sel $0xFFFF  }
0xc0: {  	[dreg:$0x0] =	wrdreg $0xFFFFFFFF;
	(pc) =	sbr.abs _section_cstart, $3  }
0xc1: {  	[dreg:$0x1] =	wrdreg $0xFFFFFFFF  }
0xc2: {  	_ =	task.clear_ibuf [dreg:s7], $0x2FFFF;
	_ =	strace $0x9FFFFFFF  }
0xc3: {  	(tm) =	ssettm $0x7FFFFFFF  }
tec
execute0_lowered:
.L_overlay_start_1:
0x0: {  	(tag) =	ssettag $0x1  }
0x1: {  	s1 =	rddreg [dreg:$0x0]  }
0x2: {  	s0 =	rddreg [dreg:$0x1]  }
0x3: {  	s2 =	rddreg [dreg:$0x2];
	s3 =	simm.s32 $0x0  }
0x4: {  	s4 =	srdreg.scid;
	s13 =	stileid.u32;
	s14 =	simm.s32 $0x3  }
0x5: {  	s28 =	simm.s32 $0x4;
	s29 =	simm.s32 $0x2;
	[smem:$0x7FF] =	sst s3  }
0x6: {  	s4 =	sand.u32 $0x1, s4;
	s7 =	sadd.s32 $0x2E00, s0;
	s8 =	smul.u32 $0x14000, s13  }
0x7: {  	s11 =	sadd.s32 $0x5D400, s0;
	s5 =	sadd.s32 $0xCE00, s0;
	s12 =	smul.u32 $0x50000, s13  }
0x8: {  	s19 =	sshll.u32 s13, $0x6;
	s24 =	smul.u32 $0x500, s13;
	_ =	strace $0x80000053  }
0x9: {  	s6 =	smul.u32 $0x140000, s4;
	s9 =	sshll.u32 s4, $0x4;
	s18 =	ssub.s32 $0x2, s4  }
0xa: {  	s4 =	smul.u32 $0x5000, s4;
	s9 =	sor.u32 s13, s9;
	s10 =	sshrl.u32 s18, $0x1  }
0xb: {  	s12 =	sshrl.u32 s12, $0x2;
	s6 =	sadd.s32 s8, s6;
	s9 =	smul.u32 $0x500, s9  }
0xc: {  	s10 =	ssub.s32 s18, s10;
	s22 =	sadd.s32 s12, s2;
	s6 =	sshrl.u32 s6, $0x3  }
0xd: {  	s23 =	smax.u32 s10, $0x1;
	s15 =	sadd.s32 $0x2800, s22;
	s16 =	sadd.s32 $0x5000, s22  }
0xe: {  	s17 =	sadd.s32 $0x7800, s22;
	s18 =	sadd.s32 $0xA000, s22;
	s25 =	sadd.s32 $0x11800, s22  }
0xf: {  	s13 =	sshrl.u32 s22, $0x3;
	s0 =	sadd.s32 s6, s0;
	s6 =	sor.u32 $0x1C03, s19  }
0x10: {  	s20 =	sadd.s32 s7, s9;
	s21 =	sadd.s32 s11, s9;
	[dreg:$0x7] =	wrdreg s23  }
0x11: {  	s19 =	sadd.s32 $0xC800, s22;
	s11 =	sadd.s32 s4, s11;
	s4 =	sadd.s32 s4, s7  }
0x12: {  	s26 =	sshrl.u32 s15, $0x3;
	s30 =	sshrl.u32 s16, $0x3;
	[dreg:$0x4] =	wrdreg s20  }
0x13: {  	s31 =	sshrl.u32 s17, $0x3;
	s18 =	sshrl.u32 s18, $0x3;
	[dreg:$0x5] =	wrdreg s21  }
0x14: {  	s23 =	simm.s32 $0x7D;
	s0 =	sadd.s32 $0xD400, s0;
	[dreg:$0x8] =	wrdreg s26  }
0x15: {  	s20 =	sadd.s32 $0xF000, s22;
	s11 =	sadd.s32 s24, s11;
	[dreg:$0x9] =	wrdreg s30  }
0x16: {  	s4 =	sadd.s32 s24, s4;
	[dreg:$0xa] =	wrdreg s31;
	s19 =	sshrl.u32 s19, $0x3  }
0x17: {  	s21 =	sshrl.u32 s25, $0x3;
	s24 =	simm.s32 $0x800;
	s25 =	simm.s32 $0x1  }
0x18: {  	s26 =	simm.s32 $0x4800;
	[dreg:$0x6] =	wrdreg s0;
	s11 =	sadd.s32 $0x20, s11  }
0x19: {  	s12 =	sadd.s32 $0x20, s4;
	s20 =	sshrl.u32 s20, $0x3;
	s4 =	simm.s32 $0x0  }
.LBB2_1:
0x1a: {  	[spmem:s13], [sflag:s6] =	dma.local [hbm:s5], $0x500  }
0x1b: {  	_ =	swait.ge [sflag:s14], $0x500  }
0x1c: {  	[sflag:s14] =	ssyncset.done $0x0  }
0x1d: {  	s0 =	rddreg [dreg:$0x8];
	[sflag:s14] =	ssyncadd.s32 $0xFFFFFB00  }
0x1e: {  	[spmem:s0], [sflag:s6] =	dma.local [hbm:s5], $0x500  }
0x1f: {  	_ =	swait.ge [sflag:s14], $0x500  }
0x20: {  	[sflag:s14] =	ssyncset.done $0x0  }
0x21: {  	s8 =	rddreg [dreg:$0x9];
	[sflag:s14] =	ssyncadd.s32 $0xFFFFFB00  }
0x22: {  	[spmem:s8], [sflag:s6] =	dma.local [hbm:s5], $0x500  }
0x23: {  	_ =	swait.ge [sflag:s14], $0x500  }
0x24: {  	[sflag:s14] =	ssyncset.done $0x0  }
0x25: {  	s9 =	rddreg [dreg:$0xa];
	[sflag:s14] =	ssyncadd.s32 $0xFFFFFB00  }
0x26: {  	[spmem:s9], [sflag:s6] =	dma.local [hbm:s5], $0x500  }
0x27: {  	_ =	swait.ge [sflag:s14], $0x500  }
0x28: {  	[sflag:s14] =	ssyncset.done $0x0  }
0x29: {  	[sflag:s14] =	ssyncadd.s32 $0xFFFFFB00  }
0x2a: {  	[spmem:s18], [sflag:s6] =	dma.local [hbm:s5], $0x500  }
0x2b: {  	_ =	swait.ge [sflag:s14], $0x500  }
0x2c: {  	[sflag:s14] =	ssyncset.done $0x0  }
0x2d: {  	[sflag:s14] =	ssyncadd.s32 $0xFFFFFB00  }
0x2e: {  	[spmem:s19], [sflag:s6] =	dma.local [hbm:s5], $0x500  }
0x2f: {  	_ =	swait.ge [sflag:s14], $0x500  }
0x30: {  	[sflag:s14] =	ssyncset.done $0x0  }
0x31: {  	[sflag:s14] =	ssyncadd.s32 $0xFFFFFB00  }
0x32: {  	[spmem:s20], [sflag:s6] =	dma.local [hbm:s5], $0x500  }
0x33: {  	_ =	swait.ge [sflag:s14], $0x500  }
0x34: {  	[sflag:s14] =	ssyncset.done $0x0  }
0x35: {  	[sflag:s14] =	ssyncadd.s32 $0xFFFFFB00  }
0x36: {  	[spmem:s21], [sflag:s6] =	dma.local [hbm:s5], $0x500  }
0x37: {  	_ =	swait.ge [sflag:s14], $0x500  }
0x38: {  	[sflag:s14] =	ssyncset.done $0x0  }
0x39: {  	[sflag:s14] =	ssyncadd.s32 $0xFFFFFB00  }
0x3a: {  	[bflag:$0x0] =	sbarrier.arrive $0xFFFF  }
0x3b: {  	s10 =	rddreg [dreg:$0x4]  }
0x3c: {  	[tilespmem:s3], [sflag:$0x3] =	stream.linear.gather [hbm4b:s10+s3], $0x400, $0x38;
	[tilespmem:$0x1C800] =	vst v63  }
0x3d: {  	_ =	swait.ge [sflag:s14], $0x400  }
0x3e: {  	[sflag:s14] =	ssyncset.done $0x0  }
0x3f: {  	s7 =	simm.s32 $0x400;
	s15 =	rddreg [dreg:$0x5];
	[sflag:s14] =	ssyncadd.s32 $0xFFFFFC00  }
0x40: {  	[tilespmem:s7], [sflag:$0x3] =	stream.linear.gather [hbm4b:s15+s3], $0x400, $0x38;
	[tilespmem:$0x1C800] =	vst v63  }
0x41: {  	_ =	swait.ge [sflag:s14], $0x400  }
0x42: {  	[sflag:s14] =	ssyncset.done $0x0  }
0x43: {  	[sflag:s14] =	ssyncadd.s32 $0xFFFFFC00  }
0x44: {  	[tilespmem:s24], [sflag:$0x1] =	stream.indirect.gather [hbm4b:s1+s23], $0x80, s3, s23, $0xb8;
	[tilespmem:$0x1C800] =	vst v63  }
0x45: {  	s16 =	sand.u32 $0x6, s3;
	_ =	swait.ge [sflag:s25], $0x3E80  }
0x46: {  	s17 =	sshll.u32 s16, $0x7;
	[sflag:s25] =	ssyncset.done $0x0  }
0x47: {  	s22 =	sor.u32 $0x80, s17;
	[sflag:s25] =	ssyncadd.s32 $0xFFFFC180  }
0x48: {  	[tilespmem:s26], [sflag:$0x2] =	stream.indirect.gather [hbm4b:s1+s23], $0x80, s22, s23, $0xb8;
	[tilespmem:$0x1C800] =	vst v63  }
0x49: {  	s7 =	sor.u32 $0x400, s17  }
0x4a: {  	[spmem:s2] =	stream.indirect.scatter.add.f32 [tilespmem:s24], [sflag:$0x4], $0x80, s7, s23, $0xb8;
	[tilespmem:$0x1C800] =	vst v63  }
0x4b: {  	_ =	swait.ge [sflag:s28], $0x3E80  }
0x4c: {  	[sflag:s28] =	ssyncset.done $0x0  }
0x4d: {  	[sflag:s28] =	ssyncadd.s32 $0xFFFFC180  }
0x4e: {  	p0 =	sne.s32 s16, $0x6;
	_ =	swait.ge [sflag:s29], $0x3E80  }
0x4f: {  	s30 =	simm.s32 @p0 $0x7D;
	s7 =	simm.s32 $0x100;
	[sflag:s29] =	ssyncset.done $0x0  }
0x50: {  	s31 =	simm.s32 @p0 $0x800;
	s0 =	sand.u32 @p0 $0x300, s7;
	[sflag:s29] =	ssyncadd.s32 $0xFFFFC180  }
0x51: {  	[tilespmem:s31], [sflag:$0x1] =	stream.indirect.gather @p0 [hbm4b:s1+s30], $0x80, s0, s30, $0xb8;
	[tilespmem:$0x1C800] =	vst v63  }
0x52: {  	s8 =	simm.s32 @p0 $0x4;
	s0 =	sor.u32 @p0 $0x400, s22;
	s31 =	simm.s32 @p0 $0x4800  }
0x53: {  	[spmem:s2] =	stream.indirect.scatter.add.f32 @p0 [tilespmem:s31], [sflag:$0x4], $0x80, s0, s30, $0xb8;
	[tilespmem:$0x1C800] =	vst v63  }
0x54: {  	_ =	swait.ge @p0 [sflag:s8], $0x3E80  }
0x55: {  	[sflag:s8] =	ssyncset.done @p0 $0x0  }
0x56: {  	s0 =	simm.s32 @!p0 $0x0;
	[sflag:s8] =	ssyncadd.s32 @p0 $0xFFFFC180;
	s8 =	simm.s32 @!p0 $0x4  }
0x57: {  	[tilespmem:s0], [sflag:$0x4] =	stream.linear.gather @!p0 [hbm4b:s12+s0], $0x400, $0x38;
	[tilespmem:$0x1C800] =	vst v63  }
0x58: {  	_ =	swait.ge @!p0 [sflag:s8], $0x400  }
0x59: {  	s7 =	sand.u32 @!p0 $0x300, s7;
	[sflag:s8] =	ssyncset.done @!p0 $0x0  }
0x5a: {  	s30 =	simm.s32 @!p0 $0x800;
	s31 =	simm.s32 @!p0 $0x7D;
	[sflag:s8] =	ssyncadd.s32 @!p0 $0xFFFFFC00  }
0x5b: {  	[tilespmem:s30], [sflag:$0x1] =	stream.indirect.gather @!p0 [hbm4b:s1+s31], $0x80, s7, s31, $0xb8;
	[tilespmem:$0x1C800] =	vst v63  }
0x5c: {  	s7 =	sor.u32 @!p0 $0x400, s22;
	s22 =	simm.s32 @!p0 $0x4800  }
0x5d: {  	[spmem:s2] =	stream.indirect.scatter.add.f32 @!p0 [tilespmem:s22], [sflag:$0x4], $0x80, s7, s31, $0xb8;
	[tilespmem:$0x1C800] =	vst v63  }
0x5e: {  	_ =	swait.ge @!p0 [sflag:s8], $0x3E80  }
0x5f: {  	s30 =	sadd.s32 $0x20, s11;
	s22 =	simm.s32 @!p0 $0x400;
	[sflag:s8] =	ssyncset.done @!p0 $0x0  }
0x60: {  	s7 =	simm.s32 @!p0 $0x3;
	s31 =	sadd.s32 $0x20, s12;
	[sflag:s8] =	ssyncadd.s32 @!p0 $0xFFFFC180  }
0x61: {  	[tilespmem:s22], [sflag:$0x3] =	stream.linear.gather @!p0 [hbm4b:s11+s0], $0x400, $0x38;
	[tilespmem:$0x1C800] =	vst v63  }
0x62: {  	s22 =	simm.s32 $0x200;
	s0 =	simm.s32 $0x0;
	_ =	swait.ge @!p0 [sflag:s7], $0x400  }
.LBB2_2:
0x63: {  	[sflag:s7] =	ssyncset.done @!p0 $0x0  }
0x64: {  	s0 =	sadd.s32 $0x2, s0;
	s8 =	smov.u32 s22;
	s22 =	sadd.s32 $0x100, s22  }
0x65: {  	s9 =	sand.u32 $0x6, s0;
	p1 =	sne.s32 s22, $0x2800;
	[sflag:s7] =	ssyncadd.s32 @!p0 $0xFFFFFC00  }
0x66: {  	_ =	swait.ge [sflag:s25], $0x3E80;
	s7 =	sshll.u32 s9, $0x7  }
0x67: {  	[sflag:s25] =	ssyncset.done $0x0;
	s10 =	sor.u32 $0x80, s7  }
0x68: {  	[sflag:s25] =	ssyncadd.s32 $0xFFFFC180  }
0x69: {  	[tilespmem:s26], [sflag:$0x2] =	stream.indirect.gather [hbm4b:s1+s23], $0x80, s10, s23, $0xb8;
	[tilespmem:$0x1C800] =	vst v63  }
0x6a: {  	s7 =	sor.u32 $0x400, s7  }
0x6b: {  	[spmem:s2] =	stream.indirect.scatter.add.f32 [tilespmem:s24], [sflag:$0x4], $0x80, s7, s23, $0xb8;
	[tilespmem:$0x1C800] =	vst v63  }
0x6c: {  	_ =	swait.ge [sflag:s28], $0x3E80  }
0x6d: {  	[sflag:s28] =	ssyncset.done $0x0  }
0x6e: {  	[sflag:s28] =	ssyncadd.s32 $0xFFFFC180  }
0x6f: {  	p0 =	sne.s32 s9, $0x6;
	_ =	swait.ge [sflag:s29], $0x3E80  }
0x70: {  	s9 =	simm.s32 @p0 $0x7D;
	s7 =	sand.u32 @p0 $0x300, s8;
	[sflag:s29] =	ssyncset.done $0x0  }
0x71: {  	s15 =	simm.s32 @p0 $0x800;
	s16 =	sor.u32 @p0 $0x400, s10;
	[sflag:s29] =	ssyncadd.s32 $0xFFFFC180  }
0x72: {  	[tilespmem:s15], [sflag:$0x1] =	stream.indirect.gather @p0 [hbm4b:s1+s9], $0x80, s7, s9, $0xb8;
	[tilespmem:$0x1C800] =	vst v63  }
0x73: {  	s10 =	sor.u32 @!p0 $0x400, s10;
	s7 =	simm.s32 @p0 $0x4800;
	s15 =	simm.s32 @p0 $0x4  }
0x74: {  	[spmem:s2] =	stream.indirect.scatter.add.f32 @p0 [tilespmem:s7], [sflag:$0x4], $0x80, s16, s9, $0xb8;
	[tilespmem:$0x1C800] =	vst v63  }
0x75: {  	_ =	swait.ge @p0 [sflag:s15], $0x3E80  }
0x76: {  	s9 =	simm.s32 @!p0 $0x0;
	[sflag:s15] =	ssyncset.done @p0 $0x0  }
0x77: {  	s7 =	simm.s32 @!p0 $0x4;
	[sflag:s15] =	ssyncadd.s32 @p0 $0xFFFFC180  }
0x78: {  	[tilespmem:s9], [sflag:$0x4] =	stream.linear.gather @!p0 [hbm4b:s31+s9], $0x400, $0x38;
	[tilespmem:$0x1C800] =	vst v63  }
0x79: {  	s15 =	simm.s32 @!p0 $0x800;
	_ =	swait.ge @!p0 [sflag:s7], $0x400  }
0x7a: {  	s8 =	sand.u32 @!p0 $0x300, s8;
	s16 =	simm.s32 @!p0 $0x7D;
	[sflag:s7] =	ssyncset.done @!p0 $0x0  }
0x7b: {  	s17 =	simm.s32 @!p0 $0x4800;
	[sflag:s7] =	ssyncadd.s32 @!p0 $0xFFFFFC00  }
0x7c: {  	[tilespmem:s15], [sflag:$0x1] =	stream.indirect.gather @!p0 [hbm4b:s1+s16], $0x80, s8, s16, $0xb8;
	[tilespmem:$0x1C800] =	vst v63  }
0x7d: {  	_ = 	snop  }
0x7e: {  	[spmem:s2] =	stream.indirect.scatter.add.f32 @!p0 [tilespmem:s17], [sflag:$0x4], $0x80, s10, s16, $0xb8;
	[tilespmem:$0x1C800] =	vst v63  }
.Ltmp0:
0x7f: {  	_ =	swait.ge @!p0 [sflag:s7], $0x3E80;
	(pc) =	sbr.rel @p1 .LBB2_2-.Ltmp0, $4  }
0x80: {  	s8 =	simm.s32 @!p0 $0x400;
	[sflag:s7] =	ssyncset.done @!p0 $0x0  }
0x81: {  	[sflag:s7] =	ssyncadd.s32 @!p0 $0xFFFFC180;
	s7 =	simm.s32 @!p0 $0x3  }
0x82: {  	[tilespmem:s8], [sflag:$0x3] =	stream.linear.gather @!p0 [hbm4b:s30+s9], $0x400, $0x38;
	[tilespmem:$0x1C800] =	vst v63  }
0x83: {  	s31 =	sadd.s32 $0x20, s31;
	s30 =	sadd.s32 $0x20, s30;
	_ =	swait.ge @!p0 [sflag:s7], $0x400  }
0x84: {  	[sflag:s7] =	ssyncset.done @!p0 $0x0  }
0x85: {  	[sflag:s7] =	ssyncadd.s32 @!p0 $0xFFFFFC00  }
0x86: {  	_ =	swait.ge [sflag:s25], $0x3E80  }
0x87: {  	[sflag:s25] =	ssyncset.done $0x0  }
0x88: {  	s0 =	simm.s32 $0x380;
	[sflag:s25] =	ssyncadd.s32 $0xFFFFC180  }
0x89: {  	[tilespmem:s26], [sflag:$0x2] =	stream.indirect.gather [hbm4b:s1+s23], $0x80, s0, s23, $0xb8;
	[tilespmem:$0x1C800] =	vst v63  }
0x8a: {  	s17 =	simm.s32 $0x700  }
0x8b: {  	[spmem:s2] =	stream.indirect.scatter.add.f32 [tilespmem:s24], [sflag:$0x4], $0x80, s17, s23, $0xb8;
	[tilespmem:$0x1C800] =	vst v63  }
0x8c: {  	_ =	swait.ge [sflag:s28], $0x3E80  }
0x8d: {  	[sflag:s28] =	ssyncset.done $0x0  }
0x8e: {  	[sflag:s28] =	ssyncadd.s32 $0xFFFFC180  }
0x8f: {  	_ =	swait.ge [sflag:s29], $0x3E80  }
0x90: {  	[sflag:s29] =	ssyncset.done $0x0  }
0x91: {  	s22 =	simm.s32 $0x780;
	[sflag:s29] =	ssyncadd.s32 $0xFFFFC180  }
0x92: {  	[spmem:s2] =	stream.indirect.scatter.add.f32 [tilespmem:s26], [sflag:$0x4], $0x80, s22, s23, $0xb8;
	[tilespmem:$0x1C800] =	vst v63  }
0x93: {  	_ =	swait.ge [sflag:s28], $0x3E80  }
0x94: {  	[sflag:s28] =	ssyncset.done $0x0  }
0x95: {  	[sflag:s28] =	ssyncadd.s32 $0xFFFFC180  }
0x96: {  	[bflag:$0x0] =	sbarrier.arrive $0xFFFF  }
0x97: {  	s30 =	rddreg [dreg:$0x6]  }
0x98: {  	[hbm:s30], [sflag:s6] =	dma.local [spmem:s13], $0x2800  }
0x99: {  	_ =	swait.ge [sflag:s14], $0x2800  }
0x9a: {  	s4 =	sadd.s32 $0x1, s4;
	s31 =	rddreg [dreg:$0x7]  }
0x9b: {  	p0 =	sne.s32 s4, s31  }
.Ltmp1:
0x9c: {  	_ = 	snop;
	(pc) =	sbr.rel @p0 .LBB2_1-.Ltmp1, $3  }
0x9d: {  	_ =	sdelay $0x1  }
0x9e: {  	[sflag:s14] =	ssyncset.done $0x0  }
0x9f: {  	[sflag:s14] =	ssyncadd.s32 $0xFFFFD800  }
0xa0: {  	_ =	sfence.sel $0x180000  }
0xa1: {  	[bflag:$0x0] =	sbarrier.arrive $0xFFFF  }
0xa2: {  	_ =	strace $0x90000053  }
0xa3: {  	s0 =	stileid.u32;
	[bflag:$0x2] =	sbarrier.arrive $0xFFFF  }
0xa4: {  	p0 =	sne.s32 s0, $0x0;
	s0 =	rddreg [dreg:$0x3]  }
0xa5: {  	s0 =	sadd.s32 @!p0 $0x100000, s0  }
0xa6: {  	[sflag:s0] =	ssyncadd.tile.s32 @!p0 $0x1;
	_ =	shalt  }
.Lfunc_end2:
_tile_overlayer_lowered:
.L_overlay_start_2:
0xa7: {  	(tag) =	ssettag $0x2  }
0xa8: {  	s0 =	rddreg [dreg:$0x0];
	s2 =	stileid.u32  }
0xa9: {  	s1 =	rddreg [dreg:$0x1];
	p0 =	sne.s32 s2, $0x0  }
0xaa: {  	s3 =	rddreg [dreg:$0x2];
	[bflag:$0x3] =	sbarrier.arrive $0xFFFF;
	s2 =	simm.s32 @!p0 $0x1C03  }
0xab: {  	[timem:s3], [sflag:s2] =	dma.local @!p0 [hbm:s0], s1  }
0xac: {  	s0 =	simm.s32 @!p0 $0x3  }
0xad: {  	_ =	swait.ge @!p0 [sflag:s0], s1  }
0xae: {  	s1 =	ssub.s32 @!p0 $0x0, s1;
	[sflag:s0] =	ssyncset.done @!p0 $0x0  }
0xaf: {  	[sflag:s0] =	ssyncadd.s32 @!p0 s1  }
0xb0: {  	[bflag:$0x3] =	sbarrier.arrive $0xFFFF  }
0xb1: {  	_ =	shalt  }

</sc_bundles>
